<compile_context>
chip_gen: v7x
topology: tpu7x:2x2x1
jax: 0.10.2.dev20260603
libtpu: 0.0.44.dev20260713+nightly
codegen_flags: <defaults>
</compile_context>

<pallas_src>
import functools

import jax
import jax.numpy as jnp
from jax import lax
from jax.experimental import pallas as pl
from jax.experimental.pallas import tpu as pltpu
from jax.experimental.pallas import tpu_sc as plsc

_B = 128
_S = 128
_N0, _N1, _N2, _N3 = 2048, 1024, 512, 256
_C0, _C1, _C2, _C3, _C4 = 64, 128, 128, 256, 256
_M = _B * _S
_EPS = 1e-5
_NC, _NS = 2, 16
_NW = _NC * _NS
_BPW = _B // _NW
_ABLK = 16
_BLK = 2048
_CH = 64

_SC_PARAMS = pltpu.CompilerParams(needs_layout_passes=False)


def _sc_mesh():
    return plsc.VectorSubcoreMesh(
        core_axis_name="c", subcore_axis_name="s",
        num_cores=_NC, num_subcores=_NS)


def _sc_chain():
    @functools.partial(
        pl.kernel,
        mesh=_sc_mesh(),
        compiler_params=_SC_PARAMS,
        out_type=(
            jax.ShapeDtypeStruct((_B, _S), jnp.int32),
            jax.ShapeDtypeStruct((_B, _S), jnp.int32),
            jax.ShapeDtypeStruct((_B, _S), jnp.int32),
            jax.ShapeDtypeStruct((_B, _S), jnp.int32),
        ),
        scratch_types=[
            pltpu.VMEM((_BPW, _N1), jnp.int32),
            pltpu.VMEM((_BPW, _N2), jnp.int32),
            pltpu.VMEM((_BPW, _N3), jnp.int32),
            pltpu.VMEM((_BPW, _S), jnp.int32),
            pltpu.VMEM((_BPW, _S), jnp.int32),
            pltpu.VMEM((_BPW, _S), jnp.int32),
            pltpu.VMEM((_BPW, _S), jnp.int32),
            pltpu.VMEM((_BPW, _S), jnp.int32),
        ],
    )
    def body(fps0, fps1, fps2, fps3,
             i04, o1, o2, o3,
             t0, t1, t2, t3, li0, gi1, gi2, gi3):
        wid = lax.axis_index("s") * _NC + lax.axis_index("c")
        b0 = wid * _BPW
        rows = pl.ds(b0, _BPW)
        pltpu.sync_copy(fps0.at[rows], t0)
        pltpu.sync_copy(fps1.at[rows], t1)
        pltpu.sync_copy(fps2.at[rows], t2)
        pltpu.sync_copy(fps3.at[rows], t3)

        for j in range(_BPW):
            jv = jnp.full((16,), j, jnp.int32)

            def chain(i, c, j=j, jv=jv):
                s = pl.ds(i * 16, 16)
                v3 = t3[j, s]
                v2 = plsc.load_gather(t2, [jv, v3])
                v1 = plsc.load_gather(t1, [jv, v2])
                v0 = plsc.load_gather(t0, [jv, v1])
                li0[j, s] = v0
                gi3[j, s] = v3 + (b0 + j) * _N3
                gi2[j, s] = v2 + (b0 + j) * _N2
                gi1[j, s] = v1 + (b0 + j) * _N1
                return c

            lax.fori_loop(0, _S // 16, chain, jnp.int32(0))

        pltpu.sync_copy(li0, i04.at[rows])
        pltpu.sync_copy(gi1, o1.at[rows])
        pltpu.sync_copy(gi2, o2.at[rows])
        pltpu.sync_copy(gi3, o3.at[rows])

    return body


def _sc_gather():
    @functools.partial(
        pl.kernel,
        mesh=_sc_mesh(),
        compiler_params=_SC_PARAMS,
        out_type=(
            jax.ShapeDtypeStruct((_M, _C1), jnp.float32),
            jax.ShapeDtypeStruct((_M, _C2), jnp.float32),
            jax.ShapeDtypeStruct((_M, _C3), jnp.float32),
        ),
        scratch_types=[
            pltpu.VMEM((_BPW, _S), jnp.int32),
            pltpu.VMEM((_BPW, _S), jnp.int32),
            pltpu.VMEM((_BPW, _S), jnp.int32),
            pltpu.VMEM((_CH, _C1), jnp.float32),
            pltpu.VMEM((_CH, _C2), jnp.float32),
            pltpu.VMEM((_CH, _C3), jnp.float32),
            pltpu.VMEM((_CH, _C1), jnp.float32),
            pltpu.VMEM((_CH, _C2), jnp.float32),
            pltpu.VMEM((_CH, _C3), jnp.float32),
            pltpu.SemaphoreType.DMA,
            pltpu.SemaphoreType.DMA,
            pltpu.SemaphoreType.DMA,
            pltpu.SemaphoreType.DMA,
        ],
    )
    def body(o1, o2, o3, f1, f2, f3,
             g1, g2, g3,
             i1b, i2b, i3b, r1a, r2a, r3a, r1b, r2b, r3b,
             gsa, gsb, wsa, wsb):
        wid = lax.axis_index("s") * _NC + lax.axis_index("c")
        b0 = wid * _BPW
        rows = pl.ds(b0, _BPW)
        pltpu.sync_copy(o1.at[rows], i1b)
        pltpu.sync_copy(o2.at[rows], i2b)
        pltpu.sync_copy(o3.at[rows], i3b)

        bufs = ((r1a, r2a, r3a), (r1b, r2b, r3b))
        gsems = (gsa, gsb)
        wsems = (wsa, wsb)
        nch = _BPW * _S // _CH

        def start_g(c):
            s = c % 2
            bj, h = divmod(c * _CH, _S)
            idx = (i1b.at[bj, pl.ds(h, _CH)], i2b.at[bj, pl.ds(h, _CH)],
                   i3b.at[bj, pl.ds(h, _CH)])
            return tuple(
                pltpu.async_copy(f.at[ix], buf, gsems[s])
                for f, ix, buf in zip((f1, f2, f3), idx, bufs[s]))

        def start_w(c):
            s = c % 2
            row = b0 * _S + c * _CH
            return tuple(
                pltpu.async_copy(buf, g.at[pl.ds(row, _CH)], wsems[s])
                for g, buf in zip((g1, g2, g3), bufs[s]))

        pg = {0: start_g(0)}
        pw = {}
        for c in range(1, nch + 1):
            if c <= nch - 1:
                if c >= 2:
                    for w in pw.pop(c - 2):
                        w.wait()
                pg[c] = start_g(c)
            for g in pg.pop(c - 1):
                g.wait()
            pw[c - 1] = start_w(c - 1)
        for w in pw[nch - 2]:
            w.wait()
        for w in pw[nch - 1]:
            w.wait()

    return body


def _mm(x, w):
    return lax.dot_general(x, w, (((1,), (1,)), ((), ())),
                           preferred_element_type=jnp.float32)


def _a0_body(i04b, f0tb, w04, b04, g0o, st0):
    i = pl.program_id(0)

    @pl.when(i == 0)
    def _init():
        st0[...] = jnp.zeros_like(st0)

    idx = i04b[...]
    f0t = f0tb[...].astype(jnp.bfloat16)
    parts = []
    for j in range(_ABLK):
        row = idx[j:j + 1, :]
        n_iota = lax.broadcasted_iota(jnp.int32, (_N0, _S), 0)
        oh = (n_iota == row).astype(jnp.bfloat16)
        parts.append(lax.dot_general(
            oh, f0t[j], (((0,), (1,)), ((), ())),
            preferred_element_type=jnp.float32))
    g0 = jnp.concatenate(parts, axis=0)
    g0o[...] = g0
    z = _mm(g0, w04[...]) + b04[...]
    st0[0:1, :] += jnp.sum(z, axis=0, keepdims=True)
    st0[1:2, :] += jnp.sum(z * z, axis=0, keepdims=True)


def _norm_leaky(z, sm, sq):
    mu = sm * (1.0 / _M)
    ex2 = sq * (1.0 / _M)
    rs = lax.rsqrt(ex2 - mu * mu + _EPS)
    y = (z - mu) * rs
    return jnp.where(y > 0, y, 0.2 * y)


def _dense_body(st0, g0b, g1b, g2b, g3b, f4b,
                w04, w14, w24, w34, b04, b14, b24, b34, w4, b4,
                ob,
                sg1, sg2, sg3, sf4, sz5, st, st5, stage, sem):
    p = pl.program_id(0)
    i = pl.program_id(1)
    r = pl.ds(i * _BLK, _BLK)

    @pl.when((p == 0) & (i == 0))
    def _init():
        st[...] = jnp.zeros_like(st)
        st5[...] = jnp.zeros_like(st5)

    @pl.when(p == 0)
    def _phase0():
        for k, (gv, sg, w, bb) in enumerate(
                ((g1b[...], sg1, w14, b14),
                 (g2b[...], sg2, w24, b24), (g3b[...], sg3, w34, b34))):
            sg[r, :] = gv.astype(jnp.bfloat16)
            z = _mm(gv, w[...]) + bb[...]
            st[k:k + 1, :] += jnp.sum(z, axis=0, keepdims=True)
            st[k + 3:k + 4, :] += jnp.sum(z * z, axis=0, keepdims=True)

    @pl.when(p == 1)
    def _phase1():
        st0v = st0[...]
        stv = st[...]
        f4v = f4b[...]
        sf4[r, :] = f4v.astype(jnp.bfloat16)
        acc = f4v
        branches = ((g0b[...].astype(jnp.bfloat16), w04, b04,
                     st0v[0:1, :], st0v[1:2, :]),
                    (sg1[r, :], w14, b14,
                     stv[0:1, :], stv[3:4, :]),
                    (sg2[r, :], w24, b24,
                     stv[1:2, :], stv[4:5, :]),
                    (sg3[r, :], w34, b34,
                     stv[2:3, :], stv[5:6, :]))
        for gv, w, bb, sm, sq in branches:
            z = _mm(gv, w[...].astype(jnp.bfloat16)) + bb[...]
            acc = acc + _norm_leaky(z, sm, sq)
        z = _mm(acc.astype(jnp.bfloat16), w4[...].astype(jnp.bfloat16))
        z = z + b4[...]
        sz5[r, :] = z.astype(jnp.bfloat16)
        st5[0:1, :] += jnp.sum(z, axis=0, keepdims=True)
        st5[1:2, :] += jnp.sum(z * z, axis=0, keepdims=True)

    @pl.when(p == 2)
    def _phase2():
        stv = st5[...]
        stage[...] = (_norm_leaky(sz5[r, :].astype(jnp.float32),
                                  stv[0:1, :], stv[1:2, :])
                      + sf4[r, :].astype(jnp.float32))
        pltpu.async_copy(stage, ob.at[r, :], sem).wait()


def _rows(c, blk=_BLK):
    return pl.BlockSpec((blk, c), lambda i: (i, 0))


def _rep(shape):
    return pl.BlockSpec(shape, lambda i: tuple(0 for _ in shape))


_ARB = pltpu.CompilerParams(dimension_semantics=("arbitrary",))


def kernel(num_point, f0, f1, f2, f3, f4, FPS_0, FPS_1, FPS_2, FPS_3,
           W04, b04, W14, b14, W24, b24, W34, b34, W4, b4):
    i04, o1, o2, o3 = _sc_chain()(FPS_0, FPS_1, FPS_2, FPS_3)
    g1, g2, g3 = _sc_gather()(
        o1, o2, o3,
        f1.reshape(_B * _N1, _C1),
        f2.reshape(_B * _N2, _C2), f3.reshape(_B * _N3, _C3))

    b04r, b14r = b04.reshape(1, _C4), b14.reshape(1, _C4)
    b24r, b34r = b24.reshape(1, _C4), b34.reshape(1, _C4)
    b4r = b4.reshape(1, _C4)
    f4f = f4.reshape(_M, _C4)
    f0t = jnp.transpose(f0, (0, 2, 1))
    arows = _ABLK * _S

    g0, st0 = pl.pallas_call(
        _a0_body,
        grid=(_B // _ABLK,),
        in_specs=[_rows(_S, _ABLK),
                  pl.BlockSpec((_ABLK, _C0, _N0), lambda i: (i, 0, 0)),
                  _rep((_C4, _C0)), _rep((1, _C4))],
        out_specs=(_rows(_C0, arows), _rep((2, _C4))),
        out_shape=(jax.ShapeDtypeStruct((_M, _C0), jnp.float32),
                   jax.ShapeDtypeStruct((2, _C4), jnp.float32)),
        compiler_params=pltpu.CompilerParams(
            dimension_semantics=("arbitrary",),
            vmem_limit_bytes=100 * 1024 * 1024),
    )(i04, f0t, W04, b04r)

    def _prow(c, cond):
        return pl.BlockSpec(
            (_BLK, c), lambda p, i: (jnp.where(cond(p), i, 0), 0))

    def _prep(shape):
        return pl.BlockSpec(shape, lambda p, i: tuple(0 for _ in shape))

    out = pl.pallas_call(
        _dense_body,
        grid=(3, _M // _BLK),
        in_specs=[_prep((2, _C4)),
                  _prow(_C0, lambda p: p == 1),
                  _prow(_C1, lambda p: p == 0),
                  _prow(_C2, lambda p: p == 0),
                  _prow(_C3, lambda p: p == 0),
                  _prow(_C4, lambda p: p == 1),
                  _prep((_C4, _C0)), _prep((_C4, _C1)),
                  _prep((_C4, _C2)), _prep((_C4, _C3)),
                  _prep((1, _C4)), _prep((1, _C4)),
                  _prep((1, _C4)), _prep((1, _C4)),
                  _prep((_C4, _C4)), _prep((1, _C4))],
        out_specs=pl.BlockSpec(memory_space=pl.ANY),
        out_shape=jax.ShapeDtypeStruct((_M, _C4), jnp.float32),
        scratch_shapes=[
            pltpu.VMEM((_M, _C1), jnp.bfloat16),
            pltpu.VMEM((_M, _C2), jnp.bfloat16),
            pltpu.VMEM((_M, _C3), jnp.bfloat16),
            pltpu.VMEM((_M, _C4), jnp.bfloat16),
            pltpu.VMEM((_M, _C4), jnp.bfloat16),
            pltpu.VMEM((6, _C4), jnp.float32),
            pltpu.VMEM((2, _C4), jnp.float32),
            pltpu.VMEM((_BLK, _C4), jnp.float32),
            pltpu.SemaphoreType.DMA,
        ],
        compiler_params=pltpu.CompilerParams(
            dimension_semantics=("arbitrary", "arbitrary"),
            vmem_limit_bytes=120 * 1024 * 1024),
    )(st0, g0, g1, g2, g3, f4f, W04, W14, W24, W34,
      b04r, b14r, b24r, b34r, W4, b4r)

    return out.reshape(_B, _S, _C4)

# --- scband reference (transcript-rebuilt; emitter-appended) ---
"""Pipeline reference for scband-keep-high-resolution-module-part-seg-75136157876259 (READ-ONLY COPY).

The authoritative reference and input builder live on the scoring server;
editing this copy changes nothing except your own understanding.
"""

import jax, jax.numpy as jnp
import numpy as np

B = 128
N0, N1, N2, N3, N4 = 2048, 1024, 512, 256, 128
C0, C1, C2, C3, C4 = 64, 128, 128, 256, 256


def index_points(points, idx):
    # points: [B, N, C], idx: [B, S] -> [B, S, C]
    return jnp.take_along_axis(points, idx[..., None], axis=1)


def lin(x, W, b):
    # nn.Linear -> BatchNorm1d (train-mode batch stats, affine=identity) -> LeakyReLU(0.2)
    out = x @ W.T + b
    mean = jnp.mean(out, axis=(0, 1))
    var = jnp.var(out, axis=(0, 1))
    out = (out - mean) / jnp.sqrt(var + 1e-5)
    return jnp.where(out > 0, out, 0.2 * out)


def setup_inputs(seed: int = 0) -> dict:
    key = jax.random.key(seed)
    ks = jax.random.split(key, 24)
    inp = {}
    inp["num_point"] = 128
    inp["f0"] = jax.random.normal(ks[0], (B, N0, C0), jnp.float32)
    inp["f1"] = jax.random.normal(ks[1], (B, N1, C1), jnp.float32)
    inp["f2"] = jax.random.normal(ks[2], (B, N2, C2), jnp.float32)
    inp["f3"] = jax.random.normal(ks[3], (B, N3, C3), jnp.float32)
    inp["f4"] = jax.random.normal(ks[4], (B, N4, C4), jnp.float32)
    inp["FPS_0"] = jax.random.randint(ks[5], (B, N1), 0, N0, jnp.int32)
    inp["FPS_1"] = jax.random.randint(ks[6], (B, N2), 0, N1, jnp.int32)
    inp["FPS_2"] = jax.random.randint(ks[7], (B, N3), 0, N2, jnp.int32)
    inp["FPS_3"] = jax.random.randint(ks[8], (B, N4), 0, N3, jnp.int32)
    inp["W04"] = jax.random.normal(ks[9], (C4, C0), jnp.float32) / np.sqrt(C0)
    inp["b04"] = jnp.zeros((C4,), jnp.float32)
    inp["W14"] = jax.random.normal(ks[10], (C4, C1), jnp.float32) / np.sqrt(C1)
    inp["b14"] = jnp.zeros((C4,), jnp.float32)
    inp["W24"] = jax.random.normal(ks[11], (C4, C2), jnp.float32) / np.sqrt(C2)
    inp["b24"] = jnp.zeros((C4,), jnp.float32)
    inp["W34"] = jax.random.normal(ks[12], (C4, C3), jnp.float32) / np.sqrt(C3)
    inp["b34"] = jnp.zeros((C4,), jnp.float32)
    inp["W4"] = jax.random.normal(ks[13], (C4, C4), jnp.float32) / np.sqrt(C4)
    inp["b4"] = jnp.zeros((C4,), jnp.float32)
    return inp


def reference(num_point, f0, f1, f2, f3, f4, FPS_0, FPS_1, FPS_2, FPS_3,
              W04, b04, W14, b14, W24, b24, W34, b34, W4, b4):
    # num_point == 128 branch of Fuse.forward
    idx24 = jnp.take_along_axis(FPS_2, FPS_3, axis=1)
    idx14 = jnp.take_along_axis(FPS_1, idx24, axis=1)
    idx04 = jnp.take_along_axis(FPS_0, idx14, axis=1)
    f04 = lin(index_points(f0, idx04), W04, b04)
    f14 = lin(index_points(f1, idx14), W14, b14)
    f24 = lin(index_points(f2, idx24), W24, b24)
    f34 = lin(index_points(f3, FPS_3), W34, b34)
    f4_out = lin(f4 + f04 + f14 + f24 + f34, W4, b4) + f4
    return f4_out

if __name__ == "__main__":
    import jax
    _d = setup_inputs()
    print(jax.jit(kernel)(*tuple(_d.values())))

</pallas_src>

<mosaic_0001>
#map = affine_map<(d0, d1) -> (0, 0)>
module attributes {stable_mosaic.version = 14 : i64} {
  func.func @body(%arg0: i32, %arg1: i32, %arg2: memref<128x1024xi32, #tpu.memory_space<hbm>>, %arg3: memref<128x512xi32, #tpu.memory_space<hbm>>, %arg4: memref<128x256xi32, #tpu.memory_space<hbm>>, %arg5: memref<128x128xi32, #tpu.memory_space<hbm>>, %arg6: memref<128x128xi32, #tpu.memory_space<hbm>>, %arg7: memref<128x128xi32, #tpu.memory_space<hbm>>, %arg8: memref<128x128xi32, #tpu.memory_space<hbm>>, %arg9: memref<128x128xi32, #tpu.memory_space<hbm>>, %arg10: memref<4x1024xi32, #tpu.memory_space<vmem>>, %arg11: memref<4x512xi32, #tpu.memory_space<vmem>>, %arg12: memref<4x256xi32, #tpu.memory_space<vmem>>, %arg13: memref<4x128xi32, #tpu.memory_space<vmem>>, %arg14: memref<4x128xi32, #tpu.memory_space<vmem>>, %arg15: memref<4x128xi32, #tpu.memory_space<vmem>>, %arg16: memref<4x128xi32, #tpu.memory_space<vmem>>, %arg17: memref<4x128xi32, #tpu.memory_space<vmem>>) attributes {dimension_semantics = [#tpu.dimension_semantics<core_parallel>, #tpu.dimension_semantics<subcore_parallel>], iteration_bounds = array<i64: 2, 16>, scalar_prefetch = 0 : i64, scratch_operands = 8 : i64, tpu.core_type = #tpu.core_type<sc_vector_subcore>, window_params = [{transform_indices = #map}, {transform_indices = #map}, {transform_indices = #map}, {transform_indices = #map}, {transform_indices = #map}, {transform_indices = #map}, {transform_indices = #map}, {transform_indices = #map}]} {
    %mul3A = arith.constant 2 : i32
    %mul3A_0 = arith.muli %arg1, %mul3A : i32
    %add3A = arith.addi %mul3A_0, %arg0 : i32
    %mul3A_1 = arith.constant 4 : i32
    %mul3A_2 = arith.muli %add3A, %mul3A_1 : i32
    "tpu.region"() ({
      %run_scoped3A = tpu.sem_alloc : memref<!tpu.dma_semaphore, #tpu.memory_space<semaphore_mem>>
      %dma_start3A = arith.constant 0 : i32
      %dma_start3A_33 = tpu.memref_slice %arg2[%mul3A_2, %dma_start3A] : memref<128x1024xi32, #tpu.memory_space<hbm>> -> memref<4x1024xi32, #tpu.memory_space<hbm>>
      %dma_start3A_34 = arith.constant 0 : i32
      %dma_start3A_35 = tpu.memref_slice %arg2[%mul3A_2, %dma_start3A_34] : memref<128x1024xi32, #tpu.memory_space<hbm>> -> memref<4x1024xi32, #tpu.memory_space<hbm>>
      tpu.enqueue_dma source(%dma_start3A_35 : memref<4x1024xi32, #tpu.memory_space<hbm>>) target(%arg10 : memref<4x1024xi32, #tpu.memory_space<vmem>>) target_semaphore(%run_scoped3A : memref<!tpu.dma_semaphore, #tpu.memory_space<semaphore_mem>>)
      %dma_wait3A = arith.constant 0 : i32
      %dma_wait3A_36 = tpu.memref_slice %arg2[%mul3A_2, %dma_wait3A] : memref<128x1024xi32, #tpu.memory_space<hbm>> -> memref<4x1024xi32, #tpu.memory_space<hbm>>
      %dma_wait3A_37 = arith.constant 0 : i32
      %dma_wait3A_38 = tpu.memref_slice %arg2[%mul3A_2, %dma_wait3A_37] : memref<128x1024xi32, #tpu.memory_space<hbm>> -> memref<4x1024xi32, #tpu.memory_space<hbm>>
      tpu.wait_dma2 semaphore(%run_scoped3A : memref<!tpu.dma_semaphore, #tpu.memory_space<semaphore_mem>>) src(%dma_wait3A_38 : memref<4x1024xi32, #tpu.memory_space<hbm>>) dst(%arg10 : memref<4x1024xi32, #tpu.memory_space<vmem>>)
      tpu.yield
    }) : () -> ()
    "tpu.region"() ({
      %run_scoped3A = tpu.sem_alloc : memref<!tpu.dma_semaphore, #tpu.memory_space<semaphore_mem>>
      %dma_start3A = arith.constant 0 : i32
      %dma_start3A_33 = tpu.memref_slice %arg3[%mul3A_2, %dma_start3A] : memref<128x512xi32, #tpu.memory_space<hbm>> -> memref<4x512xi32, #tpu.memory_space<hbm>>
      %dma_start3A_34 = arith.constant 0 : i32
      %dma_start3A_35 = tpu.memref_slice %arg3[%mul3A_2, %dma_start3A_34] : memref<128x512xi32, #tpu.memory_space<hbm>> -> memref<4x512xi32, #tpu.memory_space<hbm>>
      tpu.enqueue_dma source(%dma_start3A_35 : memref<4x512xi32, #tpu.memory_space<hbm>>) target(%arg11 : memref<4x512xi32, #tpu.memory_space<vmem>>) target_semaphore(%run_scoped3A : memref<!tpu.dma_semaphore, #tpu.memory_space<semaphore_mem>>)
      %dma_wait3A = arith.constant 0 : i32
      %dma_wait3A_36 = tpu.memref_slice %arg3[%mul3A_2, %dma_wait3A] : memref<128x512xi32, #tpu.memory_space<hbm>> -> memref<4x512xi32, #tpu.memory_space<hbm>>
      %dma_wait3A_37 = arith.constant 0 : i32
      %dma_wait3A_38 = tpu.memref_slice %arg3[%mul3A_2, %dma_wait3A_37] : memref<128x512xi32, #tpu.memory_space<hbm>> -> memref<4x512xi32, #tpu.memory_space<hbm>>
      tpu.wait_dma2 semaphore(%run_scoped3A : memref<!tpu.dma_semaphore, #tpu.memory_space<semaphore_mem>>) src(%dma_wait3A_38 : memref<4x512xi32, #tpu.memory_space<hbm>>) dst(%arg11 : memref<4x512xi32, #tpu.memory_space<vmem>>)
      tpu.yield
    }) : () -> ()
    "tpu.region"() ({
      %run_scoped3A = tpu.sem_alloc : memref<!tpu.dma_semaphore, #tpu.memory_space<semaphore_mem>>
      %dma_start3A = arith.constant 0 : i32
      %dma_start3A_33 = tpu.memref_slice %arg4[%mul3A_2, %dma_start3A] : memref<128x256xi32, #tpu.memory_space<hbm>> -> memref<4x256xi32, #tpu.memory_space<hbm>>
      %dma_start3A_34 = arith.constant 0 : i32
      %dma_start3A_35 = tpu.memref_slice %arg4[%mul3A_2, %dma_start3A_34] : memref<128x256xi32, #tpu.memory_space<hbm>> -> memref<4x256xi32, #tpu.memory_space<hbm>>
      tpu.enqueue_dma source(%dma_start3A_35 : memref<4x256xi32, #tpu.memory_space<hbm>>) target(%arg12 : memref<4x256xi32, #tpu.memory_space<vmem>>) target_semaphore(%run_scoped3A : memref<!tpu.dma_semaphore, #tpu.memory_space<semaphore_mem>>)
      %dma_wait3A = arith.constant 0 : i32
      %dma_wait3A_36 = tpu.memref_slice %arg4[%mul3A_2, %dma_wait3A] : memref<128x256xi32, #tpu.memory_space<hbm>> -> memref<4x256xi32, #tpu.memory_space<hbm>>
      %dma_wait3A_37 = arith.constant 0 : i32
      %dma_wait3A_38 = tpu.memref_slice %arg4[%mul3A_2, %dma_wait3A_37] : memref<128x256xi32, #tpu.memory_space<hbm>> -> memref<4x256xi32, #tpu.memory_space<hbm>>
      tpu.wait_dma2 semaphore(%run_scoped3A : memref<!tpu.dma_semaphore, #tpu.memory_space<semaphore_mem>>) src(%dma_wait3A_38 : memref<4x256xi32, #tpu.memory_space<hbm>>) dst(%arg12 : memref<4x256xi32, #tpu.memory_space<vmem>>)
      tpu.yield
    }) : () -> ()
    "tpu.region"() ({
      %run_scoped3A = tpu.sem_alloc : memref<!tpu.dma_semaphore, #tpu.memory_space<semaphore_mem>>
      %dma_start3A = arith.constant 0 : i32
      %dma_start3A_33 = tpu.memref_slice %arg5[%mul3A_2, %dma_start3A] : memref<128x128xi32, #tpu.memory_space<hbm>> -> memref<4x128xi32, #tpu.memory_space<hbm>>
      %dma_start3A_34 = arith.constant 0 : i32
      %dma_start3A_35 = tpu.memref_slice %arg5[%mul3A_2, %dma_start3A_34] : memref<128x128xi32, #tpu.memory_space<hbm>> -> memref<4x128xi32, #tpu.memory_space<hbm>>
      tpu.enqueue_dma source(%dma_start3A_35 : memref<4x128xi32, #tpu.memory_space<hbm>>) target(%arg13 : memref<4x128xi32, #tpu.memory_space<vmem>>) target_semaphore(%run_scoped3A : memref<!tpu.dma_semaphore, #tpu.memory_space<semaphore_mem>>)
      %dma_wait3A = arith.constant 0 : i32
      %dma_wait3A_36 = tpu.memref_slice %arg5[%mul3A_2, %dma_wait3A] : memref<128x128xi32, #tpu.memory_space<hbm>> -> memref<4x128xi32, #tpu.memory_space<hbm>>
      %dma_wait3A_37 = arith.constant 0 : i32
      %dma_wait3A_38 = tpu.memref_slice %arg5[%mul3A_2, %dma_wait3A_37] : memref<128x128xi32, #tpu.memory_space<hbm>> -> memref<4x128xi32, #tpu.memory_space<hbm>>
      tpu.wait_dma2 semaphore(%run_scoped3A : memref<!tpu.dma_semaphore, #tpu.memory_space<semaphore_mem>>) src(%dma_wait3A_38 : memref<4x128xi32, #tpu.memory_space<hbm>>) dst(%arg13 : memref<4x128xi32, #tpu.memory_space<vmem>>)
      tpu.yield
    }) : () -> ()
    %broadcast_in_dim3A = arith.constant 0 : i32
    %broadcast_in_dim3A_3 = vector.broadcast %broadcast_in_dim3A : i32 to vector<16xi32>
    %scan3A = arith.constant 0 : i32
    %scan3A_4 = arith.constant 0 : i32
    %scan3A_5 = arith.constant 8 : i32
    %scan3A_6 = arith.addi %scan3A_4, %scan3A_5 : i32
    %scan3A_7 = arith.constant 1 : i32
    scf.for %scan3A_33 = %scan3A_4 to %scan3A_6 step %scan3A_7  : i32 {
      %mul3A_34 = arith.constant 16 : i32
      %mul3A_35 = arith.muli %scan3A_33, %mul3A_34 : i32
      %get3A = arith.constant 0 : i32
      %get3A_36 = arith.index_cast %get3A : i32 to index
      %get3A_37 = arith.index_cast %mul3A_35 : i32 to index
      %get3A_38 = tpu.vector_load %arg13[%get3A_36, %get3A_37] {strides = array<i32>} : memref<4x128xi32, #tpu.memory_space<vmem>>, vector<16xi32>,
      %gather3A = tpu.vector_load_idx %arg12[%broadcast_in_dim3A_3, %get3A_38] : memref<4x256xi32, #tpu.memory_space<vmem>>[vector<16xi32>, vector<16xi32>], vector<16xi32>,
      %gather3A_39 = tpu.vector_load_idx %arg11[%broadcast_in_dim3A_3, %gather3A] : memref<4x512xi32, #tpu.memory_space<vmem>>[vector<16xi32>, vector<16xi32>], vector<16xi32>,
      %gather3A_40 = tpu.vector_load_idx %arg10[%broadcast_in_dim3A_3, %gather3A_39] : memref<4x1024xi32, #tpu.memory_space<vmem>>[vector<16xi32>, vector<16xi32>], vector<16xi32>,
      %swap3A = arith.constant 0 : i32
      %swap3A_41 = arith.index_cast %swap3A : i32 to index
      %swap3A_42 = arith.index_cast %mul3A_35 : i32 to index
      %swap3A_43 = tpu.vector_load %arg14[%swap3A_41, %swap3A_42] {strides = array<i32>} : memref<4x128xi32, #tpu.memory_space<vmem>>, vector<16xi32>,
      tpu.vector_store %arg14[%swap3A_41, %swap3A_42], %gather3A_40 {strides = array<i32>} : memref<4x128xi32, #tpu.memory_space<vmem>>, vector<16xi32>,
      %add3A_44 = arith.constant 0 : i32
      %add3A_45 = arith.addi %mul3A_2, %add3A_44 : i32
      %mul3A_46 = arith.constant 256 : i32
      %mul3A_47 = arith.muli %add3A_45, %mul3A_46 : i32
      %add3A_48 = vector.broadcast %mul3A_47 : i32 to vector<16xi32>
      %add3A_49 = arith.addi %get3A_38, %add3A_48 : vector<16xi32>
      %swap3A_50 = arith.constant 0 : i32
      %swap3A_51 = arith.index_cast %swap3A_50 : i32 to index
      %swap3A_52 = arith.index_cast %mul3A_35 : i32 to index
      %swap3A_53 = tpu.vector_load %arg17[%swap3A_51, %swap3A_52] {strides = array<i32>} : memref<4x128xi32, #tpu.memory_space<vmem>>, vector<16xi32>,
      tpu.vector_store %arg17[%swap3A_51, %swap3A_52], %add3A_49 {strides = array<i32>} : memref<4x128xi32, #tpu.memory_space<vmem>>, vector<16xi32>,
      %add3A_54 = arith.constant 0 : i32
      %add3A_55 = arith.addi %mul3A_2, %add3A_54 : i32
      %mul3A_56 = arith.constant 512 : i32
      %mul3A_57 = arith.muli %add3A_55, %mul3A_56 : i32
      %add3A_58 = vector.broadcast %mul3A_57 : i32 to vector<16xi32>
      %add3A_59 = arith.addi %gather3A, %add3A_58 : vector<16xi32>
      %swap3A_60 = arith.constant 0 : i32
      %swap3A_61 = arith.index_cast %swap3A_60 : i32 to index
      %swap3A_62 = arith.index_cast %mul3A_35 : i32 to index
      %swap3A_63 = tpu.vector_load %arg16[%swap3A_61, %swap3A_62] {strides = array<i32>} : memref<4x128xi32, #tpu.memory_space<vmem>>, vector<16xi32>,
      tpu.vector_store %arg16[%swap3A_61, %swap3A_62], %add3A_59 {strides = array<i32>} : memref<4x128xi32, #tpu.memory_space<vmem>>, vector<16xi32>,
      %add3A_64 = arith.constant 0 : i32
      %add3A_65 = arith.addi %mul3A_2, %add3A_64 : i32
      %mul3A_66 = arith.constant 1024 : i32
      %mul3A_67 = arith.muli %add3A_65, %mul3A_66 : i32
      %add3A_68 = vector.broadcast %mul3A_67 : i32 to vector<16xi32>
      %add3A_69 = arith.addi %gather3A_39, %add3A_68 : vector<16xi32>
      %swap3A_70 = arith.constant 0 : i32
      %swap3A_71 = arith.index_cast %swap3A_70 : i32 to index
      %swap3A_72 = arith.index_cast %mul3A_35 : i32 to index
      %swap3A_73 = tpu.vector_load %arg15[%swap3A_71, %swap3A_72] {strides = array<i32>} : memref<4x128xi32, #tpu.memory_space<vmem>>, vector<16xi32>,
      tpu.vector_store %arg15[%swap3A_71, %swap3A_72], %add3A_69 {strides = array<i32>} : memref<4x128xi32, #tpu.memory_space<vmem>>, vector<16xi32>,
    }
    %scan3A_8 = arith.constant 8 : i32
    %broadcast_in_dim3A_9 = arith.constant 1 : i32
    %broadcast_in_dim3A_10 = vector.broadcast %broadcast_in_dim3A_9 : i32 to vector<16xi32>
    %scan3A_11 = arith.constant 0 : i32
    %scan3A_12 = arith.constant 0 : i32
    %scan3A_13 = arith.constant 8 : i32
    %scan3A_14 = arith.addi %scan3A_12, %scan3A_13 : i32
    %scan3A_15 = arith.constant 1 : i32
    scf.for %scan3A_33 = %scan3A_12 to %scan3A_14 step %scan3A_15  : i32 {
      %mul3A_34 = arith.constant 16 : i32
      %mul3A_35 = arith.muli %scan3A_33, %mul3A_34 : i32
      %get3A = arith.constant 1 : i32
      %get3A_36 = arith.index_cast %get3A : i32 to index
      %get3A_37 = arith.index_cast %mul3A_35 : i32 to index
      %get3A_38 = tpu.vector_load %arg13[%get3A_36, %get3A_37] {strides = array<i32>} : memref<4x128xi32, #tpu.memory_space<vmem>>, vector<16xi32>,
      %gather3A = tpu.vector_load_idx %arg12[%broadcast_in_dim3A_10, %get3A_38] : memref<4x256xi32, #tpu.memory_space<vmem>>[vector<16xi32>, vector<16xi32>], vector<16xi32>,
      %gather3A_39 = tpu.vector_load_idx %arg11[%broadcast_in_dim3A_10, %gather3A] : memref<4x512xi32, #tpu.memory_space<vmem>>[vector<16xi32>, vector<16xi32>], vector<16xi32>,
      %gather3A_40 = tpu.vector_load_idx %arg10[%broadcast_in_dim3A_10, %gather3A_39] : memref<4x1024xi32, #tpu.memory_space<vmem>>[vector<16xi32>, vector<16xi32>], vector<16xi32>,
      %swap3A = arith.constant 1 : i32
      %swap3A_41 = arith.index_cast %swap3A : i32 to index
      %swap3A_42 = arith.index_cast %mul3A_35 : i32 to index
      %swap3A_43 = tpu.vector_load %arg14[%swap3A_41, %swap3A_42] {strides = array<i32>} : memref<4x128xi32, #tpu.memory_space<vmem>>, vector<16xi32>,
      tpu.vector_store %arg14[%swap3A_41, %swap3A_42], %gather3A_40 {strides = array<i32>} : memref<4x128xi32, #tpu.memory_space<vmem>>, vector<16xi32>,
      %add3A_44 = arith.constant 1 : i32
      %add3A_45 = arith.addi %mul3A_2, %add3A_44 : i32
      %mul3A_46 = arith.constant 256 : i32
      %mul3A_47 = arith.muli %add3A_45, %mul3A_46 : i32
      %add3A_48 = vector.broadcast %mul3A_47 : i32 to vector<16xi32>
      %add3A_49 = arith.addi %get3A_38, %add3A_48 : vector<16xi32>
      %swap3A_50 = arith.constant 1 : i32
      %swap3A_51 = arith.index_cast %swap3A_50 : i32 to index
      %swap3A_52 = arith.index_cast %mul3A_35 : i32 to index
      %swap3A_53 = tpu.vector_load %arg17[%swap3A_51, %swap3A_52] {strides = array<i32>} : memref<4x128xi32, #tpu.memory_space<vmem>>, vector<16xi32>,
      tpu.vector_store %arg17[%swap3A_51, %swap3A_52], %add3A_49 {strides = array<i32>} : memref<4x128xi32, #tpu.memory_space<vmem>>, vector<16xi32>,
      %add3A_54 = arith.constant 1 : i32
      %add3A_55 = arith.addi %mul3A_2, %add3A_54 : i32
      %mul3A_56 = arith.constant 512 : i32
      %mul3A_57 = arith.muli %add3A_55, %mul3A_56 : i32
      %add3A_58 = vector.broadcast %mul3A_57 : i32 to vector<16xi32>
      %add3A_59 = arith.addi %gather3A, %add3A_58 : vector<16xi32>
      %swap3A_60 = arith.constant 1 : i32
      %swap3A_61 = arith.index_cast %swap3A_60 : i32 to index
      %swap3A_62 = arith.index_cast %mul3A_35 : i32 to index
      %swap3A_63 = tpu.vector_load %arg16[%swap3A_61, %swap3A_62] {strides = array<i32>} : memref<4x128xi32, #tpu.memory_space<vmem>>, vector<16xi32>,
      tpu.vector_store %arg16[%swap3A_61, %swap3A_62], %add3A_59 {strides = array<i32>} : memref<4x128xi32, #tpu.memory_space<vmem>>, vector<16xi32>,
      %add3A_64 = arith.constant 1 : i32
      %add3A_65 = arith.addi %mul3A_2, %add3A_64 : i32
      %mul3A_66 = arith.constant 1024 : i32
      %mul3A_67 = arith.muli %add3A_65, %mul3A_66 : i32
      %add3A_68 = vector.broadcast %mul3A_67 : i32 to vector<16xi32>
      %add3A_69 = arith.addi %gather3A_39, %add3A_68 : vector<16xi32>
      %swap3A_70 = arith.constant 1 : i32
      %swap3A_71 = arith.index_cast %swap3A_70 : i32 to index
      %swap3A_72 = arith.index_cast %mul3A_35 : i32 to index
      %swap3A_73 = tpu.vector_load %arg15[%swap3A_71, %swap3A_72] {strides = array<i32>} : memref<4x128xi32, #tpu.memory_space<vmem>>, vector<16xi32>,
      tpu.vector_store %arg15[%swap3A_71, %swap3A_72], %add3A_69 {strides = array<i32>} : memref<4x128xi32, #tpu.memory_space<vmem>>, vector<16xi32>,
    }
    %scan3A_16 = arith.constant 8 : i32
    %broadcast_in_dim3A_17 = arith.constant 2 : i32
    %broadcast_in_dim3A_18 = vector.broadcast %broadcast_in_dim3A_17 : i32 to vector<16xi32>
    %scan3A_19 = arith.constant 0 : i32
    %scan3A_20 = arith.constant 0 : i32
    %scan3A_21 = arith.constant 8 : i32
    %scan3A_22 = arith.addi %scan3A_20, %scan3A_21 : i32
    %scan3A_23 = arith.constant 1 : i32
    scf.for %scan3A_33 = %scan3A_20 to %scan3A_22 step %scan3A_23  : i32 {
      %mul3A_34 = arith.constant 16 : i32
      %mul3A_35 = arith.muli %scan3A_33, %mul3A_34 : i32
      %get3A = arith.constant 2 : i32
      %get3A_36 = arith.index_cast %get3A : i32 to index
      %get3A_37 = arith.index_cast %mul3A_35 : i32 to index
      %get3A_38 = tpu.vector_load %arg13[%get3A_36, %get3A_37] {strides = array<i32>} : memref<4x128xi32, #tpu.memory_space<vmem>>, vector<16xi32>,
      %gather3A = tpu.vector_load_idx %arg12[%broadcast_in_dim3A_18, %get3A_38] : memref<4x256xi32, #tpu.memory_space<vmem>>[vector<16xi32>, vector<16xi32>], vector<16xi32>,
      %gather3A_39 = tpu.vector_load_idx %arg11[%broadcast_in_dim3A_18, %gather3A] : memref<4x512xi32, #tpu.memory_space<vmem>>[vector<16xi32>, vector<16xi32>], vector<16xi32>,
      %gather3A_40 = tpu.vector_load_idx %arg10[%broadcast_in_dim3A_18, %gather3A_39] : memref<4x1024xi32, #tpu.memory_space<vmem>>[vector<16xi32>, vector<16xi32>], vector<16xi32>,
      %swap3A = arith.constant 2 : i32
      %swap3A_41 = arith.index_cast %swap3A : i32 to index
      %swap3A_42 = arith.index_cast %mul3A_35 : i32 to index
      %swap3A_43 = tpu.vector_load %arg14[%swap3A_41, %swap3A_42] {strides = array<i32>} : memref<4x128xi32, #tpu.memory_space<vmem>>, vector<16xi32>,
      tpu.vector_store %arg14[%swap3A_41, %swap3A_42], %gather3A_40 {strides = array<i32>} : memref<4x128xi32, #tpu.memory_space<vmem>>, vector<16xi32>,
      %add3A_44 = arith.constant 2 : i32
      %add3A_45 = arith.addi %mul3A_2, %add3A_44 : i32
      %mul3A_46 = arith.constant 256 : i32
      %mul3A_47 = arith.muli %add3A_45, %mul3A_46 : i32
      %add3A_48 = vector.broadcast %mul3A_47 : i32 to vector<16xi32>
      %add3A_49 = arith.addi %get3A_38, %add3A_48 : vector<16xi32>
      %swap3A_50 = arith.constant 2 : i32
      %swap3A_51 = arith.index_cast %swap3A_50 : i32 to index
      %swap3A_52 = arith.index_cast %mul3A_35 : i32 to index
      %swap3A_53 = tpu.vector_load %arg17[%swap3A_51, %swap3A_52] {strides = array<i32>} : memref<4x128xi32, #tpu.memory_space<vmem>>, vector<16xi32>,
      tpu.vector_store %arg17[%swap3A_51, %swap3A_52], %add3A_49 {strides = array<i32>} : memref<4x128xi32, #tpu.memory_space<vmem>>, vector<16xi32>,
      %add3A_54 = arith.constant 2 : i32
      %add3A_55 = arith.addi %mul3A_2, %add3A_54 : i32
      %mul3A_56 = arith.constant 512 : i32
      %mul3A_57 = arith.muli %add3A_55, %mul3A_56 : i32
      %add3A_58 = vector.broadcast %mul3A_57 : i32 to vector<16xi32>
      %add3A_59 = arith.addi %gather3A, %add3A_58 : vector<16xi32>
      %swap3A_60 = arith.constant 2 : i32
      %swap3A_61 = arith.index_cast %swap3A_60 : i32 to index
      %swap3A_62 = arith.index_cast %mul3A_35 : i32 to index
      %swap3A_63 = tpu.vector_load %arg16[%swap3A_61, %swap3A_62] {strides = array<i32>} : memref<4x128xi32, #tpu.memory_space<vmem>>, vector<16xi32>,
      tpu.vector_store %arg16[%swap3A_61, %swap3A_62], %add3A_59 {strides = array<i32>} : memref<4x128xi32, #tpu.memory_space<vmem>>, vector<16xi32>,
      %add3A_64 = arith.constant 2 : i32
      %add3A_65 = arith.addi %mul3A_2, %add3A_64 : i32
      %mul3A_66 = arith.constant 1024 : i32
      %mul3A_67 = arith.muli %add3A_65, %mul3A_66 : i32
      %add3A_68 = vector.broadcast %mul3A_67 : i32 to vector<16xi32>
      %add3A_69 = arith.addi %gather3A_39, %add3A_68 : vector<16xi32>
      %swap3A_70 = arith.constant 2 : i32
      %swap3A_71 = arith.index_cast %swap3A_70 : i32 to index
      %swap3A_72 = arith.index_cast %mul3A_35 : i32 to index
      %swap3A_73 = tpu.vector_load %arg15[%swap3A_71, %swap3A_72] {strides = array<i32>} : memref<4x128xi32, #tpu.memory_space<vmem>>, vector<16xi32>,
      tpu.vector_store %arg15[%swap3A_71, %swap3A_72], %add3A_69 {strides = array<i32>} : memref<4x128xi32, #tpu.memory_space<vmem>>, vector<16xi32>,
    }
    %scan3A_24 = arith.constant 8 : i32
    %broadcast_in_dim3A_25 = arith.constant 3 : i32
    %broadcast_in_dim3A_26 = vector.broadcast %broadcast_in_dim3A_25 : i32 to vector<16xi32>
    %scan3A_27 = arith.constant 0 : i32
    %scan3A_28 = arith.constant 0 : i32
    %scan3A_29 = arith.constant 8 : i32
    %scan3A_30 = arith.addi %scan3A_28, %scan3A_29 : i32
    %scan3A_31 = arith.constant 1 : i32
    scf.for %scan3A_33 = %scan3A_28 to %scan3A_30 step %scan3A_31  : i32 {
      %mul3A_34 = arith.constant 16 : i32
      %mul3A_35 = arith.muli %scan3A_33, %mul3A_34 : i32
      %get3A = arith.constant 3 : i32
      %get3A_36 = arith.index_cast %get3A : i32 to index
      %get3A_37 = arith.index_cast %mul3A_35 : i32 to index
      %get3A_38 = tpu.vector_load %arg13[%get3A_36, %get3A_37] {strides = array<i32>} : memref<4x128xi32, #tpu.memory_space<vmem>>, vector<16xi32>,
      %gather3A = tpu.vector_load_idx %arg12[%broadcast_in_dim3A_26, %get3A_38] : memref<4x256xi32, #tpu.memory_space<vmem>>[vector<16xi32>, vector<16xi32>], vector<16xi32>,
      %gather3A_39 = tpu.vector_load_idx %arg11[%broadcast_in_dim3A_26, %gather3A] : memref<4x512xi32, #tpu.memory_space<vmem>>[vector<16xi32>, vector<16xi32>], vector<16xi32>,
      %gather3A_40 = tpu.vector_load_idx %arg10[%broadcast_in_dim3A_26, %gather3A_39] : memref<4x1024xi32, #tpu.memory_space<vmem>>[vector<16xi32>, vector<16xi32>], vector<16xi32>,
      %swap3A = arith.constant 3 : i32
      %swap3A_41 = arith.index_cast %swap3A : i32 to index
      %swap3A_42 = arith.index_cast %mul3A_35 : i32 to index
      %swap3A_43 = tpu.vector_load %arg14[%swap3A_41, %swap3A_42] {strides = array<i32>} : memref<4x128xi32, #tpu.memory_space<vmem>>, vector<16xi32>,
      tpu.vector_store %arg14[%swap3A_41, %swap3A_42], %gather3A_40 {strides = array<i32>} : memref<4x128xi32, #tpu.memory_space<vmem>>, vector<16xi32>,
      %add3A_44 = arith.constant 3 : i32
      %add3A_45 = arith.addi %mul3A_2, %add3A_44 : i32
      %mul3A_46 = arith.constant 256 : i32
      %mul3A_47 = arith.muli %add3A_45, %mul3A_46 : i32
      %add3A_48 = vector.broadcast %mul3A_47 : i32 to vector<16xi32>
      %add3A_49 = arith.addi %get3A_38, %add3A_48 : vector<16xi32>
      %swap3A_50 = arith.constant 3 : i32
      %swap3A_51 = arith.index_cast %swap3A_50 : i32 to index
      %swap3A_52 = arith.index_cast %mul3A_35 : i32 to index
      %swap3A_53 = tpu.vector_load %arg17[%swap3A_51, %swap3A_52] {strides = array<i32>} : memref<4x128xi32, #tpu.memory_space<vmem>>, vector<16xi32>,
      tpu.vector_store %arg17[%swap3A_51, %swap3A_52], %add3A_49 {strides = array<i32>} : memref<4x128xi32, #tpu.memory_space<vmem>>, vector<16xi32>,
      %add3A_54 = arith.constant 3 : i32
      %add3A_55 = arith.addi %mul3A_2, %add3A_54 : i32
      %mul3A_56 = arith.constant 512 : i32
      %mul3A_57 = arith.muli %add3A_55, %mul3A_56 : i32
      %add3A_58 = vector.broadcast %mul3A_57 : i32 to vector<16xi32>
      %add3A_59 = arith.addi %gather3A, %add3A_58 : vector<16xi32>
      %swap3A_60 = arith.constant 3 : i32
      %swap3A_61 = arith.index_cast %swap3A_60 : i32 to index
      %swap3A_62 = arith.index_cast %mul3A_35 : i32 to index
      %swap3A_63 = tpu.vector_load %arg16[%swap3A_61, %swap3A_62] {strides = array<i32>} : memref<4x128xi32, #tpu.memory_space<vmem>>, vector<16xi32>,
      tpu.vector_store %arg16[%swap3A_61, %swap3A_62], %add3A_59 {strides = array<i32>} : memref<4x128xi32, #tpu.memory_space<vmem>>, vector<16xi32>,
      %add3A_64 = arith.constant 3 : i32
      %add3A_65 = arith.addi %mul3A_2, %add3A_64 : i32
      %mul3A_66 = arith.constant 1024 : i32
      %mul3A_67 = arith.muli %add3A_65, %mul3A_66 : i32
      %add3A_68 = vector.broadcast %mul3A_67 : i32 to vector<16xi32>
      %add3A_69 = arith.addi %gather3A_39, %add3A_68 : vector<16xi32>
      %swap3A_70 = arith.constant 3 : i32
      %swap3A_71 = arith.index_cast %swap3A_70 : i32 to index
      %swap3A_72 = arith.index_cast %mul3A_35 : i32 to index
      %swap3A_73 = tpu.vector_load %arg15[%swap3A_71, %swap3A_72] {strides = array<i32>} : memref<4x128xi32, #tpu.memory_space<vmem>>, vector<16xi32>,
      tpu.vector_store %arg15[%swap3A_71, %swap3A_72], %add3A_69 {strides = array<i32>} : memref<4x128xi32, #tpu.memory_space<vmem>>, vector<16xi32>,
    }
    %scan3A_32 = arith.constant 8 : i32
    "tpu.region"() ({
      %run_scoped3A = tpu.sem_alloc : memref<!tpu.dma_semaphore, #tpu.memory_space<semaphore_mem>>
      %dma_start3A = arith.constant 0 : i32
      %dma_start3A_33 = tpu.memref_slice %arg6[%mul3A_2, %dma_start3A] : memref<128x128xi32, #tpu.memory_space<hbm>> -> memref<4x128xi32, #tpu.memory_space<hbm>>
      %dma_start3A_34 = arith.constant 0 : i32
      %dma_start3A_35 = tpu.memref_slice %arg6[%mul3A_2, %dma_start3A_34] : memref<128x128xi32, #tpu.memory_space<hbm>> -> memref<4x128xi32, #tpu.memory_space<hbm>>
      tpu.enqueue_dma source(%arg14 : memref<4x128xi32, #tpu.memory_space<vmem>>) target(%dma_start3A_35 : memref<4x128xi32, #tpu.memory_space<hbm>>) target_semaphore(%run_scoped3A : memref<!tpu.dma_semaphore, #tpu.memory_space<semaphore_mem>>)
      %dma_wait3A = arith.constant 0 : i32
      %dma_wait3A_36 = tpu.memref_slice %arg6[%mul3A_2, %dma_wait3A] : memref<128x128xi32, #tpu.memory_space<hbm>> -> memref<4x128xi32, #tpu.memory_space<hbm>>
      %dma_wait3A_37 = arith.constant 0 : i32
      %dma_wait3A_38 = tpu.memref_slice %arg6[%mul3A_2, %dma_wait3A_37] : memref<128x128xi32, #tpu.memory_space<hbm>> -> memref<4x128xi32, #tpu.memory_space<hbm>>
      tpu.wait_dma2 semaphore(%run_scoped3A : memref<!tpu.dma_semaphore, #tpu.memory_space<semaphore_mem>>) src(%arg14 : memref<4x128xi32, #tpu.memory_space<vmem>>) dst(%dma_wait3A_38 : memref<4x128xi32, #tpu.memory_space<hbm>>)
      tpu.yield
    }) : () -> ()
    "tpu.region"() ({
      %run_scoped3A = tpu.sem_alloc : memref<!tpu.dma_semaphore, #tpu.memory_space<semaphore_mem>>
      %dma_start3A = arith.constant 0 : i32
      %dma_start3A_33 = tpu.memref_slice %arg7[%mul3A_2, %dma_start3A] : memref<128x128xi32, #tpu.memory_space<hbm>> -> memref<4x128xi32, #tpu.memory_space<hbm>>
      %dma_start3A_34 = arith.constant 0 : i32
      %dma_start3A_35 = tpu.memref_slice %arg7[%mul3A_2, %dma_start3A_34] : memref<128x128xi32, #tpu.memory_space<hbm>> -> memref<4x128xi32, #tpu.memory_space<hbm>>
      tpu.enqueue_dma source(%arg15 : memref<4x128xi32, #tpu.memory_space<vmem>>) target(%dma_start3A_35 : memref<4x128xi32, #tpu.memory_space<hbm>>) target_semaphore(%run_scoped3A : memref<!tpu.dma_semaphore, #tpu.memory_space<semaphore_mem>>)
      %dma_wait3A = arith.constant 0 : i32
      %dma_wait3A_36 = tpu.memref_slice %arg7[%mul3A_2, %dma_wait3A] : memref<128x128xi32, #tpu.memory_space<hbm>> -> memref<4x128xi32, #tpu.memory_space<hbm>>
      %dma_wait3A_37 = arith.constant 0 : i32
      %dma_wait3A_38 = tpu.memref_slice %arg7[%mul3A_2, %dma_wait3A_37] : memref<128x128xi32, #tpu.memory_space<hbm>> -> memref<4x128xi32, #tpu.memory_space<hbm>>
      tpu.wait_dma2 semaphore(%run_scoped3A : memref<!tpu.dma_semaphore, #tpu.memory_space<semaphore_mem>>) src(%arg15 : memref<4x128xi32, #tpu.memory_space<vmem>>) dst(%dma_wait3A_38 : memref<4x128xi32, #tpu.memory_space<hbm>>)
      tpu.yield
    }) : () -> ()
    "tpu.region"() ({
      %run_scoped3A = tpu.sem_alloc : memref<!tpu.dma_semaphore, #tpu.memory_space<semaphore_mem>>
      %dma_start3A = arith.constant 0 : i32
      %dma_start3A_33 = tpu.memref_slice %arg8[%mul3A_2, %dma_start3A] : memref<128x128xi32, #tpu.memory_space<hbm>> -> memref<4x128xi32, #tpu.memory_space<hbm>>
      %dma_start3A_34 = arith.constant 0 : i32
      %dma_start3A_35 = tpu.memref_slice %arg8[%mul3A_2, %dma_start3A_34] : memref<128x128xi32, #tpu.memory_space<hbm>> -> memref<4x128xi32, #tpu.memory_space<hbm>>
      tpu.enqueue_dma source(%arg16 : memref<4x128xi32, #tpu.memory_space<vmem>>) target(%dma_start3A_35 : memref<4x128xi32, #tpu.memory_space<hbm>>) target_semaphore(%run_scoped3A : memref<!tpu.dma_semaphore, #tpu.memory_space<semaphore_mem>>)
      %dma_wait3A = arith.constant 0 : i32
      %dma_wait3A_36 = tpu.memref_slice %arg8[%mul3A_2, %dma_wait3A] : memref<128x128xi32, #tpu.memory_space<hbm>> -> memref<4x128xi32, #tpu.memory_space<hbm>>
      %dma_wait3A_37 = arith.constant 0 : i32
      %dma_wait3A_38 = tpu.memref_slice %arg8[%mul3A_2, %dma_wait3A_37] : memref<128x128xi32, #tpu.memory_space<hbm>> -> memref<4x128xi32, #tpu.memory_space<hbm>>
      tpu.wait_dma2 semaphore(%run_scoped3A : memref<!tpu.dma_semaphore, #tpu.memory_space<semaphore_mem>>) src(%arg16 : memref<4x128xi32, #tpu.memory_space<vmem>>) dst(%dma_wait3A_38 : memref<4x128xi32, #tpu.memory_space<hbm>>)
      tpu.yield
    }) : () -> ()
    "tpu.region"() ({
      %run_scoped3A = tpu.sem_alloc : memref<!tpu.dma_semaphore, #tpu.memory_space<semaphore_mem>>
      %dma_start3A = arith.constant 0 : i32
      %dma_start3A_33 = tpu.memref_slice %arg9[%mul3A_2, %dma_start3A] : memref<128x128xi32, #tpu.memory_space<hbm>> -> memref<4x128xi32, #tpu.memory_space<hbm>>
      %dma_start3A_34 = arith.constant 0 : i32
      %dma_start3A_35 = tpu.memref_slice %arg9[%mul3A_2, %dma_start3A_34] : memref<128x128xi32, #tpu.memory_space<hbm>> -> memref<4x128xi32, #tpu.memory_space<hbm>>
      tpu.enqueue_dma source(%arg17 : memref<4x128xi32, #tpu.memory_space<vmem>>) target(%dma_start3A_35 : memref<4x128xi32, #tpu.memory_space<hbm>>) target_semaphore(%run_scoped3A : memref<!tpu.dma_semaphore, #tpu.memory_space<semaphore_mem>>)
      %dma_wait3A = arith.constant 0 : i32
      %dma_wait3A_36 = tpu.memref_slice %arg9[%mul3A_2, %dma_wait3A] : memref<128x128xi32, #tpu.memory_space<hbm>> -> memref<4x128xi32, #tpu.memory_space<hbm>>
      %dma_wait3A_37 = arith.constant 0 : i32
      %dma_wait3A_38 = tpu.memref_slice %arg9[%mul3A_2, %dma_wait3A_37] : memref<128x128xi32, #tpu.memory_space<hbm>> -> memref<4x128xi32, #tpu.memory_space<hbm>>
      tpu.wait_dma2 semaphore(%run_scoped3A : memref<!tpu.dma_semaphore, #tpu.memory_space<semaphore_mem>>) src(%arg17 : memref<4x128xi32, #tpu.memory_space<vmem>>) dst(%dma_wait3A_38 : memref<4x128xi32, #tpu.memory_space<hbm>>)
      tpu.yield
    }) : () -> ()
    return
  }
}

#map = affine_map<(d0, d1) -> (0, 0)>
module attributes {stable_mosaic.version = 14 : i64} {
  func.func @body(%arg0: i32, %arg1: i32, %arg2: memref<128x128xi32, #tpu.memory_space<hbm>>, %arg3: memref<128x128xi32, #tpu.memory_space<hbm>>, %arg4: memref<128x128xi32, #tpu.memory_space<hbm>>, %arg5: memref<131072x128xf32, #tpu.memory_space<hbm>>, %arg6: memref<65536x128xf32, #tpu.memory_space<hbm>>, %arg7: memref<32768x256xf32, #tpu.memory_space<hbm>>, %arg8: memref<16384x128xf32, #tpu.memory_space<hbm>>, %arg9: memref<16384x128xf32, #tpu.memory_space<hbm>>, %arg10: memref<16384x256xf32, #tpu.memory_space<hbm>>, %arg11: memref<4x128xi32, #tpu.memory_space<vmem>>, %arg12: memref<4x128xi32, #tpu.memory_space<vmem>>, %arg13: memref<4x128xi32, #tpu.memory_space<vmem>>, %arg14: memref<64x128xf32, #tpu.memory_space<vmem>>, %arg15: memref<64x128xf32, #tpu.memory_space<vmem>>, %arg16: memref<64x256xf32, #tpu.memory_space<vmem>>, %arg17: memref<64x128xf32, #tpu.memory_space<vmem>>, %arg18: memref<64x128xf32, #tpu.memory_space<vmem>>, %arg19: memref<64x256xf32, #tpu.memory_space<vmem>>, %arg20: memref<!tpu.dma_semaphore, #tpu.memory_space<semaphore_mem>>, %arg21: memref<!tpu.dma_semaphore, #tpu.memory_space<semaphore_mem>>, %arg22: memref<!tpu.dma_semaphore, #tpu.memory_space<semaphore_mem>>, %arg23: memref<!tpu.dma_semaphore, #tpu.memory_space<semaphore_mem>>) attributes {dimension_semantics = [#tpu.dimension_semantics<core_parallel>, #tpu.dimension_semantics<subcore_parallel>], iteration_bounds = array<i64: 2, 16>, scalar_prefetch = 0 : i64, scratch_operands = 13 : i64, tpu.core_type = #tpu.core_type<sc_vector_subcore>, window_params = [{transform_indices = #map}, {transform_indices = #map}, {transform_indices = #map}, {transform_indices = #map}, {transform_indices = #map}, {transform_indices = #map}, {transform_indices = #map}, {transform_indices = #map}, {transform_indices = #map}]} {
    %mul3A = arith.constant 2 : i32
    %mul3A_0 = arith.muli %arg1, %mul3A : i32
    %add3A = arith.addi %mul3A_0, %arg0 : i32
    %mul3A_1 = arith.constant 4 : i32
    %mul3A_2 = arith.muli %add3A, %mul3A_1 : i32
    "tpu.region"() ({
      %run_scoped3A = tpu.sem_alloc : memref<!tpu.dma_semaphore, #tpu.memory_space<semaphore_mem>>
      %dma_start3A_561 = arith.constant 0 : i32
      %dma_start3A_562 = tpu.memref_slice %arg2[%mul3A_2, %dma_start3A_561] : memref<128x128xi32, #tpu.memory_space<hbm>> -> memref<4x128xi32, #tpu.memory_space<hbm>>
      %dma_start3A_563 = arith.constant 0 : i32
      %dma_start3A_564 = tpu.memref_slice %arg2[%mul3A_2, %dma_start3A_563] : memref<128x128xi32, #tpu.memory_space<hbm>> -> memref<4x128xi32, #tpu.memory_space<hbm>>
      tpu.enqueue_dma source(%dma_start3A_564 : memref<4x128xi32, #tpu.memory_space<hbm>>) target(%arg11 : memref<4x128xi32, #tpu.memory_space<vmem>>) target_semaphore(%run_scoped3A : memref<!tpu.dma_semaphore, #tpu.memory_space<semaphore_mem>>)
      %dma_wait3A_565 = arith.constant 0 : i32
      %dma_wait3A_566 = tpu.memref_slice %arg2[%mul3A_2, %dma_wait3A_565] : memref<128x128xi32, #tpu.memory_space<hbm>> -> memref<4x128xi32, #tpu.memory_space<hbm>>
      %dma_wait3A_567 = arith.constant 0 : i32
      %dma_wait3A_568 = tpu.memref_slice %arg2[%mul3A_2, %dma_wait3A_567] : memref<128x128xi32, #tpu.memory_space<hbm>> -> memref<4x128xi32, #tpu.memory_space<hbm>>
      tpu.wait_dma2 semaphore(%run_scoped3A : memref<!tpu.dma_semaphore, #tpu.memory_space<semaphore_mem>>) src(%dma_wait3A_568 : memref<4x128xi32, #tpu.memory_space<hbm>>) dst(%arg11 : memref<4x128xi32, #tpu.memory_space<vmem>>)
      tpu.yield
    }) : () -> ()
    "tpu.region"() ({
      %run_scoped3A = tpu.sem_alloc : memref<!tpu.dma_semaphore, #tpu.memory_space<semaphore_mem>>
      %dma_start3A_561 = arith.constant 0 : i32
      %dma_start3A_562 = tpu.memref_slice %arg3[%mul3A_2, %dma_start3A_561] : memref<128x128xi32, #tpu.memory_space<hbm>> -> memref<4x128xi32, #tpu.memory_space<hbm>>
      %dma_start3A_563 = arith.constant 0 : i32
      %dma_start3A_564 = tpu.memref_slice %arg3[%mul3A_2, %dma_start3A_563] : memref<128x128xi32, #tpu.memory_space<hbm>> -> memref<4x128xi32, #tpu.memory_space<hbm>>
      tpu.enqueue_dma source(%dma_start3A_564 : memref<4x128xi32, #tpu.memory_space<hbm>>) target(%arg12 : memref<4x128xi32, #tpu.memory_space<vmem>>) target_semaphore(%run_scoped3A : memref<!tpu.dma_semaphore, #tpu.memory_space<semaphore_mem>>)
      %dma_wait3A_565 = arith.constant 0 : i32
      %dma_wait3A_566 = tpu.memref_slice %arg3[%mul3A_2, %dma_wait3A_565] : memref<128x128xi32, #tpu.memory_space<hbm>> -> memref<4x128xi32, #tpu.memory_space<hbm>>
      %dma_wait3A_567 = arith.constant 0 : i32
      %dma_wait3A_568 = tpu.memref_slice %arg3[%mul3A_2, %dma_wait3A_567] : memref<128x128xi32, #tpu.memory_space<hbm>> -> memref<4x128xi32, #tpu.memory_space<hbm>>
      tpu.wait_dma2 semaphore(%run_scoped3A : memref<!tpu.dma_semaphore, #tpu.memory_space<semaphore_mem>>) src(%dma_wait3A_568 : memref<4x128xi32, #tpu.memory_space<hbm>>) dst(%arg12 : memref<4x128xi32, #tpu.memory_space<vmem>>)
      tpu.yield
    }) : () -> ()
    "tpu.region"() ({
      %run_scoped3A = tpu.sem_alloc : memref<!tpu.dma_semaphore, #tpu.memory_space<semaphore_mem>>
      %dma_start3A_561 = arith.constant 0 : i32
      %dma_start3A_562 = tpu.memref_slice %arg4[%mul3A_2, %dma_start3A_561] : memref<128x128xi32, #tpu.memory_space<hbm>> -> memref<4x128xi32, #tpu.memory_space<hbm>>
      %dma_start3A_563 = arith.constant 0 : i32
      %dma_start3A_564 = tpu.memref_slice %arg4[%mul3A_2, %dma_start3A_563] : memref<128x128xi32, #tpu.memory_space<hbm>> -> memref<4x128xi32, #tpu.memory_space<hbm>>
      tpu.enqueue_dma source(%dma_start3A_564 : memref<4x128xi32, #tpu.memory_space<hbm>>) target(%arg13 : memref<4x128xi32, #tpu.memory_space<vmem>>) target_semaphore(%run_scoped3A : memref<!tpu.dma_semaphore, #tpu.memory_space<semaphore_mem>>)
      %dma_wait3A_565 = arith.constant 0 : i32
      %dma_wait3A_566 = tpu.memref_slice %arg4[%mul3A_2, %dma_wait3A_565] : memref<128x128xi32, #tpu.memory_space<hbm>> -> memref<4x128xi32, #tpu.memory_space<hbm>>
      %dma_wait3A_567 = arith.constant 0 : i32
      %dma_wait3A_568 = tpu.memref_slice %arg4[%mul3A_2, %dma_wait3A_567] : memref<128x128xi32, #tpu.memory_space<hbm>> -> memref<4x128xi32, #tpu.memory_space<hbm>>
      tpu.wait_dma2 semaphore(%run_scoped3A : memref<!tpu.dma_semaphore, #tpu.memory_space<semaphore_mem>>) src(%dma_wait3A_568 : memref<4x128xi32, #tpu.memory_space<hbm>>) dst(%arg13 : memref<4x128xi32, #tpu.memory_space<vmem>>)
      tpu.yield
    }) : () -> ()
    %dma_start3A = arith.constant 0 : i32
    %dma_start3A_3 = arith.constant 0 : i32
    %dma_start3A_4 = tpu.memref_slice %arg11[%dma_start3A, %dma_start3A_3] : memref<4x128xi32, #tpu.memory_space<vmem>> -> memref<1x64xi32, #tpu.memory_space<vmem>>
    %dma_start3A_5 = tpu.memref_squeeze %dma_start3A_4 : memref<1x64xi32, #tpu.memory_space<vmem>> -> memref<64xi32, #tpu.memory_space<vmem>>
    %dma_start3A_6 = arith.constant 0 : i32
    %dma_start3A_7 = arith.constant 0 : i32
    %dma_start3A_8 = tpu.memref_slice %arg5[%dma_start3A_6, %dma_start3A_7] : memref<131072x128xf32, #tpu.memory_space<hbm>> -> memref<131072x128xf32, #tpu.memory_space<hbm>>
    tpu.enqueue_indirect_dma source(%dma_start3A_8 : memref<131072x128xf32, #tpu.memory_space<hbm>>) target(%arg14 : memref<64x128xf32, #tpu.memory_space<vmem>>) offsets(%dma_start3A_5 : memref<64xi32, #tpu.memory_space<vmem>>) semaphore(%arg20 : memref<!tpu.dma_semaphore, #tpu.memory_space<semaphore_mem>>)
    %dma_start3A_9 = arith.constant 0 : i32
    %dma_start3A_10 = arith.constant 0 : i32
    %dma_start3A_11 = tpu.memref_slice %arg12[%dma_start3A_9, %dma_start3A_10] : memref<4x128xi32, #tpu.memory_space<vmem>> -> memref<1x64xi32, #tpu.memory_space<vmem>>
    %dma_start3A_12 = tpu.memref_squeeze %dma_start3A_11 : memref<1x64xi32, #tpu.memory_space<vmem>> -> memref<64xi32, #tpu.memory_space<vmem>>
    %dma_start3A_13 = arith.constant 0 : i32
    %dma_start3A_14 = arith.constant 0 : i32
    %dma_start3A_15 = tpu.memref_slice %arg6[%dma_start3A_13, %dma_start3A_14] : memref<65536x128xf32, #tpu.memory_space<hbm>> -> memref<65536x128xf32, #tpu.memory_space<hbm>>
    tpu.enqueue_indirect_dma source(%dma_start3A_15 : memref<65536x128xf32, #tpu.memory_space<hbm>>) target(%arg15 : memref<64x128xf32, #tpu.memory_space<vmem>>) offsets(%dma_start3A_12 : memref<64xi32, #tpu.memory_space<vmem>>) semaphore(%arg20 : memref<!tpu.dma_semaphore, #tpu.memory_space<semaphore_mem>>)
    %dma_start3A_16 = arith.constant 0 : i32
    %dma_start3A_17 = arith.constant 0 : i32
    %dma_start3A_18 = tpu.memref_slice %arg13[%dma_start3A_16, %dma_start3A_17] : memref<4x128xi32, #tpu.memory_space<vmem>> -> memref<1x64xi32, #tpu.memory_space<vmem>>
    %dma_start3A_19 = tpu.memref_squeeze %dma_start3A_18 : memref<1x64xi32, #tpu.memory_space<vmem>> -> memref<64xi32, #tpu.memory_space<vmem>>
    %dma_start3A_20 = arith.constant 0 : i32
    %dma_start3A_21 = arith.constant 0 : i32
    %dma_start3A_22 = tpu.memref_slice %arg7[%dma_start3A_20, %dma_start3A_21] : memref<32768x256xf32, #tpu.memory_space<hbm>> -> memref<32768x256xf32, #tpu.memory_space<hbm>>
    tpu.enqueue_indirect_dma source(%dma_start3A_22 : memref<32768x256xf32, #tpu.memory_space<hbm>>) target(%arg16 : memref<64x256xf32, #tpu.memory_space<vmem>>) offsets(%dma_start3A_19 : memref<64xi32, #tpu.memory_space<vmem>>) semaphore(%arg20 : memref<!tpu.dma_semaphore, #tpu.memory_space<semaphore_mem>>)
    %dma_start3A_23 = arith.constant 0 : i32
    %dma_start3A_24 = arith.constant 64 : i32
    %dma_start3A_25 = tpu.memref_slice %arg11[%dma_start3A_23, %dma_start3A_24] : memref<4x128xi32, #tpu.memory_space<vmem>> -> memref<1x64xi32, #tpu.memory_space<vmem>>
    %dma_start3A_26 = tpu.memref_squeeze %dma_start3A_25 : memref<1x64xi32, #tpu.memory_space<vmem>> -> memref<64xi32, #tpu.memory_space<vmem>>
    %dma_start3A_27 = arith.constant 0 : i32
    %dma_start3A_28 = arith.constant 0 : i32
    %dma_start3A_29 = tpu.memref_slice %arg5[%dma_start3A_27, %dma_start3A_28] : memref<131072x128xf32, #tpu.memory_space<hbm>> -> memref<131072x128xf32, #tpu.memory_space<hbm>>
    tpu.enqueue_indirect_dma source(%dma_start3A_29 : memref<131072x128xf32, #tpu.memory_space<hbm>>) target(%arg17 : memref<64x128xf32, #tpu.memory_space<vmem>>) offsets(%dma_start3A_26 : memref<64xi32, #tpu.memory_space<vmem>>) semaphore(%arg21 : memref<!tpu.dma_semaphore, #tpu.memory_space<semaphore_mem>>)
    %dma_start3A_30 = arith.constant 0 : i32
    %dma_start3A_31 = arith.constant 64 : i32
    %dma_start3A_32 = tpu.memref_slice %arg12[%dma_start3A_30, %dma_start3A_31] : memref<4x128xi32, #tpu.memory_space<vmem>> -> memref<1x64xi32, #tpu.memory_space<vmem>>
    %dma_start3A_33 = tpu.memref_squeeze %dma_start3A_32 : memref<1x64xi32, #tpu.memory_space<vmem>> -> memref<64xi32, #tpu.memory_space<vmem>>
    %dma_start3A_34 = arith.constant 0 : i32
    %dma_start3A_35 = arith.constant 0 : i32
    %dma_start3A_36 = tpu.memref_slice %arg6[%dma_start3A_34, %dma_start3A_35] : memref<65536x128xf32, #tpu.memory_space<hbm>> -> memref<65536x128xf32, #tpu.memory_space<hbm>>
    tpu.enqueue_indirect_dma source(%dma_start3A_36 : memref<65536x128xf32, #tpu.memory_space<hbm>>) target(%arg18 : memref<64x128xf32, #tpu.memory_space<vmem>>) offsets(%dma_start3A_33 : memref<64xi32, #tpu.memory_space<vmem>>) semaphore(%arg21 : memref<!tpu.dma_semaphore, #tpu.memory_space<semaphore_mem>>)
    %dma_start3A_37 = arith.constant 0 : i32
    %dma_start3A_38 = arith.constant 64 : i32
    %dma_start3A_39 = tpu.memref_slice %arg13[%dma_start3A_37, %dma_start3A_38] : memref<4x128xi32, #tpu.memory_space<vmem>> -> memref<1x64xi32, #tpu.memory_space<vmem>>
    %dma_start3A_40 = tpu.memref_squeeze %dma_start3A_39 : memref<1x64xi32, #tpu.memory_space<vmem>> -> memref<64xi32, #tpu.memory_space<vmem>>
    %dma_start3A_41 = arith.constant 0 : i32
    %dma_start3A_42 = arith.constant 0 : i32
    %dma_start3A_43 = tpu.memref_slice %arg7[%dma_start3A_41, %dma_start3A_42] : memref<32768x256xf32, #tpu.memory_space<hbm>> -> memref<32768x256xf32, #tpu.memory_space<hbm>>
    tpu.enqueue_indirect_dma source(%dma_start3A_43 : memref<32768x256xf32, #tpu.memory_space<hbm>>) target(%arg19 : memref<64x256xf32, #tpu.memory_space<vmem>>) offsets(%dma_start3A_40 : memref<64xi32, #tpu.memory_space<vmem>>) semaphore(%arg21 : memref<!tpu.dma_semaphore, #tpu.memory_space<semaphore_mem>>)
    %dma_wait3A = arith.constant 0 : i32
    %dma_wait3A_44 = arith.constant 0 : i32
    %dma_wait3A_45 = tpu.memref_slice %arg11[%dma_wait3A, %dma_wait3A_44] : memref<4x128xi32, #tpu.memory_space<vmem>> -> memref<1x64xi32, #tpu.memory_space<vmem>>
    %dma_wait3A_46 = tpu.memref_squeeze %dma_wait3A_45 : memref<1x64xi32, #tpu.memory_space<vmem>> -> memref<64xi32, #tpu.memory_space<vmem>>
    %dma_wait3A_47 = arith.constant 0 : i32
    %dma_wait3A_48 = arith.constant 0 : i32
    %dma_wait3A_49 = tpu.memref_slice %arg5[%dma_wait3A_47, %dma_wait3A_48] : memref<131072x128xf32, #tpu.memory_space<hbm>> -> memref<131072x128xf32, #tpu.memory_space<hbm>>
    tpu.wait_indirect_dma semaphore(%arg20 : memref<!tpu.dma_semaphore, #tpu.memory_space<semaphore_mem>>) src(%dma_wait3A_49 : memref<131072x128xf32, #tpu.memory_space<hbm>>) dst(%arg14 : memref<64x128xf32, #tpu.memory_space<vmem>>)
    %dma_wait3A_50 = arith.constant 0 : i32
    %dma_wait3A_51 = arith.constant 0 : i32
    %dma_wait3A_52 = tpu.memref_slice %arg12[%dma_wait3A_50, %dma_wait3A_51] : memref<4x128xi32, #tpu.memory_space<vmem>> -> memref<1x64xi32, #tpu.memory_space<vmem>>
    %dma_wait3A_53 = tpu.memref_squeeze %dma_wait3A_52 : memref<1x64xi32, #tpu.memory_space<vmem>> -> memref<64xi32, #tpu.memory_space<vmem>>
    %dma_wait3A_54 = arith.constant 0 : i32
    %dma_wait3A_55 = arith.constant 0 : i32
    %dma_wait3A_56 = tpu.memref_slice %arg6[%dma_wait3A_54, %dma_wait3A_55] : memref<65536x128xf32, #tpu.memory_space<hbm>> -> memref<65536x128xf32, #tpu.memory_space<hbm>>
    tpu.wait_indirect_dma semaphore(%arg20 : memref<!tpu.dma_semaphore, #tpu.memory_space<semaphore_mem>>) src(%dma_wait3A_56 : memref<65536x128xf32, #tpu.memory_space<hbm>>) dst(%arg15 : memref<64x128xf32, #tpu.memory_space<vmem>>)
    %dma_wait3A_57 = arith.constant 0 : i32
    %dma_wait3A_58 = arith.constant 0 : i32
    %dma_wait3A_59 = tpu.memref_slice %arg13[%dma_wait3A_57, %dma_wait3A_58] : memref<4x128xi32, #tpu.memory_space<vmem>> -> memref<1x64xi32, #tpu.memory_space<vmem>>
    %dma_wait3A_60 = tpu.memref_squeeze %dma_wait3A_59 : memref<1x64xi32, #tpu.memory_space<vmem>> -> memref<64xi32, #tpu.memory_space<vmem>>
    %dma_wait3A_61 = arith.constant 0 : i32
    %dma_wait3A_62 = arith.constant 0 : i32
    %dma_wait3A_63 = tpu.memref_slice %arg7[%dma_wait3A_61, %dma_wait3A_62] : memref<32768x256xf32, #tpu.memory_space<hbm>> -> memref<32768x256xf32, #tpu.memory_space<hbm>>
    tpu.wait_indirect_dma semaphore(%arg20 : memref<!tpu.dma_semaphore, #tpu.memory_space<semaphore_mem>>) src(%dma_wait3A_63 : memref<32768x256xf32, #tpu.memory_space<hbm>>) dst(%arg16 : memref<64x256xf32, #tpu.memory_space<vmem>>)
    %mul3A_64 = arith.constant 128 : i32
    %mul3A_65 = arith.muli %mul3A_2, %mul3A_64 : i32
    %add3A_66 = arith.constant 0 : i32
    %add3A_67 = arith.addi %mul3A_65, %add3A_66 : i32
    %dma_start3A_68 = arith.constant 0 : i32
    %dma_start3A_69 = tpu.memref_slice %arg8[%add3A_67, %dma_start3A_68] : memref<16384x128xf32, #tpu.memory_space<hbm>> -> memref<64x128xf32, #tpu.memory_space<hbm>>
    %dma_start3A_70 = arith.constant 0 : i32
    %dma_start3A_71 = tpu.memref_slice %arg8[%add3A_67, %dma_start3A_70] : memref<16384x128xf32, #tpu.memory_space<hbm>> -> memref<64x128xf32, #tpu.memory_space<hbm>>
    tpu.enqueue_dma source(%arg14 : memref<64x128xf32, #tpu.memory_space<vmem>>) target(%dma_start3A_71 : memref<64x128xf32, #tpu.memory_space<hbm>>) target_semaphore(%arg22 : memref<!tpu.dma_semaphore, #tpu.memory_space<semaphore_mem>>)
    %dma_start3A_72 = arith.constant 0 : i32
    %dma_start3A_73 = tpu.memref_slice %arg9[%add3A_67, %dma_start3A_72] : memref<16384x128xf32, #tpu.memory_space<hbm>> -> memref<64x128xf32, #tpu.memory_space<hbm>>
    %dma_start3A_74 = arith.constant 0 : i32
    %dma_start3A_75 = tpu.memref_slice %arg9[%add3A_67, %dma_start3A_74] : memref<16384x128xf32, #tpu.memory_space<hbm>> -> memref<64x128xf32, #tpu.memory_space<hbm>>
    tpu.enqueue_dma source(%arg15 : memref<64x128xf32, #tpu.memory_space<vmem>>) target(%dma_start3A_75 : memref<64x128xf32, #tpu.memory_space<hbm>>) target_semaphore(%arg22 : memref<!tpu.dma_semaphore, #tpu.memory_space<semaphore_mem>>)
    %dma_start3A_76 = arith.constant 0 : i32
    %dma_start3A_77 = tpu.memref_slice %arg10[%add3A_67, %dma_start3A_76] : memref<16384x256xf32, #tpu.memory_space<hbm>> -> memref<64x256xf32, #tpu.memory_space<hbm>>
    %dma_start3A_78 = arith.constant 0 : i32
    %dma_start3A_79 = tpu.memref_slice %arg10[%add3A_67, %dma_start3A_78] : memref<16384x256xf32, #tpu.memory_space<hbm>> -> memref<64x256xf32, #tpu.memory_space<hbm>>
    tpu.enqueue_dma source(%arg16 : memref<64x256xf32, #tpu.memory_space<vmem>>) target(%dma_start3A_79 : memref<64x256xf32, #tpu.memory_space<hbm>>) target_semaphore(%arg22 : memref<!tpu.dma_semaphore, #tpu.memory_space<semaphore_mem>>)
    %dma_wait3A_80 = arith.constant 0 : i32
    %dma_wait3A_81 = tpu.memref_slice %arg8[%add3A_67, %dma_wait3A_80] : memref<16384x128xf32, #tpu.memory_space<hbm>> -> memref<64x128xf32, #tpu.memory_space<hbm>>
    %dma_wait3A_82 = arith.constant 0 : i32
    %dma_wait3A_83 = tpu.memref_slice %arg8[%add3A_67, %dma_wait3A_82] : memref<16384x128xf32, #tpu.memory_space<hbm>> -> memref<64x128xf32, #tpu.memory_space<hbm>>
    tpu.wait_dma2 semaphore(%arg22 : memref<!tpu.dma_semaphore, #tpu.memory_space<semaphore_mem>>) src(%arg14 : memref<64x128xf32, #tpu.memory_space<vmem>>) dst(%dma_wait3A_83 : memref<64x128xf32, #tpu.memory_space<hbm>>)
    %dma_wait3A_84 = arith.constant 0 : i32
    %dma_wait3A_85 = tpu.memref_slice %arg9[%add3A_67, %dma_wait3A_84] : memref<16384x128xf32, #tpu.memory_space<hbm>> -> memref<64x128xf32, #tpu.memory_space<hbm>>
    %dma_wait3A_86 = arith.constant 0 : i32
    %dma_wait3A_87 = tpu.memref_slice %arg9[%add3A_67, %dma_wait3A_86] : memref<16384x128xf32, #tpu.memory_space<hbm>> -> memref<64x128xf32, #tpu.memory_space<hbm>>
    tpu.wait_dma2 semaphore(%arg22 : memref<!tpu.dma_semaphore, #tpu.memory_space<semaphore_mem>>) src(%arg15 : memref<64x128xf32, #tpu.memory_space<vmem>>) dst(%dma_wait3A_87 : memref<64x128xf32, #tpu.memory_space<hbm>>)
    %dma_wait3A_88 = arith.constant 0 : i32
    %dma_wait3A_89 = tpu.memref_slice %arg10[%add3A_67, %dma_wait3A_88] : memref<16384x256xf32, #tpu.memory_space<hbm>> -> memref<64x256xf32, #tpu.memory_space<hbm>>
    %dma_wait3A_90 = arith.constant 0 : i32
    %dma_wait3A_91 = tpu.memref_slice %arg10[%add3A_67, %dma_wait3A_90] : memref<16384x256xf32, #tpu.memory_space<hbm>> -> memref<64x256xf32, #tpu.memory_space<hbm>>
    tpu.wait_dma2 semaphore(%arg22 : memref<!tpu.dma_semaphore, #tpu.memory_space<semaphore_mem>>) src(%arg16 : memref<64x256xf32, #tpu.memory_space<vmem>>) dst(%dma_wait3A_91 : memref<64x256xf32, #tpu.memory_space<hbm>>)
    %dma_start3A_92 = arith.constant 1 : i32
    %dma_start3A_93 = arith.constant 0 : i32
    %dma_start3A_94 = tpu.memref_slice %arg11[%dma_start3A_92, %dma_start3A_93] : memref<4x128xi32, #tpu.memory_space<vmem>> -> memref<1x64xi32, #tpu.memory_space<vmem>>
    %dma_start3A_95 = tpu.memref_squeeze %dma_start3A_94 : memref<1x64xi32, #tpu.memory_space<vmem>> -> memref<64xi32, #tpu.memory_space<vmem>>
    %dma_start3A_96 = arith.constant 0 : i32
    %dma_start3A_97 = arith.constant 0 : i32
    %dma_start3A_98 = tpu.memref_slice %arg5[%dma_start3A_96, %dma_start3A_97] : memref<131072x128xf32, #tpu.memory_space<hbm>> -> memref<131072x128xf32, #tpu.memory_space<hbm>>
    tpu.enqueue_indirect_dma source(%dma_start3A_98 : memref<131072x128xf32, #tpu.memory_space<hbm>>) target(%arg14 : memref<64x128xf32, #tpu.memory_space<vmem>>) offsets(%dma_start3A_95 : memref<64xi32, #tpu.memory_space<vmem>>) semaphore(%arg20 : memref<!tpu.dma_semaphore, #tpu.memory_space<semaphore_mem>>)
    %dma_start3A_99 = arith.constant 1 : i32
    %dma_start3A_100 = arith.constant 0 : i32
    %dma_start3A_101 = tpu.memref_slice %arg12[%dma_start3A_99, %dma_start3A_100] : memref<4x128xi32, #tpu.memory_space<vmem>> -> memref<1x64xi32, #tpu.memory_space<vmem>>
    %dma_start3A_102 = tpu.memref_squeeze %dma_start3A_101 : memref<1x64xi32, #tpu.memory_space<vmem>> -> memref<64xi32, #tpu.memory_space<vmem>>
    %dma_start3A_103 = arith.constant 0 : i32
    %dma_start3A_104 = arith.constant 0 : i32
    %dma_start3A_105 = tpu.memref_slice %arg6[%dma_start3A_103, %dma_start3A_104] : memref<65536x128xf32, #tpu.memory_space<hbm>> -> memref<65536x128xf32, #tpu.memory_space<hbm>>
    tpu.enqueue_indirect_dma source(%dma_start3A_105 : memref<65536x128xf32, #tpu.memory_space<hbm>>) target(%arg15 : memref<64x128xf32, #tpu.memory_space<vmem>>) offsets(%dma_start3A_102 : memref<64xi32, #tpu.memory_space<vmem>>) semaphore(%arg20 : memref<!tpu.dma_semaphore, #tpu.memory_space<semaphore_mem>>)
    %dma_start3A_106 = arith.constant 1 : i32
    %dma_start3A_107 = arith.constant 0 : i32
    %dma_start3A_108 = tpu.memref_slice %arg13[%dma_start3A_106, %dma_start3A_107] : memref<4x128xi32, #tpu.memory_space<vmem>> -> memref<1x64xi32, #tpu.memory_space<vmem>>
    %dma_start3A_109 = tpu.memref_squeeze %dma_start3A_108 : memref<1x64xi32, #tpu.memory_space<vmem>> -> memref<64xi32, #tpu.memory_space<vmem>>
    %dma_start3A_110 = arith.constant 0 : i32
    %dma_start3A_111 = arith.constant 0 : i32
    %dma_start3A_112 = tpu.memref_slice %arg7[%dma_start3A_110, %dma_start3A_111] : memref<32768x256xf32, #tpu.memory_space<hbm>> -> memref<32768x256xf32, #tpu.memory_space<hbm>>
    tpu.enqueue_indirect_dma source(%dma_start3A_112 : memref<32768x256xf32, #tpu.memory_space<hbm>>) target(%arg16 : memref<64x256xf32, #tpu.memory_space<vmem>>) offsets(%dma_start3A_109 : memref<64xi32, #tpu.memory_space<vmem>>) semaphore(%arg20 : memref<!tpu.dma_semaphore, #tpu.memory_space<semaphore_mem>>)
    %dma_wait3A_113 = arith.constant 0 : i32
    %dma_wait3A_114 = arith.constant 64 : i32
    %dma_wait3A_115 = tpu.memref_slice %arg11[%dma_wait3A_113, %dma_wait3A_114] : memref<4x128xi32, #tpu.memory_space<vmem>> -> memref<1x64xi32, #tpu.memory_space<vmem>>
    %dma_wait3A_116 = tpu.memref_squeeze %dma_wait3A_115 : memref<1x64xi32, #tpu.memory_space<vmem>> -> memref<64xi32, #tpu.memory_space<vmem>>
    %dma_wait3A_117 = arith.constant 0 : i32
    %dma_wait3A_118 = arith.constant 0 : i32
    %dma_wait3A_119 = tpu.memref_slice %arg5[%dma_wait3A_117, %dma_wait3A_118] : memref<131072x128xf32, #tpu.memory_space<hbm>> -> memref<131072x128xf32, #tpu.memory_space<hbm>>
    tpu.wait_indirect_dma semaphore(%arg21 : memref<!tpu.dma_semaphore, #tpu.memory_space<semaphore_mem>>) src(%dma_wait3A_119 : memref<131072x128xf32, #tpu.memory_space<hbm>>) dst(%arg17 : memref<64x128xf32, #tpu.memory_space<vmem>>)
    %dma_wait3A_120 = arith.constant 0 : i32
    %dma_wait3A_121 = arith.constant 64 : i32
    %dma_wait3A_122 = tpu.memref_slice %arg12[%dma_wait3A_120, %dma_wait3A_121] : memref<4x128xi32, #tpu.memory_space<vmem>> -> memref<1x64xi32, #tpu.memory_space<vmem>>
    %dma_wait3A_123 = tpu.memref_squeeze %dma_wait3A_122 : memref<1x64xi32, #tpu.memory_space<vmem>> -> memref<64xi32, #tpu.memory_space<vmem>>
    %dma_wait3A_124 = arith.constant 0 : i32
    %dma_wait3A_125 = arith.constant 0 : i32
    %dma_wait3A_126 = tpu.memref_slice %arg6[%dma_wait3A_124, %dma_wait3A_125] : memref<65536x128xf32, #tpu.memory_space<hbm>> -> memref<65536x128xf32, #tpu.memory_space<hbm>>
    tpu.wait_indirect_dma semaphore(%arg21 : memref<!tpu.dma_semaphore, #tpu.memory_space<semaphore_mem>>) src(%dma_wait3A_126 : memref<65536x128xf32, #tpu.memory_space<hbm>>) dst(%arg18 : memref<64x128xf32, #tpu.memory_space<vmem>>)
    %dma_wait3A_127 = arith.constant 0 : i32
    %dma_wait3A_128 = arith.constant 64 : i32
    %dma_wait3A_129 = tpu.memref_slice %arg13[%dma_wait3A_127, %dma_wait3A_128] : memref<4x128xi32, #tpu.memory_space<vmem>> -> memref<1x64xi32, #tpu.memory_space<vmem>>
    %dma_wait3A_130 = tpu.memref_squeeze %dma_wait3A_129 : memref<1x64xi32, #tpu.memory_space<vmem>> -> memref<64xi32, #tpu.memory_space<vmem>>
    %dma_wait3A_131 = arith.constant 0 : i32
    %dma_wait3A_132 = arith.constant 0 : i32
    %dma_wait3A_133 = tpu.memref_slice %arg7[%dma_wait3A_131, %dma_wait3A_132] : memref<32768x256xf32, #tpu.memory_space<hbm>> -> memref<32768x256xf32, #tpu.memory_space<hbm>>
    tpu.wait_indirect_dma semaphore(%arg21 : memref<!tpu.dma_semaphore, #tpu.memory_space<semaphore_mem>>) src(%dma_wait3A_133 : memref<32768x256xf32, #tpu.memory_space<hbm>>) dst(%arg19 : memref<64x256xf32, #tpu.memory_space<vmem>>)
    %mul3A_134 = arith.constant 128 : i32
    %mul3A_135 = arith.muli %mul3A_2, %mul3A_134 : i32
    %add3A_136 = arith.constant 64 : i32
    %add3A_137 = arith.addi %mul3A_135, %add3A_136 : i32
    %dma_start3A_138 = arith.constant 0 : i32
    %dma_start3A_139 = tpu.memref_slice %arg8[%add3A_137, %dma_start3A_138] : memref<16384x128xf32, #tpu.memory_space<hbm>> -> memref<64x128xf32, #tpu.memory_space<hbm>>
    %dma_start3A_140 = arith.constant 0 : i32
    %dma_start3A_141 = tpu.memref_slice %arg8[%add3A_137, %dma_start3A_140] : memref<16384x128xf32, #tpu.memory_space<hbm>> -> memref<64x128xf32, #tpu.memory_space<hbm>>
    tpu.enqueue_dma source(%arg17 : memref<64x128xf32, #tpu.memory_space<vmem>>) target(%dma_start3A_141 : memref<64x128xf32, #tpu.memory_space<hbm>>) target_semaphore(%arg23 : memref<!tpu.dma_semaphore, #tpu.memory_space<semaphore_mem>>)
    %dma_start3A_142 = arith.constant 0 : i32
    %dma_start3A_143 = tpu.memref_slice %arg9[%add3A_137, %dma_start3A_142] : memref<16384x128xf32, #tpu.memory_space<hbm>> -> memref<64x128xf32, #tpu.memory_space<hbm>>
    %dma_start3A_144 = arith.constant 0 : i32
    %dma_start3A_145 = tpu.memref_slice %arg9[%add3A_137, %dma_start3A_144] : memref<16384x128xf32, #tpu.memory_space<hbm>> -> memref<64x128xf32, #tpu.memory_space<hbm>>
    tpu.enqueue_dma source(%arg18 : memref<64x128xf32, #tpu.memory_space<vmem>>) target(%dma_start3A_145 : memref<64x128xf32, #tpu.memory_space<hbm>>) target_semaphore(%arg23 : memref<!tpu.dma_semaphore, #tpu.memory_space<semaphore_mem>>)
    %dma_start3A_146 = arith.constant 0 : i32
    %dma_start3A_147 = tpu.memref_slice %arg10[%add3A_137, %dma_start3A_146] : memref<16384x256xf32, #tpu.memory_space<hbm>> -> memref<64x256xf32, #tpu.memory_space<hbm>>
    %dma_start3A_148 = arith.constant 0 : i32
    %dma_start3A_149 = tpu.memref_slice %arg10[%add3A_137, %dma_start3A_148] : memref<16384x256xf32, #tpu.memory_space<hbm>> -> memref<64x256xf32, #tpu.memory_space<hbm>>
    tpu.enqueue_dma source(%arg19 : memref<64x256xf32, #tpu.memory_space<vmem>>) target(%dma_start3A_149 : memref<64x256xf32, #tpu.memory_space<hbm>>) target_semaphore(%arg23 : memref<!tpu.dma_semaphore, #tpu.memory_space<semaphore_mem>>)
    %dma_wait3A_150 = arith.constant 0 : i32
    %dma_wait3A_151 = tpu.memref_slice %arg8[%add3A_137, %dma_wait3A_150] : memref<16384x128xf32, #tpu.memory_space<hbm>> -> memref<64x128xf32, #tpu.memory_space<hbm>>
    %dma_wait3A_152 = arith.constant 0 : i32
    %dma_wait3A_153 = tpu.memref_slice %arg8[%add3A_137, %dma_wait3A_152] : memref<16384x128xf32, #tpu.memory_space<hbm>> -> memref<64x128xf32, #tpu.memory_space<hbm>>
    tpu.wait_dma2 semaphore(%arg23 : memref<!tpu.dma_semaphore, #tpu.memory_space<semaphore_mem>>) src(%arg17 : memref<64x128xf32, #tpu.memory_space<vmem>>) dst(%dma_wait3A_153 : memref<64x128xf32, #tpu.memory_space<hbm>>)
    %dma_wait3A_154 = arith.constant 0 : i32
    %dma_wait3A_155 = tpu.memref_slice %arg9[%add3A_137, %dma_wait3A_154] : memref<16384x128xf32, #tpu.memory_space<hbm>> -> memref<64x128xf32, #tpu.memory_space<hbm>>
    %dma_wait3A_156 = arith.constant 0 : i32
    %dma_wait3A_157 = tpu.memref_slice %arg9[%add3A_137, %dma_wait3A_156] : memref<16384x128xf32, #tpu.memory_space<hbm>> -> memref<64x128xf32, #tpu.memory_space<hbm>>
    tpu.wait_dma2 semaphore(%arg23 : memref<!tpu.dma_semaphore, #tpu.memory_space<semaphore_mem>>) src(%arg18 : memref<64x128xf32, #tpu.memory_space<vmem>>) dst(%dma_wait3A_157 : memref<64x128xf32, #tpu.memory_space<hbm>>)
    %dma_wait3A_158 = arith.constant 0 : i32
    %dma_wait3A_159 = tpu.memref_slice %arg10[%add3A_137, %dma_wait3A_158] : memref<16384x256xf32, #tpu.memory_space<hbm>> -> memref<64x256xf32, #tpu.memory_space<hbm>>
    %dma_wait3A_160 = arith.constant 0 : i32
    %dma_wait3A_161 = tpu.memref_slice %arg10[%add3A_137, %dma_wait3A_160] : memref<16384x256xf32, #tpu.memory_space<hbm>> -> memref<64x256xf32, #tpu.memory_space<hbm>>
    tpu.wait_dma2 semaphore(%arg23 : memref<!tpu.dma_semaphore, #tpu.memory_space<semaphore_mem>>) src(%arg19 : memref<64x256xf32, #tpu.memory_space<vmem>>) dst(%dma_wait3A_161 : memref<64x256xf32, #tpu.memory_space<hbm>>)
    %dma_start3A_162 = arith.constant 1 : i32
    %dma_start3A_163 = arith.constant 64 : i32
    %dma_start3A_164 = tpu.memref_slice %arg11[%dma_start3A_162, %dma_start3A_163] : memref<4x128xi32, #tpu.memory_space<vmem>> -> memref<1x64xi32, #tpu.memory_space<vmem>>
    %dma_start3A_165 = tpu.memref_squeeze %dma_start3A_164 : memref<1x64xi32, #tpu.memory_space<vmem>> -> memref<64xi32, #tpu.memory_space<vmem>>
    %dma_start3A_166 = arith.constant 0 : i32
    %dma_start3A_167 = arith.constant 0 : i32
    %dma_start3A_168 = tpu.memref_slice %arg5[%dma_start3A_166, %dma_start3A_167] : memref<131072x128xf32, #tpu.memory_space<hbm>> -> memref<131072x128xf32, #tpu.memory_space<hbm>>
    tpu.enqueue_indirect_dma source(%dma_start3A_168 : memref<131072x128xf32, #tpu.memory_space<hbm>>) target(%arg17 : memref<64x128xf32, #tpu.memory_space<vmem>>) offsets(%dma_start3A_165 : memref<64xi32, #tpu.memory_space<vmem>>) semaphore(%arg21 : memref<!tpu.dma_semaphore, #tpu.memory_space<semaphore_mem>>)
    %dma_start3A_169 = arith.constant 1 : i32
    %dma_start3A_170 = arith.constant 64 : i32
    %dma_start3A_171 = tpu.memref_slice %arg12[%dma_start3A_169, %dma_start3A_170] : memref<4x128xi32, #tpu.memory_space<vmem>> -> memref<1x64xi32, #tpu.memory_space<vmem>>
    %dma_start3A_172 = tpu.memref_squeeze %dma_start3A_171 : memref<1x64xi32, #tpu.memory_space<vmem>> -> memref<64xi32, #tpu.memory_space<vmem>>
    %dma_start3A_173 = arith.constant 0 : i32
    %dma_start3A_174 = arith.constant 0 : i32
    %dma_start3A_175 = tpu.memref_slice %arg6[%dma_start3A_173, %dma_start3A_174] : memref<65536x128xf32, #tpu.memory_space<hbm>> -> memref<65536x128xf32, #tpu.memory_space<hbm>>
    tpu.enqueue_indirect_dma source(%dma_start3A_175 : memref<65536x128xf32, #tpu.memory_space<hbm>>) target(%arg18 : memref<64x128xf32, #tpu.memory_space<vmem>>) offsets(%dma_start3A_172 : memref<64xi32, #tpu.memory_space<vmem>>) semaphore(%arg21 : memref<!tpu.dma_semaphore, #tpu.memory_space<semaphore_mem>>)
    %dma_start3A_176 = arith.constant 1 : i32
    %dma_start3A_177 = arith.constant 64 : i32
    %dma_start3A_178 = tpu.memref_slice %arg13[%dma_start3A_176, %dma_start3A_177] : memref<4x128xi32, #tpu.memory_space<vmem>> -> memref<1x64xi32, #tpu.memory_space<vmem>>
    %dma_start3A_179 = tpu.memref_squeeze %dma_start3A_178 : memref<1x64xi32, #tpu.memory_space<vmem>> -> memref<64xi32, #tpu.memory_space<vmem>>
    %dma_start3A_180 = arith.constant 0 : i32
    %dma_start3A_181 = arith.constant 0 : i32
    %dma_start3A_182 = tpu.memref_slice %arg7[%dma_start3A_180, %dma_start3A_181] : memref<32768x256xf32, #tpu.memory_space<hbm>> -> memref<32768x256xf32, #tpu.memory_space<hbm>>
    tpu.enqueue_indirect_dma source(%dma_start3A_182 : memref<32768x256xf32, #tpu.memory_space<hbm>>) target(%arg19 : memref<64x256xf32, #tpu.memory_space<vmem>>) offsets(%dma_start3A_179 : memref<64xi32, #tpu.memory_space<vmem>>) semaphore(%arg21 : memref<!tpu.dma_semaphore, #tpu.memory_space<semaphore_mem>>)
    %dma_wait3A_183 = arith.constant 1 : i32
    %dma_wait3A_184 = arith.constant 0 : i32
    %dma_wait3A_185 = tpu.memref_slice %arg11[%dma_wait3A_183, %dma_wait3A_184] : memref<4x128xi32, #tpu.memory_space<vmem>> -> memref<1x64xi32, #tpu.memory_space<vmem>>
    %dma_wait3A_186 = tpu.memref_squeeze %dma_wait3A_185 : memref<1x64xi32, #tpu.memory_space<vmem>> -> memref<64xi32, #tpu.memory_space<vmem>>
    %dma_wait3A_187 = arith.constant 0 : i32
    %dma_wait3A_188 = arith.constant 0 : i32
    %dma_wait3A_189 = tpu.memref_slice %arg5[%dma_wait3A_187, %dma_wait3A_188] : memref<131072x128xf32, #tpu.memory_space<hbm>> -> memref<131072x128xf32, #tpu.memory_space<hbm>>
    tpu.wait_indirect_dma semaphore(%arg20 : memref<!tpu.dma_semaphore, #tpu.memory_space<semaphore_mem>>) src(%dma_wait3A_189 : memref<131072x128xf32, #tpu.memory_space<hbm>>) dst(%arg14 : memref<64x128xf32, #tpu.memory_space<vmem>>)
    %dma_wait3A_190 = arith.constant 1 : i32
    %dma_wait3A_191 = arith.constant 0 : i32
    %dma_wait3A_192 = tpu.memref_slice %arg12[%dma_wait3A_190, %dma_wait3A_191] : memref<4x128xi32, #tpu.memory_space<vmem>> -> memref<1x64xi32, #tpu.memory_space<vmem>>
    %dma_wait3A_193 = tpu.memref_squeeze %dma_wait3A_192 : memref<1x64xi32, #tpu.memory_space<vmem>> -> memref<64xi32, #tpu.memory_space<vmem>>
    %dma_wait3A_194 = arith.constant 0 : i32
    %dma_wait3A_195 = arith.constant 0 : i32
    %dma_wait3A_196 = tpu.memref_slice %arg6[%dma_wait3A_194, %dma_wait3A_195] : memref<65536x128xf32, #tpu.memory_space<hbm>> -> memref<65536x128xf32, #tpu.memory_space<hbm>>
    tpu.wait_indirect_dma semaphore(%arg20 : memref<!tpu.dma_semaphore, #tpu.memory_space<semaphore_mem>>) src(%dma_wait3A_196 : memref<65536x128xf32, #tpu.memory_space<hbm>>) dst(%arg15 : memref<64x128xf32, #tpu.memory_space<vmem>>)
    %dma_wait3A_197 = arith.constant 1 : i32
    %dma_wait3A_198 = arith.constant 0 : i32
    %dma_wait3A_199 = tpu.memref_slice %arg13[%dma_wait3A_197, %dma_wait3A_198] : memref<4x128xi32, #tpu.memory_space<vmem>> -> memref<1x64xi32, #tpu.memory_space<vmem>>
    %dma_wait3A_200 = tpu.memref_squeeze %dma_wait3A_199 : memref<1x64xi32, #tpu.memory_space<vmem>> -> memref<64xi32, #tpu.memory_space<vmem>>
    %dma_wait3A_201 = arith.constant 0 : i32
    %dma_wait3A_202 = arith.constant 0 : i32
    %dma_wait3A_203 = tpu.memref_slice %arg7[%dma_wait3A_201, %dma_wait3A_202] : memref<32768x256xf32, #tpu.memory_space<hbm>> -> memref<32768x256xf32, #tpu.memory_space<hbm>>
    tpu.wait_indirect_dma semaphore(%arg20 : memref<!tpu.dma_semaphore, #tpu.memory_space<semaphore_mem>>) src(%dma_wait3A_203 : memref<32768x256xf32, #tpu.memory_space<hbm>>) dst(%arg16 : memref<64x256xf32, #tpu.memory_space<vmem>>)
    %mul3A_204 = arith.constant 128 : i32
    %mul3A_205 = arith.muli %mul3A_2, %mul3A_204 : i32
    %add3A_206 = arith.constant 128 : i32
    %add3A_207 = arith.addi %mul3A_205, %add3A_206 : i32
    %dma_start3A_208 = arith.constant 0 : i32
    %dma_start3A_209 = tpu.memref_slice %arg8[%add3A_207, %dma_start3A_208] : memref<16384x128xf32, #tpu.memory_space<hbm>> -> memref<64x128xf32, #tpu.memory_space<hbm>>
    %dma_start3A_210 = arith.constant 0 : i32
    %dma_start3A_211 = tpu.memref_slice %arg8[%add3A_207, %dma_start3A_210] : memref<16384x128xf32, #tpu.memory_space<hbm>> -> memref<64x128xf32, #tpu.memory_space<hbm>>
    tpu.enqueue_dma source(%arg14 : memref<64x128xf32, #tpu.memory_space<vmem>>) target(%dma_start3A_211 : memref<64x128xf32, #tpu.memory_space<hbm>>) target_semaphore(%arg22 : memref<!tpu.dma_semaphore, #tpu.memory_space<semaphore_mem>>)
    %dma_start3A_212 = arith.constant 0 : i32
    %dma_start3A_213 = tpu.memref_slice %arg9[%add3A_207, %dma_start3A_212] : memref<16384x128xf32, #tpu.memory_space<hbm>> -> memref<64x128xf32, #tpu.memory_space<hbm>>
    %dma_start3A_214 = arith.constant 0 : i32
    %dma_start3A_215 = tpu.memref_slice %arg9[%add3A_207, %dma_start3A_214] : memref<16384x128xf32, #tpu.memory_space<hbm>> -> memref<64x128xf32, #tpu.memory_space<hbm>>
    tpu.enqueue_dma source(%arg15 : memref<64x128xf32, #tpu.memory_space<vmem>>) target(%dma_start3A_215 : memref<64x128xf32, #tpu.memory_space<hbm>>) target_semaphore(%arg22 : memref<!tpu.dma_semaphore, #tpu.memory_space<semaphore_mem>>)
    %dma_start3A_216 = arith.constant 0 : i32
    %dma_start3A_217 = tpu.memref_slice %arg10[%add3A_207, %dma_start3A_216] : memref<16384x256xf32, #tpu.memory_space<hbm>> -> memref<64x256xf32, #tpu.memory_space<hbm>>
    %dma_start3A_218 = arith.constant 0 : i32
    %dma_start3A_219 = tpu.memref_slice %arg10[%add3A_207, %dma_start3A_218] : memref<16384x256xf32, #tpu.memory_space<hbm>> -> memref<64x256xf32, #tpu.memory_space<hbm>>
    tpu.enqueue_dma source(%arg16 : memref<64x256xf32, #tpu.memory_space<vmem>>) target(%dma_start3A_219 : memref<64x256xf32, #tpu.memory_space<hbm>>) target_semaphore(%arg22 : memref<!tpu.dma_semaphore, #tpu.memory_space<semaphore_mem>>)
    %dma_wait3A_220 = arith.constant 0 : i32
    %dma_wait3A_221 = tpu.memref_slice %arg8[%add3A_207, %dma_wait3A_220] : memref<16384x128xf32, #tpu.memory_space<hbm>> -> memref<64x128xf32, #tpu.memory_space<hbm>>
    %dma_wait3A_222 = arith.constant 0 : i32
    %dma_wait3A_223 = tpu.memref_slice %arg8[%add3A_207, %dma_wait3A_222] : memref<16384x128xf32, #tpu.memory_space<hbm>> -> memref<64x128xf32, #tpu.memory_space<hbm>>
    tpu.wait_dma2 semaphore(%arg22 : memref<!tpu.dma_semaphore, #tpu.memory_space<semaphore_mem>>) src(%arg14 : memref<64x128xf32, #tpu.memory_space<vmem>>) dst(%dma_wait3A_223 : memref<64x128xf32, #tpu.memory_space<hbm>>)
    %dma_wait3A_224 = arith.constant 0 : i32
    %dma_wait3A_225 = tpu.memref_slice %arg9[%add3A_207, %dma_wait3A_224] : memref<16384x128xf32, #tpu.memory_space<hbm>> -> memref<64x128xf32, #tpu.memory_space<hbm>>
    %dma_wait3A_226 = arith.constant 0 : i32
    %dma_wait3A_227 = tpu.memref_slice %arg9[%add3A_207, %dma_wait3A_226] : memref<16384x128xf32, #tpu.memory_space<hbm>> -> memref<64x128xf32, #tpu.memory_space<hbm>>
    tpu.wait_dma2 semaphore(%arg22 : memref<!tpu.dma_semaphore, #tpu.memory_space<semaphore_mem>>) src(%arg15 : memref<64x128xf32, #tpu.memory_space<vmem>>) dst(%dma_wait3A_227 : memref<64x128xf32, #tpu.memory_space<hbm>>)
    %dma_wait3A_228 = arith.constant 0 : i32
    %dma_wait3A_229 = tpu.memref_slice %arg10[%add3A_207, %dma_wait3A_228] : memref<16384x256xf32, #tpu.memory_space<hbm>> -> memref<64x256xf32, #tpu.memory_space<hbm>>
    %dma_wait3A_230 = arith.constant 0 : i32
    %dma_wait3A_231 = tpu.memref_slice %arg10[%add3A_207, %dma_wait3A_230] : memref<16384x256xf32, #tpu.memory_space<hbm>> -> memref<64x256xf32, #tpu.memory_space<hbm>>
    tpu.wait_dma2 semaphore(%arg22 : memref<!tpu.dma_semaphore, #tpu.memory_space<semaphore_mem>>) src(%arg16 : memref<64x256xf32, #tpu.memory_space<vmem>>) dst(%dma_wait3A_231 : memref<64x256xf32, #tpu.memory_space<hbm>>)
    %dma_start3A_232 = arith.constant 2 : i32
    %dma_start3A_233 = arith.constant 0 : i32
    %dma_start3A_234 = tpu.memref_slice %arg11[%dma_start3A_232, %dma_start3A_233] : memref<4x128xi32, #tpu.memory_space<vmem>> -> memref<1x64xi32, #tpu.memory_space<vmem>>
    %dma_start3A_235 = tpu.memref_squeeze %dma_start3A_234 : memref<1x64xi32, #tpu.memory_space<vmem>> -> memref<64xi32, #tpu.memory_space<vmem>>
    %dma_start3A_236 = arith.constant 0 : i32
    %dma_start3A_237 = arith.constant 0 : i32
    %dma_start3A_238 = tpu.memref_slice %arg5[%dma_start3A_236, %dma_start3A_237] : memref<131072x128xf32, #tpu.memory_space<hbm>> -> memref<131072x128xf32, #tpu.memory_space<hbm>>
    tpu.enqueue_indirect_dma source(%dma_start3A_238 : memref<131072x128xf32, #tpu.memory_space<hbm>>) target(%arg14 : memref<64x128xf32, #tpu.memory_space<vmem>>) offsets(%dma_start3A_235 : memref<64xi32, #tpu.memory_space<vmem>>) semaphore(%arg20 : memref<!tpu.dma_semaphore, #tpu.memory_space<semaphore_mem>>)
    %dma_start3A_239 = arith.constant 2 : i32
    %dma_start3A_240 = arith.constant 0 : i32
    %dma_start3A_241 = tpu.memref_slice %arg12[%dma_start3A_239, %dma_start3A_240] : memref<4x128xi32, #tpu.memory_space<vmem>> -> memref<1x64xi32, #tpu.memory_space<vmem>>
    %dma_start3A_242 = tpu.memref_squeeze %dma_start3A_241 : memref<1x64xi32, #tpu.memory_space<vmem>> -> memref<64xi32, #tpu.memory_space<vmem>>
    %dma_start3A_243 = arith.constant 0 : i32
    %dma_start3A_244 = arith.constant 0 : i32
    %dma_start3A_245 = tpu.memref_slice %arg6[%dma_start3A_243, %dma_start3A_244] : memref<65536x128xf32, #tpu.memory_space<hbm>> -> memref<65536x128xf32, #tpu.memory_space<hbm>>
    tpu.enqueue_indirect_dma source(%dma_start3A_245 : memref<65536x128xf32, #tpu.memory_space<hbm>>) target(%arg15 : memref<64x128xf32, #tpu.memory_space<vmem>>) offsets(%dma_start3A_242 : memref<64xi32, #tpu.memory_space<vmem>>) semaphore(%arg20 : memref<!tpu.dma_semaphore, #tpu.memory_space<semaphore_mem>>)
    %dma_start3A_246 = arith.constant 2 : i32
    %dma_start3A_247 = arith.constant 0 : i32
    %dma_start3A_248 = tpu.memref_slice %arg13[%dma_start3A_246, %dma_start3A_247] : memref<4x128xi32, #tpu.memory_space<vmem>> -> memref<1x64xi32, #tpu.memory_space<vmem>>
    %dma_start3A_249 = tpu.memref_squeeze %dma_start3A_248 : memref<1x64xi32, #tpu.memory_space<vmem>> -> memref<64xi32, #tpu.memory_space<vmem>>
    %dma_start3A_250 = arith.constant 0 : i32
    %dma_start3A_251 = arith.constant 0 : i32
    %dma_start3A_252 = tpu.memref_slice %arg7[%dma_start3A_250, %dma_start3A_251] : memref<32768x256xf32, #tpu.memory_space<hbm>> -> memref<32768x256xf32, #tpu.memory_space<hbm>>
    tpu.enqueue_indirect_dma source(%dma_start3A_252 : memref<32768x256xf32, #tpu.memory_space<hbm>>) target(%arg16 : memref<64x256xf32, #tpu.memory_space<vmem>>) offsets(%dma_start3A_249 : memref<64xi32, #tpu.memory_space<vmem>>) semaphore(%arg20 : memref<!tpu.dma_semaphore, #tpu.memory_space<semaphore_mem>>)
    %dma_wait3A_253 = arith.constant 1 : i32
    %dma_wait3A_254 = arith.constant 64 : i32
    %dma_wait3A_255 = tpu.memref_slice %arg11[%dma_wait3A_253, %dma_wait3A_254] : memref<4x128xi32, #tpu.memory_space<vmem>> -> memref<1x64xi32, #tpu.memory_space<vmem>>
    %dma_wait3A_256 = tpu.memref_squeeze %dma_wait3A_255 : memref<1x64xi32, #tpu.memory_space<vmem>> -> memref<64xi32, #tpu.memory_space<vmem>>
    %dma_wait3A_257 = arith.constant 0 : i32
    %dma_wait3A_258 = arith.constant 0 : i32
    %dma_wait3A_259 = tpu.memref_slice %arg5[%dma_wait3A_257, %dma_wait3A_258] : memref<131072x128xf32, #tpu.memory_space<hbm>> -> memref<131072x128xf32, #tpu.memory_space<hbm>>
    tpu.wait_indirect_dma semaphore(%arg21 : memref<!tpu.dma_semaphore, #tpu.memory_space<semaphore_mem>>) src(%dma_wait3A_259 : memref<131072x128xf32, #tpu.memory_space<hbm>>) dst(%arg17 : memref<64x128xf32, #tpu.memory_space<vmem>>)
    %dma_wait3A_260 = arith.constant 1 : i32
    %dma_wait3A_261 = arith.constant 64 : i32
    %dma_wait3A_262 = tpu.memref_slice %arg12[%dma_wait3A_260, %dma_wait3A_261] : memref<4x128xi32, #tpu.memory_space<vmem>> -> memref<1x64xi32, #tpu.memory_space<vmem>>
    %dma_wait3A_263 = tpu.memref_squeeze %dma_wait3A_262 : memref<1x64xi32, #tpu.memory_space<vmem>> -> memref<64xi32, #tpu.memory_space<vmem>>
    %dma_wait3A_264 = arith.constant 0 : i32
    %dma_wait3A_265 = arith.constant 0 : i32
    %dma_wait3A_266 = tpu.memref_slice %arg6[%dma_wait3A_264, %dma_wait3A_265] : memref<65536x128xf32, #tpu.memory_space<hbm>> -> memref<65536x128xf32, #tpu.memory_space<hbm>>
    tpu.wait_indirect_dma semaphore(%arg21 : memref<!tpu.dma_semaphore, #tpu.memory_space<semaphore_mem>>) src(%dma_wait3A_266 : memref<65536x128xf32, #tpu.memory_space<hbm>>) dst(%arg18 : memref<64x128xf32, #tpu.memory_space<vmem>>)
    %dma_wait3A_267 = arith.constant 1 : i32
    %dma_wait3A_268 = arith.constant 64 : i32
    %dma_wait3A_269 = tpu.memref_slice %arg13[%dma_wait3A_267, %dma_wait3A_268] : memref<4x128xi32, #tpu.memory_space<vmem>> -> memref<1x64xi32, #tpu.memory_space<vmem>>
    %dma_wait3A_270 = tpu.memref_squeeze %dma_wait3A_269 : memref<1x64xi32, #tpu.memory_space<vmem>> -> memref<64xi32, #tpu.memory_space<vmem>>
    %dma_wait3A_271 = arith.constant 0 : i32
    %dma_wait3A_272 = arith.constant 0 : i32
    %dma_wait3A_273 = tpu.memref_slice %arg7[%dma_wait3A_271, %dma_wait3A_272] : memref<32768x256xf32, #tpu.memory_space<hbm>> -> memref<32768x256xf32, #tpu.memory_space<hbm>>
    tpu.wait_indirect_dma semaphore(%arg21 : memref<!tpu.dma_semaphore, #tpu.memory_space<semaphore_mem>>) src(%dma_wait3A_273 : memref<32768x256xf32, #tpu.memory_space<hbm>>) dst(%arg19 : memref<64x256xf32, #tpu.memory_space<vmem>>)
    %mul3A_274 = arith.constant 128 : i32
    %mul3A_275 = arith.muli %mul3A_2, %mul3A_274 : i32
    %add3A_276 = arith.constant 192 : i32
    %add3A_277 = arith.addi %mul3A_275, %add3A_276 : i32
    %dma_start3A_278 = arith.constant 0 : i32
    %dma_start3A_279 = tpu.memref_slice %arg8[%add3A_277, %dma_start3A_278] : memref<16384x128xf32, #tpu.memory_space<hbm>> -> memref<64x128xf32, #tpu.memory_space<hbm>>
    %dma_start3A_280 = arith.constant 0 : i32
    %dma_start3A_281 = tpu.memref_slice %arg8[%add3A_277, %dma_start3A_280] : memref<16384x128xf32, #tpu.memory_space<hbm>> -> memref<64x128xf32, #tpu.memory_space<hbm>>
    tpu.enqueue_dma source(%arg17 : memref<64x128xf32, #tpu.memory_space<vmem>>) target(%dma_start3A_281 : memref<64x128xf32, #tpu.memory_space<hbm>>) target_semaphore(%arg23 : memref<!tpu.dma_semaphore, #tpu.memory_space<semaphore_mem>>)
    %dma_start3A_282 = arith.constant 0 : i32
    %dma_start3A_283 = tpu.memref_slice %arg9[%add3A_277, %dma_start3A_282] : memref<16384x128xf32, #tpu.memory_space<hbm>> -> memref<64x128xf32, #tpu.memory_space<hbm>>
    %dma_start3A_284 = arith.constant 0 : i32
    %dma_start3A_285 = tpu.memref_slice %arg9[%add3A_277, %dma_start3A_284] : memref<16384x128xf32, #tpu.memory_space<hbm>> -> memref<64x128xf32, #tpu.memory_space<hbm>>
    tpu.enqueue_dma source(%arg18 : memref<64x128xf32, #tpu.memory_space<vmem>>) target(%dma_start3A_285 : memref<64x128xf32, #tpu.memory_space<hbm>>) target_semaphore(%arg23 : memref<!tpu.dma_semaphore, #tpu.memory_space<semaphore_mem>>)
    %dma_start3A_286 = arith.constant 0 : i32
    %dma_start3A_287 = tpu.memref_slice %arg10[%add3A_277, %dma_start3A_286] : memref<16384x256xf32, #tpu.memory_space<hbm>> -> memref<64x256xf32, #tpu.memory_space<hbm>>
    %dma_start3A_288 = arith.constant 0 : i32
    %dma_start3A_289 = tpu.memref_slice %arg10[%add3A_277, %dma_start3A_288] : memref<16384x256xf32, #tpu.memory_space<hbm>> -> memref<64x256xf32, #tpu.memory_space<hbm>>
    tpu.enqueue_dma source(%arg19 : memref<64x256xf32, #tpu.memory_space<vmem>>) target(%dma_start3A_289 : memref<64x256xf32, #tpu.memory_space<hbm>>) target_semaphore(%arg23 : memref<!tpu.dma_semaphore, #tpu.memory_space<semaphore_mem>>)
    %dma_wait3A_290 = arith.constant 0 : i32
    %dma_wait3A_291 = tpu.memref_slice %arg8[%add3A_277, %dma_wait3A_290] : memref<16384x128xf32, #tpu.memory_space<hbm>> -> memref<64x128xf32, #tpu.memory_space<hbm>>
    %dma_wait3A_292 = arith.constant 0 : i32
    %dma_wait3A_293 = tpu.memref_slice %arg8[%add3A_277, %dma_wait3A_292] : memref<16384x128xf32, #tpu.memory_space<hbm>> -> memref<64x128xf32, #tpu.memory_space<hbm>>
    tpu.wait_dma2 semaphore(%arg23 : memref<!tpu.dma_semaphore, #tpu.memory_space<semaphore_mem>>) src(%arg17 : memref<64x128xf32, #tpu.memory_space<vmem>>) dst(%dma_wait3A_293 : memref<64x128xf32, #tpu.memory_space<hbm>>)
    %dma_wait3A_294 = arith.constant 0 : i32
    %dma_wait3A_295 = tpu.memref_slice %arg9[%add3A_277, %dma_wait3A_294] : memref<16384x128xf32, #tpu.memory_space<hbm>> -> memref<64x128xf32, #tpu.memory_space<hbm>>
    %dma_wait3A_296 = arith.constant 0 : i32
    %dma_wait3A_297 = tpu.memref_slice %arg9[%add3A_277, %dma_wait3A_296] : memref<16384x128xf32, #tpu.memory_space<hbm>> -> memref<64x128xf32, #tpu.memory_space<hbm>>
    tpu.wait_dma2 semaphore(%arg23 : memref<!tpu.dma_semaphore, #tpu.memory_space<semaphore_mem>>) src(%arg18 : memref<64x128xf32, #tpu.memory_space<vmem>>) dst(%dma_wait3A_297 : memref<64x128xf32, #tpu.memory_space<hbm>>)
    %dma_wait3A_298 = arith.constant 0 : i32
    %dma_wait3A_299 = tpu.memref_slice %arg10[%add3A_277, %dma_wait3A_298] : memref<16384x256xf32, #tpu.memory_space<hbm>> -> memref<64x256xf32, #tpu.memory_space<hbm>>
    %dma_wait3A_300 = arith.constant 0 : i32
    %dma_wait3A_301 = tpu.memref_slice %arg10[%add3A_277, %dma_wait3A_300] : memref<16384x256xf32, #tpu.memory_space<hbm>> -> memref<64x256xf32, #tpu.memory_space<hbm>>
    tpu.wait_dma2 semaphore(%arg23 : memref<!tpu.dma_semaphore, #tpu.memory_space<semaphore_mem>>) src(%arg19 : memref<64x256xf32, #tpu.memory_space<vmem>>) dst(%dma_wait3A_301 : memref<64x256xf32, #tpu.memory_space<hbm>>)
    %dma_start3A_302 = arith.constant 2 : i32
    %dma_start3A_303 = arith.constant 64 : i32
    %dma_start3A_304 = tpu.memref_slice %arg11[%dma_start3A_302, %dma_start3A_303] : memref<4x128xi32, #tpu.memory_space<vmem>> -> memref<1x64xi32, #tpu.memory_space<vmem>>
    %dma_start3A_305 = tpu.memref_squeeze %dma_start3A_304 : memref<1x64xi32, #tpu.memory_space<vmem>> -> memref<64xi32, #tpu.memory_space<vmem>>
    %dma_start3A_306 = arith.constant 0 : i32
    %dma_start3A_307 = arith.constant 0 : i32
    %dma_start3A_308 = tpu.memref_slice %arg5[%dma_start3A_306, %dma_start3A_307] : memref<131072x128xf32, #tpu.memory_space<hbm>> -> memref<131072x128xf32, #tpu.memory_space<hbm>>
    tpu.enqueue_indirect_dma source(%dma_start3A_308 : memref<131072x128xf32, #tpu.memory_space<hbm>>) target(%arg17 : memref<64x128xf32, #tpu.memory_space<vmem>>) offsets(%dma_start3A_305 : memref<64xi32, #tpu.memory_space<vmem>>) semaphore(%arg21 : memref<!tpu.dma_semaphore, #tpu.memory_space<semaphore_mem>>)
    %dma_start3A_309 = arith.constant 2 : i32
    %dma_start3A_310 = arith.constant 64 : i32
    %dma_start3A_311 = tpu.memref_slice %arg12[%dma_start3A_309, %dma_start3A_310] : memref<4x128xi32, #tpu.memory_space<vmem>> -> memref<1x64xi32, #tpu.memory_space<vmem>>
    %dma_start3A_312 = tpu.memref_squeeze %dma_start3A_311 : memref<1x64xi32, #tpu.memory_space<vmem>> -> memref<64xi32, #tpu.memory_space<vmem>>
    %dma_start3A_313 = arith.constant 0 : i32
    %dma_start3A_314 = arith.constant 0 : i32
    %dma_start3A_315 = tpu.memref_slice %arg6[%dma_start3A_313, %dma_start3A_314] : memref<65536x128xf32, #tpu.memory_space<hbm>> -> memref<65536x128xf32, #tpu.memory_space<hbm>>
    tpu.enqueue_indirect_dma source(%dma_start3A_315 : memref<65536x128xf32, #tpu.memory_space<hbm>>) target(%arg18 : memref<64x128xf32, #tpu.memory_space<vmem>>) offsets(%dma_start3A_312 : memref<64xi32, #tpu.memory_space<vmem>>) semaphore(%arg21 : memref<!tpu.dma_semaphore, #tpu.memory_space<semaphore_mem>>)
    %dma_start3A_316 = arith.constant 2 : i32
    %dma_start3A_317 = arith.constant 64 : i32
    %dma_start3A_318 = tpu.memref_slice %arg13[%dma_start3A_316, %dma_start3A_317] : memref<4x128xi32, #tpu.memory_space<vmem>> -> memref<1x64xi32, #tpu.memory_space<vmem>>
    %dma_start3A_319 = tpu.memref_squeeze %dma_start3A_318 : memref<1x64xi32, #tpu.memory_space<vmem>> -> memref<64xi32, #tpu.memory_space<vmem>>
    %dma_start3A_320 = arith.constant 0 : i32
    %dma_start3A_321 = arith.constant 0 : i32
    %dma_start3A_322 = tpu.memref_slice %arg7[%dma_start3A_320, %dma_start3A_321] : memref<32768x256xf32, #tpu.memory_space<hbm>> -> memref<32768x256xf32, #tpu.memory_space<hbm>>
    tpu.enqueue_indirect_dma source(%dma_start3A_322 : memref<32768x256xf32, #tpu.memory_space<hbm>>) target(%arg19 : memref<64x256xf32, #tpu.memory_space<vmem>>) offsets(%dma_start3A_319 : memref<64xi32, #tpu.memory_space<vmem>>) semaphore(%arg21 : memref<!tpu.dma_semaphore, #tpu.memory_space<semaphore_mem>>)
    %dma_wait3A_323 = arith.constant 2 : i32
    %dma_wait3A_324 = arith.constant 0 : i32
    %dma_wait3A_325 = tpu.memref_slice %arg11[%dma_wait3A_323, %dma_wait3A_324] : memref<4x128xi32, #tpu.memory_space<vmem>> -> memref<1x64xi32, #tpu.memory_space<vmem>>
    %dma_wait3A_326 = tpu.memref_squeeze %dma_wait3A_325 : memref<1x64xi32, #tpu.memory_space<vmem>> -> memref<64xi32, #tpu.memory_space<vmem>>
    %dma_wait3A_327 = arith.constant 0 : i32
    %dma_wait3A_328 = arith.constant 0 : i32
    %dma_wait3A_329 = tpu.memref_slice %arg5[%dma_wait3A_327, %dma_wait3A_328] : memref<131072x128xf32, #tpu.memory_space<hbm>> -> memref<131072x128xf32, #tpu.memory_space<hbm>>
    tpu.wait_indirect_dma semaphore(%arg20 : memref<!tpu.dma_semaphore, #tpu.memory_space<semaphore_mem>>) src(%dma_wait3A_329 : memref<131072x128xf32, #tpu.memory_space<hbm>>) dst(%arg14 : memref<64x128xf32, #tpu.memory_space<vmem>>)
    %dma_wait3A_330 = arith.constant 2 : i32
    %dma_wait3A_331 = arith.constant 0 : i32
    %dma_wait3A_332 = tpu.memref_slice %arg12[%dma_wait3A_330, %dma_wait3A_331] : memref<4x128xi32, #tpu.memory_space<vmem>> -> memref<1x64xi32, #tpu.memory_space<vmem>>
    %dma_wait3A_333 = tpu.memref_squeeze %dma_wait3A_332 : memref<1x64xi32, #tpu.memory_space<vmem>> -> memref<64xi32, #tpu.memory_space<vmem>>
    %dma_wait3A_334 = arith.constant 0 : i32
    %dma_wait3A_335 = arith.constant 0 : i32
    %dma_wait3A_336 = tpu.memref_slice %arg6[%dma_wait3A_334, %dma_wait3A_335] : memref<65536x128xf32, #tpu.memory_space<hbm>> -> memref<65536x128xf32, #tpu.memory_space<hbm>>
    tpu.wait_indirect_dma semaphore(%arg20 : memref<!tpu.dma_semaphore, #tpu.memory_space<semaphore_mem>>) src(%dma_wait3A_336 : memref<65536x128xf32, #tpu.memory_space<hbm>>) dst(%arg15 : memref<64x128xf32, #tpu.memory_space<vmem>>)
    %dma_wait3A_337 = arith.constant 2 : i32
    %dma_wait3A_338 = arith.constant 0 : i32
    %dma_wait3A_339 = tpu.memref_slice %arg13[%dma_wait3A_337, %dma_wait3A_338] : memref<4x128xi32, #tpu.memory_space<vmem>> -> memref<1x64xi32, #tpu.memory_space<vmem>>
    %dma_wait3A_340 = tpu.memref_squeeze %dma_wait3A_339 : memref<1x64xi32, #tpu.memory_space<vmem>> -> memref<64xi32, #tpu.memory_space<vmem>>
    %dma_wait3A_341 = arith.constant 0 : i32
    %dma_wait3A_342 = arith.constant 0 : i32
    %dma_wait3A_343 = tpu.memref_slice %arg7[%dma_wait3A_341, %dma_wait3A_342] : memref<32768x256xf32, #tpu.memory_space<hbm>> -> memref<32768x256xf32, #tpu.memory_space<hbm>>
    tpu.wait_indirect_dma semaphore(%arg20 : memref<!tpu.dma_semaphore, #tpu.memory_space<semaphore_mem>>) src(%dma_wait3A_343 : memref<32768x256xf32, #tpu.memory_space<hbm>>) dst(%arg16 : memref<64x256xf32, #tpu.memory_space<vmem>>)
    %mul3A_344 = arith.constant 128 : i32
    %mul3A_345 = arith.muli %mul3A_2, %mul3A_344 : i32
    %add3A_346 = arith.constant 256 : i32
    %add3A_347 = arith.addi %mul3A_345, %add3A_346 : i32
    %dma_start3A_348 = arith.constant 0 : i32
    %dma_start3A_349 = tpu.memref_slice %arg8[%add3A_347, %dma_start3A_348] : memref<16384x128xf32, #tpu.memory_space<hbm>> -> memref<64x128xf32, #tpu.memory_space<hbm>>
    %dma_start3A_350 = arith.constant 0 : i32
    %dma_start3A_351 = tpu.memref_slice %arg8[%add3A_347, %dma_start3A_350] : memref<16384x128xf32, #tpu.memory_space<hbm>> -> memref<64x128xf32, #tpu.memory_space<hbm>>
    tpu.enqueue_dma source(%arg14 : memref<64x128xf32, #tpu.memory_space<vmem>>) target(%dma_start3A_351 : memref<64x128xf32, #tpu.memory_space<hbm>>) target_semaphore(%arg22 : memref<!tpu.dma_semaphore, #tpu.memory_space<semaphore_mem>>)
    %dma_start3A_352 = arith.constant 0 : i32
    %dma_start3A_353 = tpu.memref_slice %arg9[%add3A_347, %dma_start3A_352] : memref<16384x128xf32, #tpu.memory_space<hbm>> -> memref<64x128xf32, #tpu.memory_space<hbm>>
    %dma_start3A_354 = arith.constant 0 : i32
    %dma_start3A_355 = tpu.memref_slice %arg9[%add3A_347, %dma_start3A_354] : memref<16384x128xf32, #tpu.memory_space<hbm>> -> memref<64x128xf32, #tpu.memory_space<hbm>>
    tpu.enqueue_dma source(%arg15 : memref<64x128xf32, #tpu.memory_space<vmem>>) target(%dma_start3A_355 : memref<64x128xf32, #tpu.memory_space<hbm>>) target_semaphore(%arg22 : memref<!tpu.dma_semaphore, #tpu.memory_space<semaphore_mem>>)
    %dma_start3A_356 = arith.constant 0 : i32
    %dma_start3A_357 = tpu.memref_slice %arg10[%add3A_347, %dma_start3A_356] : memref<16384x256xf32, #tpu.memory_space<hbm>> -> memref<64x256xf32, #tpu.memory_space<hbm>>
    %dma_start3A_358 = arith.constant 0 : i32
    %dma_start3A_359 = tpu.memref_slice %arg10[%add3A_347, %dma_start3A_358] : memref<16384x256xf32, #tpu.memory_space<hbm>> -> memref<64x256xf32, #tpu.memory_space<hbm>>
    tpu.enqueue_dma source(%arg16 : memref<64x256xf32, #tpu.memory_space<vmem>>) target(%dma_start3A_359 : memref<64x256xf32, #tpu.memory_space<hbm>>) target_semaphore(%arg22 : memref<!tpu.dma_semaphore, #tpu.memory_space<semaphore_mem>>)
    %dma_wait3A_360 = arith.constant 0 : i32
    %dma_wait3A_361 = tpu.memref_slice %arg8[%add3A_347, %dma_wait3A_360] : memref<16384x128xf32, #tpu.memory_space<hbm>> -> memref<64x128xf32, #tpu.memory_space<hbm>>
    %dma_wait3A_362 = arith.constant 0 : i32
    %dma_wait3A_363 = tpu.memref_slice %arg8[%add3A_347, %dma_wait3A_362] : memref<16384x128xf32, #tpu.memory_space<hbm>> -> memref<64x128xf32, #tpu.memory_space<hbm>>
    tpu.wait_dma2 semaphore(%arg22 : memref<!tpu.dma_semaphore, #tpu.memory_space<semaphore_mem>>) src(%arg14 : memref<64x128xf32, #tpu.memory_space<vmem>>) dst(%dma_wait3A_363 : memref<64x128xf32, #tpu.memory_space<hbm>>)
    %dma_wait3A_364 = arith.constant 0 : i32
    %dma_wait3A_365 = tpu.memref_slice %arg9[%add3A_347, %dma_wait3A_364] : memref<16384x128xf32, #tpu.memory_space<hbm>> -> memref<64x128xf32, #tpu.memory_space<hbm>>
    %dma_wait3A_366 = arith.constant 0 : i32
    %dma_wait3A_367 = tpu.memref_slice %arg9[%add3A_347, %dma_wait3A_366] : memref<16384x128xf32, #tpu.memory_space<hbm>> -> memref<64x128xf32, #tpu.memory_space<hbm>>
    tpu.wait_dma2 semaphore(%arg22 : memref<!tpu.dma_semaphore, #tpu.memory_space<semaphore_mem>>) src(%arg15 : memref<64x128xf32, #tpu.memory_space<vmem>>) dst(%dma_wait3A_367 : memref<64x128xf32, #tpu.memory_space<hbm>>)
    %dma_wait3A_368 = arith.constant 0 : i32
    %dma_wait3A_369 = tpu.memref_slice %arg10[%add3A_347, %dma_wait3A_368] : memref<16384x256xf32, #tpu.memory_space<hbm>> -> memref<64x256xf32, #tpu.memory_space<hbm>>
    %dma_wait3A_370 = arith.constant 0 : i32
    %dma_wait3A_371 = tpu.memref_slice %arg10[%add3A_347, %dma_wait3A_370] : memref<16384x256xf32, #tpu.memory_space<hbm>> -> memref<64x256xf32, #tpu.memory_space<hbm>>
    tpu.wait_dma2 semaphore(%arg22 : memref<!tpu.dma_semaphore, #tpu.memory_space<semaphore_mem>>) src(%arg16 : memref<64x256xf32, #tpu.memory_space<vmem>>) dst(%dma_wait3A_371 : memref<64x256xf32, #tpu.memory_space<hbm>>)
    %dma_start3A_372 = arith.constant 3 : i32
    %dma_start3A_373 = arith.constant 0 : i32
    %dma_start3A_374 = tpu.memref_slice %arg11[%dma_start3A_372, %dma_start3A_373] : memref<4x128xi32, #tpu.memory_space<vmem>> -> memref<1x64xi32, #tpu.memory_space<vmem>>
    %dma_start3A_375 = tpu.memref_squeeze %dma_start3A_374 : memref<1x64xi32, #tpu.memory_space<vmem>> -> memref<64xi32, #tpu.memory_space<vmem>>
    %dma_start3A_376 = arith.constant 0 : i32
    %dma_start3A_377 = arith.constant 0 : i32
    %dma_start3A_378 = tpu.memref_slice %arg5[%dma_start3A_376, %dma_start3A_377] : memref<131072x128xf32, #tpu.memory_space<hbm>> -> memref<131072x128xf32, #tpu.memory_space<hbm>>
    tpu.enqueue_indirect_dma source(%dma_start3A_378 : memref<131072x128xf32, #tpu.memory_space<hbm>>) target(%arg14 : memref<64x128xf32, #tpu.memory_space<vmem>>) offsets(%dma_start3A_375 : memref<64xi32, #tpu.memory_space<vmem>>) semaphore(%arg20 : memref<!tpu.dma_semaphore, #tpu.memory_space<semaphore_mem>>)
    %dma_start3A_379 = arith.constant 3 : i32
    %dma_start3A_380 = arith.constant 0 : i32
    %dma_start3A_381 = tpu.memref_slice %arg12[%dma_start3A_379, %dma_start3A_380] : memref<4x128xi32, #tpu.memory_space<vmem>> -> memref<1x64xi32, #tpu.memory_space<vmem>>
    %dma_start3A_382 = tpu.memref_squeeze %dma_start3A_381 : memref<1x64xi32, #tpu.memory_space<vmem>> -> memref<64xi32, #tpu.memory_space<vmem>>
    %dma_start3A_383 = arith.constant 0 : i32
    %dma_start3A_384 = arith.constant 0 : i32
    %dma_start3A_385 = tpu.memref_slice %arg6[%dma_start3A_383, %dma_start3A_384] : memref<65536x128xf32, #tpu.memory_space<hbm>> -> memref<65536x128xf32, #tpu.memory_space<hbm>>
    tpu.enqueue_indirect_dma source(%dma_start3A_385 : memref<65536x128xf32, #tpu.memory_space<hbm>>) target(%arg15 : memref<64x128xf32, #tpu.memory_space<vmem>>) offsets(%dma_start3A_382 : memref<64xi32, #tpu.memory_space<vmem>>) semaphore(%arg20 : memref<!tpu.dma_semaphore, #tpu.memory_space<semaphore_mem>>)
    %dma_start3A_386 = arith.constant 3 : i32
    %dma_start3A_387 = arith.constant 0 : i32
    %dma_start3A_388 = tpu.memref_slice %arg13[%dma_start3A_386, %dma_start3A_387] : memref<4x128xi32, #tpu.memory_space<vmem>> -> memref<1x64xi32, #tpu.memory_space<vmem>>
    %dma_start3A_389 = tpu.memref_squeeze %dma_start3A_388 : memref<1x64xi32, #tpu.memory_space<vmem>> -> memref<64xi32, #tpu.memory_space<vmem>>
    %dma_start3A_390 = arith.constant 0 : i32
    %dma_start3A_391 = arith.constant 0 : i32
    %dma_start3A_392 = tpu.memref_slice %arg7[%dma_start3A_390, %dma_start3A_391] : memref<32768x256xf32, #tpu.memory_space<hbm>> -> memref<32768x256xf32, #tpu.memory_space<hbm>>
    tpu.enqueue_indirect_dma source(%dma_start3A_392 : memref<32768x256xf32, #tpu.memory_space<hbm>>) target(%arg16 : memref<64x256xf32, #tpu.memory_space<vmem>>) offsets(%dma_start3A_389 : memref<64xi32, #tpu.memory_space<vmem>>) semaphore(%arg20 : memref<!tpu.dma_semaphore, #tpu.memory_space<semaphore_mem>>)
    %dma_wait3A_393 = arith.constant 2 : i32
    %dma_wait3A_394 = arith.constant 64 : i32
    %dma_wait3A_395 = tpu.memref_slice %arg11[%dma_wait3A_393, %dma_wait3A_394] : memref<4x128xi32, #tpu.memory_space<vmem>> -> memref<1x64xi32, #tpu.memory_space<vmem>>
    %dma_wait3A_396 = tpu.memref_squeeze %dma_wait3A_395 : memref<1x64xi32, #tpu.memory_space<vmem>> -> memref<64xi32, #tpu.memory_space<vmem>>
    %dma_wait3A_397 = arith.constant 0 : i32
    %dma_wait3A_398 = arith.constant 0 : i32
    %dma_wait3A_399 = tpu.memref_slice %arg5[%dma_wait3A_397, %dma_wait3A_398] : memref<131072x128xf32, #tpu.memory_space<hbm>> -> memref<131072x128xf32, #tpu.memory_space<hbm>>
    tpu.wait_indirect_dma semaphore(%arg21 : memref<!tpu.dma_semaphore, #tpu.memory_space<semaphore_mem>>) src(%dma_wait3A_399 : memref<131072x128xf32, #tpu.memory_space<hbm>>) dst(%arg17 : memref<64x128xf32, #tpu.memory_space<vmem>>)
    %dma_wait3A_400 = arith.constant 2 : i32
    %dma_wait3A_401 = arith.constant 64 : i32
    %dma_wait3A_402 = tpu.memref_slice %arg12[%dma_wait3A_400, %dma_wait3A_401] : memref<4x128xi32, #tpu.memory_space<vmem>> -> memref<1x64xi32, #tpu.memory_space<vmem>>
    %dma_wait3A_403 = tpu.memref_squeeze %dma_wait3A_402 : memref<1x64xi32, #tpu.memory_space<vmem>> -> memref<64xi32, #tpu.memory_space<vmem>>
    %dma_wait3A_404 = arith.constant 0 : i32
    %dma_wait3A_405 = arith.constant 0 : i32
    %dma_wait3A_406 = tpu.memref_slice %arg6[%dma_wait3A_404, %dma_wait3A_405] : memref<65536x128xf32, #tpu.memory_space<hbm>> -> memref<65536x128xf32, #tpu.memory_space<hbm>>
    tpu.wait_indirect_dma semaphore(%arg21 : memref<!tpu.dma_semaphore, #tpu.memory_space<semaphore_mem>>) src(%dma_wait3A_406 : memref<65536x128xf32, #tpu.memory_space<hbm>>) dst(%arg18 : memref<64x128xf32, #tpu.memory_space<vmem>>)
    %dma_wait3A_407 = arith.constant 2 : i32
    %dma_wait3A_408 = arith.constant 64 : i32
    %dma_wait3A_409 = tpu.memref_slice %arg13[%dma_wait3A_407, %dma_wait3A_408] : memref<4x128xi32, #tpu.memory_space<vmem>> -> memref<1x64xi32, #tpu.memory_space<vmem>>
    %dma_wait3A_410 = tpu.memref_squeeze %dma_wait3A_409 : memref<1x64xi32, #tpu.memory_space<vmem>> -> memref<64xi32, #tpu.memory_space<vmem>>
    %dma_wait3A_411 = arith.constant 0 : i32
    %dma_wait3A_412 = arith.constant 0 : i32
    %dma_wait3A_413 = tpu.memref_slice %arg7[%dma_wait3A_411, %dma_wait3A_412] : memref<32768x256xf32, #tpu.memory_space<hbm>> -> memref<32768x256xf32, #tpu.memory_space<hbm>>
    tpu.wait_indirect_dma semaphore(%arg21 : memref<!tpu.dma_semaphore, #tpu.memory_space<semaphore_mem>>) src(%dma_wait3A_413 : memref<32768x256xf32, #tpu.memory_space<hbm>>) dst(%arg19 : memref<64x256xf32, #tpu.memory_space<vmem>>)
    %mul3A_414 = arith.constant 128 : i32
    %mul3A_415 = arith.muli %mul3A_2, %mul3A_414 : i32
    %add3A_416 = arith.constant 320 : i32
    %add3A_417 = arith.addi %mul3A_415, %add3A_416 : i32
    %dma_start3A_418 = arith.constant 0 : i32
    %dma_start3A_419 = tpu.memref_slice %arg8[%add3A_417, %dma_start3A_418] : memref<16384x128xf32, #tpu.memory_space<hbm>> -> memref<64x128xf32, #tpu.memory_space<hbm>>
    %dma_start3A_420 = arith.constant 0 : i32
    %dma_start3A_421 = tpu.memref_slice %arg8[%add3A_417, %dma_start3A_420] : memref<16384x128xf32, #tpu.memory_space<hbm>> -> memref<64x128xf32, #tpu.memory_space<hbm>>
    tpu.enqueue_dma source(%arg17 : memref<64x128xf32, #tpu.memory_space<vmem>>) target(%dma_start3A_421 : memref<64x128xf32, #tpu.memory_space<hbm>>) target_semaphore(%arg23 : memref<!tpu.dma_semaphore, #tpu.memory_space<semaphore_mem>>)
    %dma_start3A_422 = arith.constant 0 : i32
    %dma_start3A_423 = tpu.memref_slice %arg9[%add3A_417, %dma_start3A_422] : memref<16384x128xf32, #tpu.memory_space<hbm>> -> memref<64x128xf32, #tpu.memory_space<hbm>>
    %dma_start3A_424 = arith.constant 0 : i32
    %dma_start3A_425 = tpu.memref_slice %arg9[%add3A_417, %dma_start3A_424] : memref<16384x128xf32, #tpu.memory_space<hbm>> -> memref<64x128xf32, #tpu.memory_space<hbm>>
    tpu.enqueue_dma source(%arg18 : memref<64x128xf32, #tpu.memory_space<vmem>>) target(%dma_start3A_425 : memref<64x128xf32, #tpu.memory_space<hbm>>) target_semaphore(%arg23 : memref<!tpu.dma_semaphore, #tpu.memory_space<semaphore_mem>>)
    %dma_start3A_426 = arith.constant 0 : i32
    %dma_start3A_427 = tpu.memref_slice %arg10[%add3A_417, %dma_start3A_426] : memref<16384x256xf32, #tpu.memory_space<hbm>> -> memref<64x256xf32, #tpu.memory_space<hbm>>
    %dma_start3A_428 = arith.constant 0 : i32
    %dma_start3A_429 = tpu.memref_slice %arg10[%add3A_417, %dma_start3A_428] : memref<16384x256xf32, #tpu.memory_space<hbm>> -> memref<64x256xf32, #tpu.memory_space<hbm>>
    tpu.enqueue_dma source(%arg19 : memref<64x256xf32, #tpu.memory_space<vmem>>) target(%dma_start3A_429 : memref<64x256xf32, #tpu.memory_space<hbm>>) target_semaphore(%arg23 : memref<!tpu.dma_semaphore, #tpu.memory_space<semaphore_mem>>)
    %dma_wait3A_430 = arith.constant 0 : i32
    %dma_wait3A_431 = tpu.memref_slice %arg8[%add3A_417, %dma_wait3A_430] : memref<16384x128xf32, #tpu.memory_space<hbm>> -> memref<64x128xf32, #tpu.memory_space<hbm>>
    %dma_wait3A_432 = arith.constant 0 : i32
    %dma_wait3A_433 = tpu.memref_slice %arg8[%add3A_417, %dma_wait3A_432] : memref<16384x128xf32, #tpu.memory_space<hbm>> -> memref<64x128xf32, #tpu.memory_space<hbm>>
    tpu.wait_dma2 semaphore(%arg23 : memref<!tpu.dma_semaphore, #tpu.memory_space<semaphore_mem>>) src(%arg17 : memref<64x128xf32, #tpu.memory_space<vmem>>) dst(%dma_wait3A_433 : memref<64x128xf32, #tpu.memory_space<hbm>>)
    %dma_wait3A_434 = arith.constant 0 : i32
    %dma_wait3A_435 = tpu.memref_slice %arg9[%add3A_417, %dma_wait3A_434] : memref<16384x128xf32, #tpu.memory_space<hbm>> -> memref<64x128xf32, #tpu.memory_space<hbm>>
    %dma_wait3A_436 = arith.constant 0 : i32
    %dma_wait3A_437 = tpu.memref_slice %arg9[%add3A_417, %dma_wait3A_436] : memref<16384x128xf32, #tpu.memory_space<hbm>> -> memref<64x128xf32, #tpu.memory_space<hbm>>
    tpu.wait_dma2 semaphore(%arg23 : memref<!tpu.dma_semaphore, #tpu.memory_space<semaphore_mem>>) src(%arg18 : memref<64x128xf32, #tpu.memory_space<vmem>>) dst(%dma_wait3A_437 : memref<64x128xf32, #tpu.memory_space<hbm>>)
    %dma_wait3A_438 = arith.constant 0 : i32
    %dma_wait3A_439 = tpu.memref_slice %arg10[%add3A_417, %dma_wait3A_438] : memref<16384x256xf32, #tpu.memory_space<hbm>> -> memref<64x256xf32, #tpu.memory_space<hbm>>
    %dma_wait3A_440 = arith.constant 0 : i32
    %dma_wait3A_441 = tpu.memref_slice %arg10[%add3A_417, %dma_wait3A_440] : memref<16384x256xf32, #tpu.memory_space<hbm>> -> memref<64x256xf32, #tpu.memory_space<hbm>>
    tpu.wait_dma2 semaphore(%arg23 : memref<!tpu.dma_semaphore, #tpu.memory_space<semaphore_mem>>) src(%arg19 : memref<64x256xf32, #tpu.memory_space<vmem>>) dst(%dma_wait3A_441 : memref<64x256xf32, #tpu.memory_space<hbm>>)
    %dma_start3A_442 = arith.constant 3 : i32
    %dma_start3A_443 = arith.constant 64 : i32
    %dma_start3A_444 = tpu.memref_slice %arg11[%dma_start3A_442, %dma_start3A_443] : memref<4x128xi32, #tpu.memory_space<vmem>> -> memref<1x64xi32, #tpu.memory_space<vmem>>
    %dma_start3A_445 = tpu.memref_squeeze %dma_start3A_444 : memref<1x64xi32, #tpu.memory_space<vmem>> -> memref<64xi32, #tpu.memory_space<vmem>>
    %dma_start3A_446 = arith.constant 0 : i32
    %dma_start3A_447 = arith.constant 0 : i32
    %dma_start3A_448 = tpu.memref_slice %arg5[%dma_start3A_446, %dma_start3A_447] : memref<131072x128xf32, #tpu.memory_space<hbm>> -> memref<131072x128xf32, #tpu.memory_space<hbm>>
    tpu.enqueue_indirect_dma source(%dma_start3A_448 : memref<131072x128xf32, #tpu.memory_space<hbm>>) target(%arg17 : memref<64x128xf32, #tpu.memory_space<vmem>>) offsets(%dma_start3A_445 : memref<64xi32, #tpu.memory_space<vmem>>) semaphore(%arg21 : memref<!tpu.dma_semaphore, #tpu.memory_space<semaphore_mem>>)
    %dma_start3A_449 = arith.constant 3 : i32
    %dma_start3A_450 = arith.constant 64 : i32
    %dma_start3A_451 = tpu.memref_slice %arg12[%dma_start3A_449, %dma_start3A_450] : memref<4x128xi32, #tpu.memory_space<vmem>> -> memref<1x64xi32, #tpu.memory_space<vmem>>
    %dma_start3A_452 = tpu.memref_squeeze %dma_start3A_451 : memref<1x64xi32, #tpu.memory_space<vmem>> -> memref<64xi32, #tpu.memory_space<vmem>>
    %dma_start3A_453 = arith.constant 0 : i32
    %dma_start3A_454 = arith.constant 0 : i32
    %dma_start3A_455 = tpu.memref_slice %arg6[%dma_start3A_453, %dma_start3A_454] : memref<65536x128xf32, #tpu.memory_space<hbm>> -> memref<65536x128xf32, #tpu.memory_space<hbm>>
    tpu.enqueue_indirect_dma source(%dma_start3A_455 : memref<65536x128xf32, #tpu.memory_space<hbm>>) target(%arg18 : memref<64x128xf32, #tpu.memory_space<vmem>>) offsets(%dma_start3A_452 : memref<64xi32, #tpu.memory_space<vmem>>) semaphore(%arg21 : memref<!tpu.dma_semaphore, #tpu.memory_space<semaphore_mem>>)
    %dma_start3A_456 = arith.constant 3 : i32
    %dma_start3A_457 = arith.constant 64 : i32
    %dma_start3A_458 = tpu.memref_slice %arg13[%dma_start3A_456, %dma_start3A_457] : memref<4x128xi32, #tpu.memory_space<vmem>> -> memref<1x64xi32, #tpu.memory_space<vmem>>
    %dma_start3A_459 = tpu.memref_squeeze %dma_start3A_458 : memref<1x64xi32, #tpu.memory_space<vmem>> -> memref<64xi32, #tpu.memory_space<vmem>>
    %dma_start3A_460 = arith.constant 0 : i32
    %dma_start3A_461 = arith.constant 0 : i32
    %dma_start3A_462 = tpu.memref_slice %arg7[%dma_start3A_460, %dma_start3A_461] : memref<32768x256xf32, #tpu.memory_space<hbm>> -> memref<32768x256xf32, #tpu.memory_space<hbm>>
    tpu.enqueue_indirect_dma source(%dma_start3A_462 : memref<32768x256xf32, #tpu.memory_space<hbm>>) target(%arg19 : memref<64x256xf32, #tpu.memory_space<vmem>>) offsets(%dma_start3A_459 : memref<64xi32, #tpu.memory_space<vmem>>) semaphore(%arg21 : memref<!tpu.dma_semaphore, #tpu.memory_space<semaphore_mem>>)
    %dma_wait3A_463 = arith.constant 3 : i32
    %dma_wait3A_464 = arith.constant 0 : i32
    %dma_wait3A_465 = tpu.memref_slice %arg11[%dma_wait3A_463, %dma_wait3A_464] : memref<4x128xi32, #tpu.memory_space<vmem>> -> memref<1x64xi32, #tpu.memory_space<vmem>>
    %dma_wait3A_466 = tpu.memref_squeeze %dma_wait3A_465 : memref<1x64xi32, #tpu.memory_space<vmem>> -> memref<64xi32, #tpu.memory_space<vmem>>
    %dma_wait3A_467 = arith.constant 0 : i32
    %dma_wait3A_468 = arith.constant 0 : i32
    %dma_wait3A_469 = tpu.memref_slice %arg5[%dma_wait3A_467, %dma_wait3A_468] : memref<131072x128xf32, #tpu.memory_space<hbm>> -> memref<131072x128xf32, #tpu.memory_space<hbm>>
    tpu.wait_indirect_dma semaphore(%arg20 : memref<!tpu.dma_semaphore, #tpu.memory_space<semaphore_mem>>) src(%dma_wait3A_469 : memref<131072x128xf32, #tpu.memory_space<hbm>>) dst(%arg14 : memref<64x128xf32, #tpu.memory_space<vmem>>)
    %dma_wait3A_470 = arith.constant 3 : i32
    %dma_wait3A_471 = arith.constant 0 : i32
    %dma_wait3A_472 = tpu.memref_slice %arg12[%dma_wait3A_470, %dma_wait3A_471] : memref<4x128xi32, #tpu.memory_space<vmem>> -> memref<1x64xi32, #tpu.memory_space<vmem>>
    %dma_wait3A_473 = tpu.memref_squeeze %dma_wait3A_472 : memref<1x64xi32, #tpu.memory_space<vmem>> -> memref<64xi32, #tpu.memory_space<vmem>>
    %dma_wait3A_474 = arith.constant 0 : i32
    %dma_wait3A_475 = arith.constant 0 : i32
    %dma_wait3A_476 = tpu.memref_slice %arg6[%dma_wait3A_474, %dma_wait3A_475] : memref<65536x128xf32, #tpu.memory_space<hbm>> -> memref<65536x128xf32, #tpu.memory_space<hbm>>
    tpu.wait_indirect_dma semaphore(%arg20 : memref<!tpu.dma_semaphore, #tpu.memory_space<semaphore_mem>>) src(%dma_wait3A_476 : memref<65536x128xf32, #tpu.memory_space<hbm>>) dst(%arg15 : memref<64x128xf32, #tpu.memory_space<vmem>>)
    %dma_wait3A_477 = arith.constant 3 : i32
    %dma_wait3A_478 = arith.constant 0 : i32
    %dma_wait3A_479 = tpu.memref_slice %arg13[%dma_wait3A_477, %dma_wait3A_478] : memref<4x128xi32, #tpu.memory_space<vmem>> -> memref<1x64xi32, #tpu.memory_space<vmem>>
    %dma_wait3A_480 = tpu.memref_squeeze %dma_wait3A_479 : memref<1x64xi32, #tpu.memory_space<vmem>> -> memref<64xi32, #tpu.memory_space<vmem>>
    %dma_wait3A_481 = arith.constant 0 : i32
    %dma_wait3A_482 = arith.constant 0 : i32
    %dma_wait3A_483 = tpu.memref_slice %arg7[%dma_wait3A_481, %dma_wait3A_482] : memref<32768x256xf32, #tpu.memory_space<hbm>> -> memref<32768x256xf32, #tpu.memory_space<hbm>>
    tpu.wait_indirect_dma semaphore(%arg20 : memref<!tpu.dma_semaphore, #tpu.memory_space<semaphore_mem>>) src(%dma_wait3A_483 : memref<32768x256xf32, #tpu.memory_space<hbm>>) dst(%arg16 : memref<64x256xf32, #tpu.memory_space<vmem>>)
    %mul3A_484 = arith.constant 128 : i32
    %mul3A_485 = arith.muli %mul3A_2, %mul3A_484 : i32
    %add3A_486 = arith.constant 384 : i32
    %add3A_487 = arith.addi %mul3A_485, %add3A_486 : i32
    %dma_start3A_488 = arith.constant 0 : i32
    %dma_start3A_489 = tpu.memref_slice %arg8[%add3A_487, %dma_start3A_488] : memref<16384x128xf32, #tpu.memory_space<hbm>> -> memref<64x128xf32, #tpu.memory_space<hbm>>
    %dma_start3A_490 = arith.constant 0 : i32
    %dma_start3A_491 = tpu.memref_slice %arg8[%add3A_487, %dma_start3A_490] : memref<16384x128xf32, #tpu.memory_space<hbm>> -> memref<64x128xf32, #tpu.memory_space<hbm>>
    tpu.enqueue_dma source(%arg14 : memref<64x128xf32, #tpu.memory_space<vmem>>) target(%dma_start3A_491 : memref<64x128xf32, #tpu.memory_space<hbm>>) target_semaphore(%arg22 : memref<!tpu.dma_semaphore, #tpu.memory_space<semaphore_mem>>)
    %dma_start3A_492 = arith.constant 0 : i32
    %dma_start3A_493 = tpu.memref_slice %arg9[%add3A_487, %dma_start3A_492] : memref<16384x128xf32, #tpu.memory_space<hbm>> -> memref<64x128xf32, #tpu.memory_space<hbm>>
    %dma_start3A_494 = arith.constant 0 : i32
    %dma_start3A_495 = tpu.memref_slice %arg9[%add3A_487, %dma_start3A_494] : memref<16384x128xf32, #tpu.memory_space<hbm>> -> memref<64x128xf32, #tpu.memory_space<hbm>>
    tpu.enqueue_dma source(%arg15 : memref<64x128xf32, #tpu.memory_space<vmem>>) target(%dma_start3A_495 : memref<64x128xf32, #tpu.memory_space<hbm>>) target_semaphore(%arg22 : memref<!tpu.dma_semaphore, #tpu.memory_space<semaphore_mem>>)
    %dma_start3A_496 = arith.constant 0 : i32
    %dma_start3A_497 = tpu.memref_slice %arg10[%add3A_487, %dma_start3A_496] : memref<16384x256xf32, #tpu.memory_space<hbm>> -> memref<64x256xf32, #tpu.memory_space<hbm>>
    %dma_start3A_498 = arith.constant 0 : i32
    %dma_start3A_499 = tpu.memref_slice %arg10[%add3A_487, %dma_start3A_498] : memref<16384x256xf32, #tpu.memory_space<hbm>> -> memref<64x256xf32, #tpu.memory_space<hbm>>
    tpu.enqueue_dma source(%arg16 : memref<64x256xf32, #tpu.memory_space<vmem>>) target(%dma_start3A_499 : memref<64x256xf32, #tpu.memory_space<hbm>>) target_semaphore(%arg22 : memref<!tpu.dma_semaphore, #tpu.memory_space<semaphore_mem>>)
    %dma_wait3A_500 = arith.constant 3 : i32
    %dma_wait3A_501 = arith.constant 64 : i32
    %dma_wait3A_502 = tpu.memref_slice %arg11[%dma_wait3A_500, %dma_wait3A_501] : memref<4x128xi32, #tpu.memory_space<vmem>> -> memref<1x64xi32, #tpu.memory_space<vmem>>
    %dma_wait3A_503 = tpu.memref_squeeze %dma_wait3A_502 : memref<1x64xi32, #tpu.memory_space<vmem>> -> memref<64xi32, #tpu.memory_space<vmem>>
    %dma_wait3A_504 = arith.constant 0 : i32
    %dma_wait3A_505 = arith.constant 0 : i32
    %dma_wait3A_506 = tpu.memref_slice %arg5[%dma_wait3A_504, %dma_wait3A_505] : memref<131072x128xf32, #tpu.memory_space<hbm>> -> memref<131072x128xf32, #tpu.memory_space<hbm>>
    tpu.wait_indirect_dma semaphore(%arg21 : memref<!tpu.dma_semaphore, #tpu.memory_space<semaphore_mem>>) src(%dma_wait3A_506 : memref<131072x128xf32, #tpu.memory_space<hbm>>) dst(%arg17 : memref<64x128xf32, #tpu.memory_space<vmem>>)
    %dma_wait3A_507 = arith.constant 3 : i32
    %dma_wait3A_508 = arith.constant 64 : i32
    %dma_wait3A_509 = tpu.memref_slice %arg12[%dma_wait3A_507, %dma_wait3A_508] : memref<4x128xi32, #tpu.memory_space<vmem>> -> memref<1x64xi32, #tpu.memory_space<vmem>>
    %dma_wait3A_510 = tpu.memref_squeeze %dma_wait3A_509 : memref<1x64xi32, #tpu.memory_space<vmem>> -> memref<64xi32, #tpu.memory_space<vmem>>
    %dma_wait3A_511 = arith.constant 0 : i32
    %dma_wait3A_512 = arith.constant 0 : i32
    %dma_wait3A_513 = tpu.memref_slice %arg6[%dma_wait3A_511, %dma_wait3A_512] : memref<65536x128xf32, #tpu.memory_space<hbm>> -> memref<65536x128xf32, #tpu.memory_space<hbm>>
    tpu.wait_indirect_dma semaphore(%arg21 : memref<!tpu.dma_semaphore, #tpu.memory_space<semaphore_mem>>) src(%dma_wait3A_513 : memref<65536x128xf32, #tpu.memory_space<hbm>>) dst(%arg18 : memref<64x128xf32, #tpu.memory_space<vmem>>)
    %dma_wait3A_514 = arith.constant 3 : i32
    %dma_wait3A_515 = arith.constant 64 : i32
    %dma_wait3A_516 = tpu.memref_slice %arg13[%dma_wait3A_514, %dma_wait3A_515] : memref<4x128xi32, #tpu.memory_space<vmem>> -> memref<1x64xi32, #tpu.memory_space<vmem>>
    %dma_wait3A_517 = tpu.memref_squeeze %dma_wait3A_516 : memref<1x64xi32, #tpu.memory_space<vmem>> -> memref<64xi32, #tpu.memory_space<vmem>>
    %dma_wait3A_518 = arith.constant 0 : i32
    %dma_wait3A_519 = arith.constant 0 : i32
    %dma_wait3A_520 = tpu.memref_slice %arg7[%dma_wait3A_518, %dma_wait3A_519] : memref<32768x256xf32, #tpu.memory_space<hbm>> -> memref<32768x256xf32, #tpu.memory_space<hbm>>
    tpu.wait_indirect_dma semaphore(%arg21 : memref<!tpu.dma_semaphore, #tpu.memory_space<semaphore_mem>>) src(%dma_wait3A_520 : memref<32768x256xf32, #tpu.memory_space<hbm>>) dst(%arg19 : memref<64x256xf32, #tpu.memory_space<vmem>>)
    %mul3A_521 = arith.constant 128 : i32
    %mul3A_522 = arith.muli %mul3A_2, %mul3A_521 : i32
    %add3A_523 = arith.constant 448 : i32
    %add3A_524 = arith.addi %mul3A_522, %add3A_523 : i32
    %dma_start3A_525 = arith.constant 0 : i32
    %dma_start3A_526 = tpu.memref_slice %arg8[%add3A_524, %dma_start3A_525] : memref<16384x128xf32, #tpu.memory_space<hbm>> -> memref<64x128xf32, #tpu.memory_space<hbm>>
    %dma_start3A_527 = arith.constant 0 : i32
    %dma_start3A_528 = tpu.memref_slice %arg8[%add3A_524, %dma_start3A_527] : memref<16384x128xf32, #tpu.memory_space<hbm>> -> memref<64x128xf32, #tpu.memory_space<hbm>>
    tpu.enqueue_dma source(%arg17 : memref<64x128xf32, #tpu.memory_space<vmem>>) target(%dma_start3A_528 : memref<64x128xf32, #tpu.memory_space<hbm>>) target_semaphore(%arg23 : memref<!tpu.dma_semaphore, #tpu.memory_space<semaphore_mem>>)
    %dma_start3A_529 = arith.constant 0 : i32
    %dma_start3A_530 = tpu.memref_slice %arg9[%add3A_524, %dma_start3A_529] : memref<16384x128xf32, #tpu.memory_space<hbm>> -> memref<64x128xf32, #tpu.memory_space<hbm>>
    %dma_start3A_531 = arith.constant 0 : i32
    %dma_start3A_532 = tpu.memref_slice %arg9[%add3A_524, %dma_start3A_531] : memref<16384x128xf32, #tpu.memory_space<hbm>> -> memref<64x128xf32, #tpu.memory_space<hbm>>
    tpu.enqueue_dma source(%arg18 : memref<64x128xf32, #tpu.memory_space<vmem>>) target(%dma_start3A_532 : memref<64x128xf32, #tpu.memory_space<hbm>>) target_semaphore(%arg23 : memref<!tpu.dma_semaphore, #tpu.memory_space<semaphore_mem>>)
    %dma_start3A_533 = arith.constant 0 : i32
    %dma_start3A_534 = tpu.memref_slice %arg10[%add3A_524, %dma_start3A_533] : memref<16384x256xf32, #tpu.memory_space<hbm>> -> memref<64x256xf32, #tpu.memory_space<hbm>>
    %dma_start3A_535 = arith.constant 0 : i32
    %dma_start3A_536 = tpu.memref_slice %arg10[%add3A_524, %dma_start3A_535] : memref<16384x256xf32, #tpu.memory_space<hbm>> -> memref<64x256xf32, #tpu.memory_space<hbm>>
    tpu.enqueue_dma source(%arg19 : memref<64x256xf32, #tpu.memory_space<vmem>>) target(%dma_start3A_536 : memref<64x256xf32, #tpu.memory_space<hbm>>) target_semaphore(%arg23 : memref<!tpu.dma_semaphore, #tpu.memory_space<semaphore_mem>>)
    %dma_wait3A_537 = arith.constant 0 : i32
    %dma_wait3A_538 = tpu.memref_slice %arg8[%add3A_487, %dma_wait3A_537] : memref<16384x128xf32, #tpu.memory_space<hbm>> -> memref<64x128xf32, #tpu.memory_space<hbm>>
    %dma_wait3A_539 = arith.constant 0 : i32
    %dma_wait3A_540 = tpu.memref_slice %arg8[%add3A_487, %dma_wait3A_539] : memref<16384x128xf32, #tpu.memory_space<hbm>> -> memref<64x128xf32, #tpu.memory_space<hbm>>
    tpu.wait_dma2 semaphore(%arg22 : memref<!tpu.dma_semaphore, #tpu.memory_space<semaphore_mem>>) src(%arg14 : memref<64x128xf32, #tpu.memory_space<vmem>>) dst(%dma_wait3A_540 : memref<64x128xf32, #tpu.memory_space<hbm>>)
    %dma_wait3A_541 = arith.constant 0 : i32
    %dma_wait3A_542 = tpu.memref_slice %arg9[%add3A_487, %dma_wait3A_541] : memref<16384x128xf32, #tpu.memory_space<hbm>> -> memref<64x128xf32, #tpu.memory_space<hbm>>
    %dma_wait3A_543 = arith.constant 0 : i32
    %dma_wait3A_544 = tpu.memref_slice %arg9[%add3A_487, %dma_wait3A_543] : memref<16384x128xf32, #tpu.memory_space<hbm>> -> memref<64x128xf32, #tpu.memory_space<hbm>>
    tpu.wait_dma2 semaphore(%arg22 : memref<!tpu.dma_semaphore, #tpu.memory_space<semaphore_mem>>) src(%arg15 : memref<64x128xf32, #tpu.memory_space<vmem>>) dst(%dma_wait3A_544 : memref<64x128xf32, #tpu.memory_space<hbm>>)
    %dma_wait3A_545 = arith.constant 0 : i32
    %dma_wait3A_546 = tpu.memref_slice %arg10[%add3A_487, %dma_wait3A_545] : memref<16384x256xf32, #tpu.memory_space<hbm>> -> memref<64x256xf32, #tpu.memory_space<hbm>>
    %dma_wait3A_547 = arith.constant 0 : i32
    %dma_wait3A_548 = tpu.memref_slice %arg10[%add3A_487, %dma_wait3A_547] : memref<16384x256xf32, #tpu.memory_space<hbm>> -> memref<64x256xf32, #tpu.memory_space<hbm>>
    tpu.wait_dma2 semaphore(%arg22 : memref<!tpu.dma_semaphore, #tpu.memory_space<semaphore_mem>>) src(%arg16 : memref<64x256xf32, #tpu.memory_space<vmem>>) dst(%dma_wait3A_548 : memref<64x256xf32, #tpu.memory_space<hbm>>)
    %dma_wait3A_549 = arith.constant 0 : i32
    %dma_wait3A_550 = tpu.memref_slice %arg8[%add3A_524, %dma_wait3A_549] : memref<16384x128xf32, #tpu.memory_space<hbm>> -> memref<64x128xf32, #tpu.memory_space<hbm>>
    %dma_wait3A_551 = arith.constant 0 : i32
    %dma_wait3A_552 = tpu.memref_slice %arg8[%add3A_524, %dma_wait3A_551] : memref<16384x128xf32, #tpu.memory_space<hbm>> -> memref<64x128xf32, #tpu.memory_space<hbm>>
    tpu.wait_dma2 semaphore(%arg23 : memref<!tpu.dma_semaphore, #tpu.memory_space<semaphore_mem>>) src(%arg17 : memref<64x128xf32, #tpu.memory_space<vmem>>) dst(%dma_wait3A_552 : memref<64x128xf32, #tpu.memory_space<hbm>>)
    %dma_wait3A_553 = arith.constant 0 : i32
    %dma_wait3A_554 = tpu.memref_slice %arg9[%add3A_524, %dma_wait3A_553] : memref<16384x128xf32, #tpu.memory_space<hbm>> -> memref<64x128xf32, #tpu.memory_space<hbm>>
    %dma_wait3A_555 = arith.constant 0 : i32
    %dma_wait3A_556 = tpu.memref_slice %arg9[%add3A_524, %dma_wait3A_555] : memref<16384x128xf32, #tpu.memory_space<hbm>> -> memref<64x128xf32, #tpu.memory_space<hbm>>
    tpu.wait_dma2 semaphore(%arg23 : memref<!tpu.dma_semaphore, #tpu.memory_space<semaphore_mem>>) src(%arg18 : memref<64x128xf32, #tpu.memory_space<vmem>>) dst(%dma_wait3A_556 : memref<64x128xf32, #tpu.memory_space<hbm>>)
    %dma_wait3A_557 = arith.constant 0 : i32
    %dma_wait3A_558 = tpu.memref_slice %arg10[%add3A_524, %dma_wait3A_557] : memref<16384x256xf32, #tpu.memory_space<hbm>> -> memref<64x256xf32, #tpu.memory_space<hbm>>
    %dma_wait3A_559 = arith.constant 0 : i32
    %dma_wait3A_560 = tpu.memref_slice %arg10[%add3A_524, %dma_wait3A_559] : memref<16384x256xf32, #tpu.memory_space<hbm>> -> memref<64x256xf32, #tpu.memory_space<hbm>>
    tpu.wait_dma2 semaphore(%arg23 : memref<!tpu.dma_semaphore, #tpu.memory_space<semaphore_mem>>) src(%arg19 : memref<64x256xf32, #tpu.memory_space<vmem>>) dst(%dma_wait3A_560 : memref<64x256xf32, #tpu.memory_space<hbm>>)
    return
  }
}

module attributes {stable_mosaic.version = 14 : i64} {
  func.func @_a0_body(%arg0: i32, %arg1: memref<16x128xi32, #tpu.memory_space<vmem>>, %arg2: memref<16x64x2048xf32, #tpu.memory_space<vmem>>, %arg3: memref<256x64xf32, #tpu.memory_space<vmem>>, %arg4: memref<1x256xf32, #tpu.memory_space<vmem>>, %arg5: memref<2048x64xf32, #tpu.memory_space<vmem>>, %arg6: memref<2x256xf32, #tpu.memory_space<vmem>>) attributes {dimension_semantics = [#tpu.dimension_semantics<arbitrary>], iteration_bounds = array<i64: 8>, scalar_prefetch = 0 : i64, scratch_operands = 0 : i64, tpu.core_type = #tpu.core_type<tc>, window_params = [{transform_indices = @transform_0, window_bounds = array<i64: 16, 128>}, {transform_indices = @transform_1, window_bounds = array<i64: 16, 64, 2048>}, {pipeline_mode = #tpu.pipeline_mode<synchronous>, transform_indices = @transform_2, window_bounds = array<i64: 256, 64>}, {pipeline_mode = #tpu.pipeline_mode<synchronous>, transform_indices = @transform_3, window_bounds = array<i64: 1, 256>}, {transform_indices = @transform_4, window_bounds = array<i64: 2048, 64>}, {pipeline_mode = #tpu.pipeline_mode<synchronous>, transform_indices = @transform_5, window_bounds = array<i64: 2, 256>}]} {
    %eq3A = arith.constant 0 : i32
    %eq3A_0 = arith.cmpi eq, %arg0, %eq3A : i32
    %convert_element_type3A = arith.extui %eq3A_0 : i1 to i32
    %cond3A = arith.constant 0 : i32
    %cond3A_1 = arith.cmpi ne, %convert_element_type3A, %cond3A : i32
    scf.if %cond3A_1 {
      %broadcast_in_dim3A_210 = arith.constant 0.000000e+00 : f32
      %broadcast_in_dim3A_211 = vector.broadcast %broadcast_in_dim3A_210 : f32 to vector<2x256xf32>
      %swap3A_212 = arith.constant 0 : index
      %swap3A_213 = arith.constant 0 : index
      %swap3A_214 = vector.load %arg6[%swap3A_212, %swap3A_213] : memref<2x256xf32, #tpu.memory_space<vmem>>, vector<2x256xf32>
      tpu.vector_store %arg6[%swap3A_212, %swap3A_213], %broadcast_in_dim3A_211 {strides = array<i32>} : memref<2x256xf32, #tpu.memory_space<vmem>>, vector<2x256xf32>,
    } else {
    }
    %get3A = arith.constant 0 : index
    %get3A_2 = arith.constant 0 : index
    %get3A_3 = vector.load %arg1[%get3A, %get3A_2] : memref<16x128xi32, #tpu.memory_space<vmem>>, vector<16x128xi32>
    %get3A_4 = arith.constant 0 : index
    %get3A_5 = arith.constant 0 : index
    %get3A_6 = arith.constant 0 : index
    %get3A_7 = vector.load %arg2[%get3A_4, %get3A_5, %get3A_6] : memref<16x64x2048xf32, #tpu.memory_space<vmem>>, vector<16x64x2048xf32>
    %convert_element_type3A_8 = arith.truncf %get3A_7 : vector<16x64x2048xf32> to vector<16x64x2048xbf16>
    %slice3A = vector.extract_strided_slice %get3A_3 {offsets = [0, 0], sizes = [1, 128], strides = [1, 1]} : vector<16x128xi32> to vector<1x128xi32>
    %iota3A = tpu.iota {dimensions = array<i32: 0>} : vector<2048x128xi32>
    %eq3A_9 = vector.broadcast %slice3A : vector<1x128xi32> to vector<2048x128xi32>
    %eq3A_10 = arith.cmpi eq, %iota3A, %eq3A_9 : vector<2048x128xi32>
    %convert_element_type3A_11 = arith.extui %eq3A_10 : vector<2048x128xi1> to vector<2048x128xi32>
    %convert_element_type3A_12 = arith.sitofp %convert_element_type3A_11 : vector<2048x128xi32> to vector<2048x128xf32>
    %convert_element_type3A_13 = arith.truncf %convert_element_type3A_12 : vector<2048x128xf32> to vector<2048x128xbf16>
    %slice3A_14 = vector.extract_strided_slice %convert_element_type3A_8 {offsets = [0, 0, 0], sizes = [1, 64, 2048], strides = [1, 1, 1]} : vector<16x64x2048xbf16> to vector<1x64x2048xbf16>
    %squeeze3A = vector.shape_cast %slice3A_14 : vector<1x64x2048xbf16> to vector<64x2048xbf16>
    %dot_general3A = arith.constant dense<0.000000e+00> : vector<128x64xf32>
    %dot_general3A_15 = tpu.matmul %convert_element_type3A_13, %squeeze3A, %dot_general3A {dimension_numbers = #tpu.dot_dimension_numbers<[0], [1], [1], [0], [0, 1, 1, 0], [], []>, transpose_lhs_hint = false} : vector<2048x128xbf16>, vector<64x2048xbf16>, vector<128x64xf32> -> vector<128x64xf32>
    %slice3A_16 = vector.extract_strided_slice %get3A_3 {offsets = [1, 0], sizes = [1, 128], strides = [1, 1]} : vector<16x128xi32> to vector<1x128xi32>
    %iota3A_17 = tpu.iota {dimensions = array<i32: 0>} : vector<2048x128xi32>
    %eq3A_18 = vector.broadcast %slice3A_16 : vector<1x128xi32> to vector<2048x128xi32>
    %eq3A_19 = arith.cmpi eq, %iota3A_17, %eq3A_18 : vector<2048x128xi32>
    %convert_element_type3A_20 = arith.extui %eq3A_19 : vector<2048x128xi1> to vector<2048x128xi32>
    %convert_element_type3A_21 = arith.sitofp %convert_element_type3A_20 : vector<2048x128xi32> to vector<2048x128xf32>
    %convert_element_type3A_22 = arith.truncf %convert_element_type3A_21 : vector<2048x128xf32> to vector<2048x128xbf16>
    %slice3A_23 = vector.extract_strided_slice %convert_element_type3A_8 {offsets = [1, 0, 0], sizes = [1, 64, 2048], strides = [1, 1, 1]} : vector<16x64x2048xbf16> to vector<1x64x2048xbf16>
    %squeeze3A_24 = vector.shape_cast %slice3A_23 : vector<1x64x2048xbf16> to vector<64x2048xbf16>
    %dot_general3A_25 = arith.constant dense<0.000000e+00> : vector<128x64xf32>
    %dot_general3A_26 = tpu.matmul %convert_element_type3A_22, %squeeze3A_24, %dot_general3A_25 {dimension_numbers = #tpu.dot_dimension_numbers<[0], [1], [1], [0], [0, 1, 1, 0], [], []>, transpose_lhs_hint = false} : vector<2048x128xbf16>, vector<64x2048xbf16>, vector<128x64xf32> -> vector<128x64xf32>
    %slice3A_27 = vector.extract_strided_slice %get3A_3 {offsets = [2, 0], sizes = [1, 128], strides = [1, 1]} : vector<16x128xi32> to vector<1x128xi32>
    %iota3A_28 = tpu.iota {dimensions = array<i32: 0>} : vector<2048x128xi32>
    %eq3A_29 = vector.broadcast %slice3A_27 : vector<1x128xi32> to vector<2048x128xi32>
    %eq3A_30 = arith.cmpi eq, %iota3A_28, %eq3A_29 : vector<2048x128xi32>
    %convert_element_type3A_31 = arith.extui %eq3A_30 : vector<2048x128xi1> to vector<2048x128xi32>
    %convert_element_type3A_32 = arith.sitofp %convert_element_type3A_31 : vector<2048x128xi32> to vector<2048x128xf32>
    %convert_element_type3A_33 = arith.truncf %convert_element_type3A_32 : vector<2048x128xf32> to vector<2048x128xbf16>
    %slice3A_34 = vector.extract_strided_slice %convert_element_type3A_8 {offsets = [2, 0, 0], sizes = [1, 64, 2048], strides = [1, 1, 1]} : vector<16x64x2048xbf16> to vector<1x64x2048xbf16>
    %squeeze3A_35 = vector.shape_cast %slice3A_34 : vector<1x64x2048xbf16> to vector<64x2048xbf16>
    %dot_general3A_36 = arith.constant dense<0.000000e+00> : vector<128x64xf32>
    %dot_general3A_37 = tpu.matmul %convert_element_type3A_33, %squeeze3A_35, %dot_general3A_36 {dimension_numbers = #tpu.dot_dimension_numbers<[0], [1], [1], [0], [0, 1, 1, 0], [], []>, transpose_lhs_hint = false} : vector<2048x128xbf16>, vector<64x2048xbf16>, vector<128x64xf32> -> vector<128x64xf32>
    %slice3A_38 = vector.extract_strided_slice %get3A_3 {offsets = [3, 0], sizes = [1, 128], strides = [1, 1]} : vector<16x128xi32> to vector<1x128xi32>
    %iota3A_39 = tpu.iota {dimensions = array<i32: 0>} : vector<2048x128xi32>
    %eq3A_40 = vector.broadcast %slice3A_38 : vector<1x128xi32> to vector<2048x128xi32>
    %eq3A_41 = arith.cmpi eq, %iota3A_39, %eq3A_40 : vector<2048x128xi32>
    %convert_element_type3A_42 = arith.extui %eq3A_41 : vector<2048x128xi1> to vector<2048x128xi32>
    %convert_element_type3A_43 = arith.sitofp %convert_element_type3A_42 : vector<2048x128xi32> to vector<2048x128xf32>
    %convert_element_type3A_44 = arith.truncf %convert_element_type3A_43 : vector<2048x128xf32> to vector<2048x128xbf16>
    %slice3A_45 = vector.extract_strided_slice %convert_element_type3A_8 {offsets = [3, 0, 0], sizes = [1, 64, 2048], strides = [1, 1, 1]} : vector<16x64x2048xbf16> to vector<1x64x2048xbf16>
    %squeeze3A_46 = vector.shape_cast %slice3A_45 : vector<1x64x2048xbf16> to vector<64x2048xbf16>
    %dot_general3A_47 = arith.constant dense<0.000000e+00> : vector<128x64xf32>
    %dot_general3A_48 = tpu.matmul %convert_element_type3A_44, %squeeze3A_46, %dot_general3A_47 {dimension_numbers = #tpu.dot_dimension_numbers<[0], [1], [1], [0], [0, 1, 1, 0], [], []>, transpose_lhs_hint = false} : vector<2048x128xbf16>, vector<64x2048xbf16>, vector<128x64xf32> -> vector<128x64xf32>
    %slice3A_49 = vector.extract_strided_slice %get3A_3 {offsets = [4, 0], sizes = [1, 128], strides = [1, 1]} : vector<16x128xi32> to vector<1x128xi32>
    %iota3A_50 = tpu.iota {dimensions = array<i32: 0>} : vector<2048x128xi32>
    %eq3A_51 = vector.broadcast %slice3A_49 : vector<1x128xi32> to vector<2048x128xi32>
    %eq3A_52 = arith.cmpi eq, %iota3A_50, %eq3A_51 : vector<2048x128xi32>
    %convert_element_type3A_53 = arith.extui %eq3A_52 : vector<2048x128xi1> to vector<2048x128xi32>
    %convert_element_type3A_54 = arith.sitofp %convert_element_type3A_53 : vector<2048x128xi32> to vector<2048x128xf32>
    %convert_element_type3A_55 = arith.truncf %convert_element_type3A_54 : vector<2048x128xf32> to vector<2048x128xbf16>
    %slice3A_56 = vector.extract_strided_slice %convert_element_type3A_8 {offsets = [4, 0, 0], sizes = [1, 64, 2048], strides = [1, 1, 1]} : vector<16x64x2048xbf16> to vector<1x64x2048xbf16>
    %squeeze3A_57 = vector.shape_cast %slice3A_56 : vector<1x64x2048xbf16> to vector<64x2048xbf16>
    %dot_general3A_58 = arith.constant dense<0.000000e+00> : vector<128x64xf32>
    %dot_general3A_59 = tpu.matmul %convert_element_type3A_55, %squeeze3A_57, %dot_general3A_58 {dimension_numbers = #tpu.dot_dimension_numbers<[0], [1], [1], [0], [0, 1, 1, 0], [], []>, transpose_lhs_hint = false} : vector<2048x128xbf16>, vector<64x2048xbf16>, vector<128x64xf32> -> vector<128x64xf32>
    %slice3A_60 = vector.extract_strided_slice %get3A_3 {offsets = [5, 0], sizes = [1, 128], strides = [1, 1]} : vector<16x128xi32> to vector<1x128xi32>
    %iota3A_61 = tpu.iota {dimensions = array<i32: 0>} : vector<2048x128xi32>
    %eq3A_62 = vector.broadcast %slice3A_60 : vector<1x128xi32> to vector<2048x128xi32>
    %eq3A_63 = arith.cmpi eq, %iota3A_61, %eq3A_62 : vector<2048x128xi32>
    %convert_element_type3A_64 = arith.extui %eq3A_63 : vector<2048x128xi1> to vector<2048x128xi32>
    %convert_element_type3A_65 = arith.sitofp %convert_element_type3A_64 : vector<2048x128xi32> to vector<2048x128xf32>
    %convert_element_type3A_66 = arith.truncf %convert_element_type3A_65 : vector<2048x128xf32> to vector<2048x128xbf16>
    %slice3A_67 = vector.extract_strided_slice %convert_element_type3A_8 {offsets = [5, 0, 0], sizes = [1, 64, 2048], strides = [1, 1, 1]} : vector<16x64x2048xbf16> to vector<1x64x2048xbf16>
    %squeeze3A_68 = vector.shape_cast %slice3A_67 : vector<1x64x2048xbf16> to vector<64x2048xbf16>
    %dot_general3A_69 = arith.constant dense<0.000000e+00> : vector<128x64xf32>
    %dot_general3A_70 = tpu.matmul %convert_element_type3A_66, %squeeze3A_68, %dot_general3A_69 {dimension_numbers = #tpu.dot_dimension_numbers<[0], [1], [1], [0], [0, 1, 1, 0], [], []>, transpose_lhs_hint = false} : vector<2048x128xbf16>, vector<64x2048xbf16>, vector<128x64xf32> -> vector<128x64xf32>
    %slice3A_71 = vector.extract_strided_slice %get3A_3 {offsets = [6, 0], sizes = [1, 128], strides = [1, 1]} : vector<16x128xi32> to vector<1x128xi32>
    %iota3A_72 = tpu.iota {dimensions = array<i32: 0>} : vector<2048x128xi32>
    %eq3A_73 = vector.broadcast %slice3A_71 : vector<1x128xi32> to vector<2048x128xi32>
    %eq3A_74 = arith.cmpi eq, %iota3A_72, %eq3A_73 : vector<2048x128xi32>
    %convert_element_type3A_75 = arith.extui %eq3A_74 : vector<2048x128xi1> to vector<2048x128xi32>
    %convert_element_type3A_76 = arith.sitofp %convert_element_type3A_75 : vector<2048x128xi32> to vector<2048x128xf32>
    %convert_element_type3A_77 = arith.truncf %convert_element_type3A_76 : vector<2048x128xf32> to vector<2048x128xbf16>
    %slice3A_78 = vector.extract_strided_slice %convert_element_type3A_8 {offsets = [6, 0, 0], sizes = [1, 64, 2048], strides = [1, 1, 1]} : vector<16x64x2048xbf16> to vector<1x64x2048xbf16>
    %squeeze3A_79 = vector.shape_cast %slice3A_78 : vector<1x64x2048xbf16> to vector<64x2048xbf16>
    %dot_general3A_80 = arith.constant dense<0.000000e+00> : vector<128x64xf32>
    %dot_general3A_81 = tpu.matmul %convert_element_type3A_77, %squeeze3A_79, %dot_general3A_80 {dimension_numbers = #tpu.dot_dimension_numbers<[0], [1], [1], [0], [0, 1, 1, 0], [], []>, transpose_lhs_hint = false} : vector<2048x128xbf16>, vector<64x2048xbf16>, vector<128x64xf32> -> vector<128x64xf32>
    %slice3A_82 = vector.extract_strided_slice %get3A_3 {offsets = [7, 0], sizes = [1, 128], strides = [1, 1]} : vector<16x128xi32> to vector<1x128xi32>
    %iota3A_83 = tpu.iota {dimensions = array<i32: 0>} : vector<2048x128xi32>
    %eq3A_84 = vector.broadcast %slice3A_82 : vector<1x128xi32> to vector<2048x128xi32>
    %eq3A_85 = arith.cmpi eq, %iota3A_83, %eq3A_84 : vector<2048x128xi32>
    %convert_element_type3A_86 = arith.extui %eq3A_85 : vector<2048x128xi1> to vector<2048x128xi32>
    %convert_element_type3A_87 = arith.sitofp %convert_element_type3A_86 : vector<2048x128xi32> to vector<2048x128xf32>
    %convert_element_type3A_88 = arith.truncf %convert_element_type3A_87 : vector<2048x128xf32> to vector<2048x128xbf16>
    %slice3A_89 = vector.extract_strided_slice %convert_element_type3A_8 {offsets = [7, 0, 0], sizes = [1, 64, 2048], strides = [1, 1, 1]} : vector<16x64x2048xbf16> to vector<1x64x2048xbf16>
    %squeeze3A_90 = vector.shape_cast %slice3A_89 : vector<1x64x2048xbf16> to vector<64x2048xbf16>
    %dot_general3A_91 = arith.constant dense<0.000000e+00> : vector<128x64xf32>
    %dot_general3A_92 = tpu.matmul %convert_element_type3A_88, %squeeze3A_90, %dot_general3A_91 {dimension_numbers = #tpu.dot_dimension_numbers<[0], [1], [1], [0], [0, 1, 1, 0], [], []>, transpose_lhs_hint = false} : vector<2048x128xbf16>, vector<64x2048xbf16>, vector<128x64xf32> -> vector<128x64xf32>
    %slice3A_93 = vector.extract_strided_slice %get3A_3 {offsets = [8, 0], sizes = [1, 128], strides = [1, 1]} : vector<16x128xi32> to vector<1x128xi32>
    %iota3A_94 = tpu.iota {dimensions = array<i32: 0>} : vector<2048x128xi32>
    %eq3A_95 = vector.broadcast %slice3A_93 : vector<1x128xi32> to vector<2048x128xi32>
    %eq3A_96 = arith.cmpi eq, %iota3A_94, %eq3A_95 : vector<2048x128xi32>
    %convert_element_type3A_97 = arith.extui %eq3A_96 : vector<2048x128xi1> to vector<2048x128xi32>
    %convert_element_type3A_98 = arith.sitofp %convert_element_type3A_97 : vector<2048x128xi32> to vector<2048x128xf32>
    %convert_element_type3A_99 = arith.truncf %convert_element_type3A_98 : vector<2048x128xf32> to vector<2048x128xbf16>
    %slice3A_100 = vector.extract_strided_slice %convert_element_type3A_8 {offsets = [8, 0, 0], sizes = [1, 64, 2048], strides = [1, 1, 1]} : vector<16x64x2048xbf16> to vector<1x64x2048xbf16>
    %squeeze3A_101 = vector.shape_cast %slice3A_100 : vector<1x64x2048xbf16> to vector<64x2048xbf16>
    %dot_general3A_102 = arith.constant dense<0.000000e+00> : vector<128x64xf32>
    %dot_general3A_103 = tpu.matmul %convert_element_type3A_99, %squeeze3A_101, %dot_general3A_102 {dimension_numbers = #tpu.dot_dimension_numbers<[0], [1], [1], [0], [0, 1, 1, 0], [], []>, transpose_lhs_hint = false} : vector<2048x128xbf16>, vector<64x2048xbf16>, vector<128x64xf32> -> vector<128x64xf32>
    %slice3A_104 = vector.extract_strided_slice %get3A_3 {offsets = [9, 0], sizes = [1, 128], strides = [1, 1]} : vector<16x128xi32> to vector<1x128xi32>
    %iota3A_105 = tpu.iota {dimensions = array<i32: 0>} : vector<2048x128xi32>
    %eq3A_106 = vector.broadcast %slice3A_104 : vector<1x128xi32> to vector<2048x128xi32>
    %eq3A_107 = arith.cmpi eq, %iota3A_105, %eq3A_106 : vector<2048x128xi32>
    %convert_element_type3A_108 = arith.extui %eq3A_107 : vector<2048x128xi1> to vector<2048x128xi32>
    %convert_element_type3A_109 = arith.sitofp %convert_element_type3A_108 : vector<2048x128xi32> to vector<2048x128xf32>
    %convert_element_type3A_110 = arith.truncf %convert_element_type3A_109 : vector<2048x128xf32> to vector<2048x128xbf16>
    %slice3A_111 = vector.extract_strided_slice %convert_element_type3A_8 {offsets = [9, 0, 0], sizes = [1, 64, 2048], strides = [1, 1, 1]} : vector<16x64x2048xbf16> to vector<1x64x2048xbf16>
    %squeeze3A_112 = vector.shape_cast %slice3A_111 : vector<1x64x2048xbf16> to vector<64x2048xbf16>
    %dot_general3A_113 = arith.constant dense<0.000000e+00> : vector<128x64xf32>
    %dot_general3A_114 = tpu.matmul %convert_element_type3A_110, %squeeze3A_112, %dot_general3A_113 {dimension_numbers = #tpu.dot_dimension_numbers<[0], [1], [1], [0], [0, 1, 1, 0], [], []>, transpose_lhs_hint = false} : vector<2048x128xbf16>, vector<64x2048xbf16>, vector<128x64xf32> -> vector<128x64xf32>
    %slice3A_115 = vector.extract_strided_slice %get3A_3 {offsets = [10, 0], sizes = [1, 128], strides = [1, 1]} : vector<16x128xi32> to vector<1x128xi32>
    %iota3A_116 = tpu.iota {dimensions = array<i32: 0>} : vector<2048x128xi32>
    %eq3A_117 = vector.broadcast %slice3A_115 : vector<1x128xi32> to vector<2048x128xi32>
    %eq3A_118 = arith.cmpi eq, %iota3A_116, %eq3A_117 : vector<2048x128xi32>
    %convert_element_type3A_119 = arith.extui %eq3A_118 : vector<2048x128xi1> to vector<2048x128xi32>
    %convert_element_type3A_120 = arith.sitofp %convert_element_type3A_119 : vector<2048x128xi32> to vector<2048x128xf32>
    %convert_element_type3A_121 = arith.truncf %convert_element_type3A_120 : vector<2048x128xf32> to vector<2048x128xbf16>
    %slice3A_122 = vector.extract_strided_slice %convert_element_type3A_8 {offsets = [10, 0, 0], sizes = [1, 64, 2048], strides = [1, 1, 1]} : vector<16x64x2048xbf16> to vector<1x64x2048xbf16>
    %squeeze3A_123 = vector.shape_cast %slice3A_122 : vector<1x64x2048xbf16> to vector<64x2048xbf16>
    %dot_general3A_124 = arith.constant dense<0.000000e+00> : vector<128x64xf32>
    %dot_general3A_125 = tpu.matmul %convert_element_type3A_121, %squeeze3A_123, %dot_general3A_124 {dimension_numbers = #tpu.dot_dimension_numbers<[0], [1], [1], [0], [0, 1, 1, 0], [], []>, transpose_lhs_hint = false} : vector<2048x128xbf16>, vector<64x2048xbf16>, vector<128x64xf32> -> vector<128x64xf32>
    %slice3A_126 = vector.extract_strided_slice %get3A_3 {offsets = [11, 0], sizes = [1, 128], strides = [1, 1]} : vector<16x128xi32> to vector<1x128xi32>
    %iota3A_127 = tpu.iota {dimensions = array<i32: 0>} : vector<2048x128xi32>
    %eq3A_128 = vector.broadcast %slice3A_126 : vector<1x128xi32> to vector<2048x128xi32>
    %eq3A_129 = arith.cmpi eq, %iota3A_127, %eq3A_128 : vector<2048x128xi32>
    %convert_element_type3A_130 = arith.extui %eq3A_129 : vector<2048x128xi1> to vector<2048x128xi32>
    %convert_element_type3A_131 = arith.sitofp %convert_element_type3A_130 : vector<2048x128xi32> to vector<2048x128xf32>
    %convert_element_type3A_132 = arith.truncf %convert_element_type3A_131 : vector<2048x128xf32> to vector<2048x128xbf16>
    %slice3A_133 = vector.extract_strided_slice %convert_element_type3A_8 {offsets = [11, 0, 0], sizes = [1, 64, 2048], strides = [1, 1, 1]} : vector<16x64x2048xbf16> to vector<1x64x2048xbf16>
    %squeeze3A_134 = vector.shape_cast %slice3A_133 : vector<1x64x2048xbf16> to vector<64x2048xbf16>
    %dot_general3A_135 = arith.constant dense<0.000000e+00> : vector<128x64xf32>
    %dot_general3A_136 = tpu.matmul %convert_element_type3A_132, %squeeze3A_134, %dot_general3A_135 {dimension_numbers = #tpu.dot_dimension_numbers<[0], [1], [1], [0], [0, 1, 1, 0], [], []>, transpose_lhs_hint = false} : vector<2048x128xbf16>, vector<64x2048xbf16>, vector<128x64xf32> -> vector<128x64xf32>
    %slice3A_137 = vector.extract_strided_slice %get3A_3 {offsets = [12, 0], sizes = [1, 128], strides = [1, 1]} : vector<16x128xi32> to vector<1x128xi32>
    %iota3A_138 = tpu.iota {dimensions = array<i32: 0>} : vector<2048x128xi32>
    %eq3A_139 = vector.broadcast %slice3A_137 : vector<1x128xi32> to vector<2048x128xi32>
    %eq3A_140 = arith.cmpi eq, %iota3A_138, %eq3A_139 : vector<2048x128xi32>
    %convert_element_type3A_141 = arith.extui %eq3A_140 : vector<2048x128xi1> to vector<2048x128xi32>
    %convert_element_type3A_142 = arith.sitofp %convert_element_type3A_141 : vector<2048x128xi32> to vector<2048x128xf32>
    %convert_element_type3A_143 = arith.truncf %convert_element_type3A_142 : vector<2048x128xf32> to vector<2048x128xbf16>
    %slice3A_144 = vector.extract_strided_slice %convert_element_type3A_8 {offsets = [12, 0, 0], sizes = [1, 64, 2048], strides = [1, 1, 1]} : vector<16x64x2048xbf16> to vector<1x64x2048xbf16>
    %squeeze3A_145 = vector.shape_cast %slice3A_144 : vector<1x64x2048xbf16> to vector<64x2048xbf16>
    %dot_general3A_146 = arith.constant dense<0.000000e+00> : vector<128x64xf32>
    %dot_general3A_147 = tpu.matmul %convert_element_type3A_143, %squeeze3A_145, %dot_general3A_146 {dimension_numbers = #tpu.dot_dimension_numbers<[0], [1], [1], [0], [0, 1, 1, 0], [], []>, transpose_lhs_hint = false} : vector<2048x128xbf16>, vector<64x2048xbf16>, vector<128x64xf32> -> vector<128x64xf32>
    %slice3A_148 = vector.extract_strided_slice %get3A_3 {offsets = [13, 0], sizes = [1, 128], strides = [1, 1]} : vector<16x128xi32> to vector<1x128xi32>
    %iota3A_149 = tpu.iota {dimensions = array<i32: 0>} : vector<2048x128xi32>
    %eq3A_150 = vector.broadcast %slice3A_148 : vector<1x128xi32> to vector<2048x128xi32>
    %eq3A_151 = arith.cmpi eq, %iota3A_149, %eq3A_150 : vector<2048x128xi32>
    %convert_element_type3A_152 = arith.extui %eq3A_151 : vector<2048x128xi1> to vector<2048x128xi32>
    %convert_element_type3A_153 = arith.sitofp %convert_element_type3A_152 : vector<2048x128xi32> to vector<2048x128xf32>
    %convert_element_type3A_154 = arith.truncf %convert_element_type3A_153 : vector<2048x128xf32> to vector<2048x128xbf16>
    %slice3A_155 = vector.extract_strided_slice %convert_element_type3A_8 {offsets = [13, 0, 0], sizes = [1, 64, 2048], strides = [1, 1, 1]} : vector<16x64x2048xbf16> to vector<1x64x2048xbf16>
    %squeeze3A_156 = vector.shape_cast %slice3A_155 : vector<1x64x2048xbf16> to vector<64x2048xbf16>
    %dot_general3A_157 = arith.constant dense<0.000000e+00> : vector<128x64xf32>
    %dot_general3A_158 = tpu.matmul %convert_element_type3A_154, %squeeze3A_156, %dot_general3A_157 {dimension_numbers = #tpu.dot_dimension_numbers<[0], [1], [1], [0], [0, 1, 1, 0], [], []>, transpose_lhs_hint = false} : vector<2048x128xbf16>, vector<64x2048xbf16>, vector<128x64xf32> -> vector<128x64xf32>
    %slice3A_159 = vector.extract_strided_slice %get3A_3 {offsets = [14, 0], sizes = [1, 128], strides = [1, 1]} : vector<16x128xi32> to vector<1x128xi32>
    %iota3A_160 = tpu.iota {dimensions = array<i32: 0>} : vector<2048x128xi32>
    %eq3A_161 = vector.broadcast %slice3A_159 : vector<1x128xi32> to vector<2048x128xi32>
    %eq3A_162 = arith.cmpi eq, %iota3A_160, %eq3A_161 : vector<2048x128xi32>
    %convert_element_type3A_163 = arith.extui %eq3A_162 : vector<2048x128xi1> to vector<2048x128xi32>
    %convert_element_type3A_164 = arith.sitofp %convert_element_type3A_163 : vector<2048x128xi32> to vector<2048x128xf32>
    %convert_element_type3A_165 = arith.truncf %convert_element_type3A_164 : vector<2048x128xf32> to vector<2048x128xbf16>
    %slice3A_166 = vector.extract_strided_slice %convert_element_type3A_8 {offsets = [14, 0, 0], sizes = [1, 64, 2048], strides = [1, 1, 1]} : vector<16x64x2048xbf16> to vector<1x64x2048xbf16>
    %squeeze3A_167 = vector.shape_cast %slice3A_166 : vector<1x64x2048xbf16> to vector<64x2048xbf16>
    %dot_general3A_168 = arith.constant dense<0.000000e+00> : vector<128x64xf32>
    %dot_general3A_169 = tpu.matmul %convert_element_type3A_165, %squeeze3A_167, %dot_general3A_168 {dimension_numbers = #tpu.dot_dimension_numbers<[0], [1], [1], [0], [0, 1, 1, 0], [], []>, transpose_lhs_hint = false} : vector<2048x128xbf16>, vector<64x2048xbf16>, vector<128x64xf32> -> vector<128x64xf32>
    %slice3A_170 = vector.extract_strided_slice %get3A_3 {offsets = [15, 0], sizes = [1, 128], strides = [1, 1]} : vector<16x128xi32> to vector<1x128xi32>
    %iota3A_171 = tpu.iota {dimensions = array<i32: 0>} : vector<2048x128xi32>
    %eq3A_172 = vector.broadcast %slice3A_170 : vector<1x128xi32> to vector<2048x128xi32>
    %eq3A_173 = arith.cmpi eq, %iota3A_171, %eq3A_172 : vector<2048x128xi32>
    %convert_element_type3A_174 = arith.extui %eq3A_173 : vector<2048x128xi1> to vector<2048x128xi32>
    %convert_element_type3A_175 = arith.sitofp %convert_element_type3A_174 : vector<2048x128xi32> to vector<2048x128xf32>
    %convert_element_type3A_176 = arith.truncf %convert_element_type3A_175 : vector<2048x128xf32> to vector<2048x128xbf16>
    %slice3A_177 = vector.extract_strided_slice %convert_element_type3A_8 {offsets = [15, 0, 0], sizes = [1, 64, 2048], strides = [1, 1, 1]} : vector<16x64x2048xbf16> to vector<1x64x2048xbf16>
    %squeeze3A_178 = vector.shape_cast %slice3A_177 : vector<1x64x2048xbf16> to vector<64x2048xbf16>
    %dot_general3A_179 = arith.constant dense<0.000000e+00> : vector<128x64xf32>
    %dot_general3A_180 = tpu.matmul %convert_element_type3A_176, %squeeze3A_178, %dot_general3A_179 {dimension_numbers = #tpu.dot_dimension_numbers<[0], [1], [1], [0], [0, 1, 1, 0], [], []>, transpose_lhs_hint = false} : vector<2048x128xbf16>, vector<64x2048xbf16>, vector<128x64xf32> -> vector<128x64xf32>
    %concatenate3A = tpu.concatenate %dot_general3A_15, %dot_general3A_26, %dot_general3A_37, %dot_general3A_48, %dot_general3A_59, %dot_general3A_70, %dot_general3A_81, %dot_general3A_92, %dot_general3A_103, %dot_general3A_114, %dot_general3A_125, %dot_general3A_136, %dot_general3A_147, %dot_general3A_158, %dot_general3A_169, %dot_general3A_180 in 0 : vector<128x64xf32>, vector<128x64xf32>, vector<128x64xf32>, vector<128x64xf32>, vector<128x64xf32>, vector<128x64xf32>, vector<128x64xf32>, vector<128x64xf32>, vector<128x64xf32>, vector<128x64xf32>, vector<128x64xf32>, vector<128x64xf32>, vector<128x64xf32>, vector<128x64xf32>, vector<128x64xf32>, vector<128x64xf32> -> vector<2048x64xf32>
    %swap3A = arith.constant 0 : index
    %swap3A_181 = arith.constant 0 : index
    %swap3A_182 = vector.load %arg5[%swap3A, %swap3A_181] : memref<2048x64xf32, #tpu.memory_space<vmem>>, vector<2048x64xf32>
    tpu.vector_store %arg5[%swap3A, %swap3A_181], %concatenate3A {strides = array<i32>} : memref<2048x64xf32, #tpu.memory_space<vmem>>, vector<2048x64xf32>,
    %get3A_183 = arith.constant 0 : index
    %get3A_184 = arith.constant 0 : index
    %get3A_185 = vector.load %arg3[%get3A_183, %get3A_184] : memref<256x64xf32, #tpu.memory_space<vmem>>, vector<256x64xf32>
    %dot_general3A_186 = arith.constant dense<0.000000e+00> : vector<2048x256xf32>
    %dot_general3A_187 = tpu.matmul %concatenate3A, %get3A_185, %dot_general3A_186 {dimension_numbers = #tpu.dot_dimension_numbers<[1], [1], [0], [0], [0, 0, 1, 0], [], []>, transpose_lhs_hint = false} : vector<2048x64xf32>, vector<256x64xf32>, vector<2048x256xf32> -> vector<2048x256xf32>
    %get3A_188 = arith.constant 0 : index
    %get3A_189 = arith.constant 0 : index
    %get3A_190 = vector.load %arg4[%get3A_188, %get3A_189] : memref<1x256xf32, #tpu.memory_space<vmem>>, vector<1x256xf32>
    %add3A = vector.broadcast %get3A_190 : vector<1x256xf32> to vector<2048x256xf32>
    %add3A_191 = arith.addf %dot_general3A_187, %add3A : vector<2048x256xf32>
    %get3A_192 = arith.constant 0 : index
    %get3A_193 = arith.constant 0 : index
    %get3A_194 = vector.load %arg6[%get3A_192, %get3A_193] : memref<2x256xf32, #tpu.memory_space<vmem>>, vector<1x256xf32>
    %reduce_sum3A = arith.constant dense<0.000000e+00> : vector<256xf32>
    %reduce_sum3A_195 = vector.multi_reduction <add>, %add3A_191, %reduce_sum3A [0] : vector<2048x256xf32> to vector<256xf32>
    %broadcast_in_dim3A = vector.shape_cast %reduce_sum3A_195 : vector<256xf32> to vector<1x256xf32>
    %add3A_196 = arith.addf %get3A_194, %broadcast_in_dim3A : vector<1x256xf32>
    %swap3A_197 = arith.constant 0 : index
    %swap3A_198 = arith.constant 0 : index
    %swap3A_199 = vector.load %arg6[%swap3A_197, %swap3A_198] : memref<2x256xf32, #tpu.memory_space<vmem>>, vector<1x256xf32>
    tpu.vector_store %arg6[%swap3A_197, %swap3A_198], %add3A_196 {strides = array<i32>} : memref<2x256xf32, #tpu.memory_space<vmem>>, vector<1x256xf32>,
    %get3A_200 = arith.constant 1 : index
    %get3A_201 = arith.constant 0 : index
    %get3A_202 = vector.load %arg6[%get3A_200, %get3A_201] : memref<2x256xf32, #tpu.memory_space<vmem>>, vector<1x256xf32>
    %mul3A = arith.mulf %add3A_191, %add3A_191 : vector<2048x256xf32>
    %reduce_sum3A_203 = arith.constant dense<0.000000e+00> : vector<256xf32>
    %reduce_sum3A_204 = vector.multi_reduction <add>, %mul3A, %reduce_sum3A_203 [0] : vector<2048x256xf32> to vector<256xf32>
    %broadcast_in_dim3A_205 = vector.shape_cast %reduce_sum3A_204 : vector<256xf32> to vector<1x256xf32>
    %add3A_206 = arith.addf %get3A_202, %broadcast_in_dim3A_205 : vector<1x256xf32>
    %swap3A_207 = arith.constant 1 : index
    %swap3A_208 = arith.constant 0 : index
    %swap3A_209 = vector.load %arg6[%swap3A_207, %swap3A_208] : memref<2x256xf32, #tpu.memory_space<vmem>>, vector<1x256xf32>
    tpu.vector_store %arg6[%swap3A_207, %swap3A_208], %add3A_206 {strides = array<i32>} : memref<2x256xf32, #tpu.memory_space<vmem>>, vector<1x256xf32>,
    return
  }
  func.func @transform_0(%arg0: i32) -> (i32, i32) {
    %c0_i32 = arith.constant 0 : i32
    %c0_i32_0 = arith.constant 0 : i32
    return %arg0, %c0_i32 : i32, i32
  }
  func.func @transform_1(%arg0: i32) -> (i32, i32, i32) {
    %c0_i32 = arith.constant 0 : i32
    %c0_i32_0 = arith.constant 0 : i32
    %c0_i32_1 = arith.constant 0 : i32
    return %arg0, %c0_i32, %c0_i32_0 : i32, i32, i32
  }
  func.func @transform_2(%arg0: i32) -> (i32, i32) {
    %c0_i32 = arith.constant 0 : i32
    %c0_i32_0 = arith.constant 0 : i32
    %c0_i32_1 = arith.constant 0 : i32
    return %c0_i32, %c0_i32_0 : i32, i32
  }
  func.func @transform_3(%arg0: i32) -> (i32, i32) {
    %c0_i32 = arith.constant 0 : i32
    %c0_i32_0 = arith.constant 0 : i32
    %c0_i32_1 = arith.constant 0 : i32
    return %c0_i32, %c0_i32_0 : i32, i32
  }
  func.func @transform_4(%arg0: i32) -> (i32, i32) {
    %c0_i32 = arith.constant 0 : i32
    %c0_i32_0 = arith.constant 0 : i32
    return %arg0, %c0_i32 : i32, i32
  }
  func.func @transform_5(%arg0: i32) -> (i32, i32) {
    %c0_i32 = arith.constant 0 : i32
    %c0_i32_0 = arith.constant 0 : i32
    %c0_i32_1 = arith.constant 0 : i32
    return %c0_i32, %c0_i32_0 : i32, i32
  }
}

module attributes {stable_mosaic.version = 14 : i64} {
  func.func @_dense_body(%arg0: i32, %arg1: i32, %arg2: memref<2x256xf32, #tpu.memory_space<vmem>>, %arg3: memref<2048x64xf32, #tpu.memory_space<vmem>>, %arg4: memref<2048x128xf32, #tpu.memory_space<vmem>>, %arg5: memref<2048x128xf32, #tpu.memory_space<vmem>>, %arg6: memref<2048x256xf32, #tpu.memory_space<vmem>>, %arg7: memref<2048x256xf32, #tpu.memory_space<vmem>>, %arg8: memref<256x64xf32, #tpu.memory_space<vmem>>, %arg9: memref<256x128xf32, #tpu.memory_space<vmem>>, %arg10: memref<256x128xf32, #tpu.memory_space<vmem>>, %arg11: memref<256x256xf32, #tpu.memory_space<vmem>>, %arg12: memref<1x256xf32, #tpu.memory_space<vmem>>, %arg13: memref<1x256xf32, #tpu.memory_space<vmem>>, %arg14: memref<1x256xf32, #tpu.memory_space<vmem>>, %arg15: memref<1x256xf32, #tpu.memory_space<vmem>>, %arg16: memref<256x256xf32, #tpu.memory_space<vmem>>, %arg17: memref<1x256xf32, #tpu.memory_space<vmem>>, %arg18: memref<16384x256xf32, #tpu.memory_space<any>>, %arg19: memref<16384x128xbf16, #tpu.memory_space<vmem>>, %arg20: memref<16384x128xbf16, #tpu.memory_space<vmem>>, %arg21: memref<16384x256xbf16, #tpu.memory_space<vmem>>, %arg22: memref<16384x256xbf16, #tpu.memory_space<vmem>>, %arg23: memref<16384x256xbf16, #tpu.memory_space<vmem>>, %arg24: memref<6x256xf32, #tpu.memory_space<vmem>>, %arg25: memref<2x256xf32, #tpu.memory_space<vmem>>, %arg26: memref<2048x256xf32, #tpu.memory_space<vmem>>, %arg27: memref<!tpu.dma_semaphore, #tpu.memory_space<semaphore_mem>>) attributes {dimension_semantics = [#tpu.dimension_semantics<arbitrary>, #tpu.dimension_semantics<arbitrary>], iteration_bounds = array<i64: 3, 8>, scalar_prefetch = 0 : i64, scratch_operands = 9 : i64, tpu.core_type = #tpu.core_type<tc>, window_params = [{pipeline_mode = #tpu.pipeline_mode<synchronous>, transform_indices = @transform_0, window_bounds = array<i64: 2, 256>}, {transform_indices = @transform_1, window_bounds = array<i64: 2048, 64>}, {transform_indices = @transform_2, window_bounds = array<i64: 2048, 128>}, {transform_indices = @transform_3, window_bounds = array<i64: 2048, 128>}, {transform_indices = @transform_4, window_bounds = array<i64: 2048, 256>}, {transform_indices = @transform_5, window_bounds = array<i64: 2048, 256>}, {pipeline_mode = #tpu.pipeline_mode<synchronous>, transform_indices = @transform_6, window_bounds = array<i64: 256, 64>}, {pipeline_mode = #tpu.pipeline_mode<synchronous>, transform_indices = @transform_7, window_bounds = array<i64: 256, 128>}, {pipeline_mode = #tpu.pipeline_mode<synchronous>, transform_indices = @transform_8, window_bounds = array<i64: 256, 128>}, {pipeline_mode = #tpu.pipeline_mode<synchronous>, transform_indices = @transform_9, window_bounds = array<i64: 256, 256>}, {pipeline_mode = #tpu.pipeline_mode<synchronous>, transform_indices = @transform_10, window_bounds = array<i64: 1, 256>}, {pipeline_mode = #tpu.pipeline_mode<synchronous>, transform_indices = @transform_11, window_bounds = array<i64: 1, 256>}, {pipeline_mode = #tpu.pipeline_mode<synchronous>, transform_indices = @transform_12, window_bounds = array<i64: 1, 256>}, {pipeline_mode = #tpu.pipeline_mode<synchronous>, transform_indices = @transform_13, window_bounds = array<i64: 1, 256>}, {pipeline_mode = #tpu.pipeline_mode<synchronous>, transform_indices = @transform_14, window_bounds = array<i64: 256, 256>}, {pipeline_mode = #tpu.pipeline_mode<synchronous>, transform_indices = @transform_15, window_bounds = array<i64: 1, 256>}, {}]} {
    %mul3A = arith.constant 2048 : i32
    %mul3A_0 = arith.muli %arg1, %mul3A : i32
    %eq3A = arith.constant 0 : i32
    %eq3A_1 = arith.cmpi eq, %arg0, %eq3A : i32
    %eq3A_2 = arith.constant 0 : i32
    %eq3A_3 = arith.cmpi eq, %arg1, %eq3A_2 : i32
    %and3A = arith.andi %eq3A_1, %eq3A_3 : i1
    %convert_element_type3A = arith.extui %and3A : i1 to i32
    %cond3A = arith.constant 0 : i32
    %cond3A_4 = arith.cmpi ne, %convert_element_type3A, %cond3A : i32
    scf.if %cond3A_4 {
      %broadcast_in_dim3A = arith.constant 0.000000e+00 : f32
      %broadcast_in_dim3A_20 = vector.broadcast %broadcast_in_dim3A : f32 to vector<6x256xf32>
      %swap3A = arith.constant 0 : index
      %swap3A_21 = arith.constant 0 : index
      %swap3A_22 = vector.load %arg24[%swap3A, %swap3A_21] : memref<6x256xf32, #tpu.memory_space<vmem>>, vector<6x256xf32>
      tpu.vector_store %arg24[%swap3A, %swap3A_21], %broadcast_in_dim3A_20 {strides = array<i32>} : memref<6x256xf32, #tpu.memory_space<vmem>>, vector<6x256xf32>,
      %broadcast_in_dim3A_23 = arith.constant 0.000000e+00 : f32
      %broadcast_in_dim3A_24 = vector.broadcast %broadcast_in_dim3A_23 : f32 to vector<2x256xf32>
      %swap3A_25 = arith.constant 0 : index
      %swap3A_26 = arith.constant 0 : index
      %swap3A_27 = vector.load %arg25[%swap3A_25, %swap3A_26] : memref<2x256xf32, #tpu.memory_space<vmem>>, vector<2x256xf32>
      tpu.vector_store %arg25[%swap3A_25, %swap3A_26], %broadcast_in_dim3A_24 {strides = array<i32>} : memref<2x256xf32, #tpu.memory_space<vmem>>, vector<2x256xf32>,
    } else {
    }
    %eq3A_5 = arith.constant 0 : i32
    %eq3A_6 = arith.cmpi eq, %arg0, %eq3A_5 : i32
    %convert_element_type3A_7 = arith.extui %eq3A_6 : i1 to i32
    %cond3A_8 = arith.constant 0 : i32
    %cond3A_9 = arith.cmpi ne, %convert_element_type3A_7, %cond3A_8 : i32
    scf.if %cond3A_9 {
      %get3A = arith.constant 0 : index
      %get3A_20 = arith.constant 0 : index
      %get3A_21 = vector.load %arg4[%get3A, %get3A_20] : memref<2048x128xf32, #tpu.memory_space<vmem>>, vector<2048x128xf32>
      %get3A_22 = arith.constant 0 : index
      %get3A_23 = arith.constant 0 : index
      %get3A_24 = vector.load %arg5[%get3A_22, %get3A_23] : memref<2048x128xf32, #tpu.memory_space<vmem>>, vector<2048x128xf32>
      %get3A_25 = arith.constant 0 : index
      %get3A_26 = arith.constant 0 : index
      %get3A_27 = vector.load %arg6[%get3A_25, %get3A_26] : memref<2048x256xf32, #tpu.memory_space<vmem>>, vector<2048x256xf32>
      %convert_element_type3A_28 = arith.truncf %get3A_21 : vector<2048x128xf32> to vector<2048x128xbf16>
      %swap3A = arith.index_cast %mul3A_0 : i32 to index
      %swap3A_29 = arith.constant 0 : index
      %swap3A_30 = vector.load %arg19[%swap3A, %swap3A_29] : memref<16384x128xbf16, #tpu.memory_space<vmem>>, vector<2048x128xbf16>
      tpu.vector_store %arg19[%swap3A, %swap3A_29], %convert_element_type3A_28 {strides = array<i32>} : memref<16384x128xbf16, #tpu.memory_space<vmem>>, vector<2048x128xbf16>,
      %get3A_31 = arith.constant 0 : index
      %get3A_32 = arith.constant 0 : index
      %get3A_33 = vector.load %arg9[%get3A_31, %get3A_32] : memref<256x128xf32, #tpu.memory_space<vmem>>, vector<256x128xf32>
      %dot_general3A = arith.constant dense<0.000000e+00> : vector<2048x256xf32>
      %dot_general3A_34 = tpu.matmul %get3A_21, %get3A_33, %dot_general3A {dimension_numbers = #tpu.dot_dimension_numbers<[1], [1], [0], [0], [0, 0, 1, 0], [], []>, transpose_lhs_hint = false} : vector<2048x128xf32>, vector<256x128xf32>, vector<2048x256xf32> -> vector<2048x256xf32>
      %get3A_35 = arith.constant 0 : index
      %get3A_36 = arith.constant 0 : index
      %get3A_37 = vector.load %arg13[%get3A_35, %get3A_36] : memref<1x256xf32, #tpu.memory_space<vmem>>, vector<1x256xf32>
      %add3A = vector.broadcast %get3A_37 : vector<1x256xf32> to vector<2048x256xf32>
      %add3A_38 = arith.addf %dot_general3A_34, %add3A : vector<2048x256xf32>
      %get3A_39 = arith.constant 0 : index
      %get3A_40 = arith.constant 0 : index
      %get3A_41 = vector.load %arg24[%get3A_39, %get3A_40] : memref<6x256xf32, #tpu.memory_space<vmem>>, vector<1x256xf32>
      %reduce_sum3A = arith.constant dense<0.000000e+00> : vector<256xf32>
      %reduce_sum3A_42 = vector.multi_reduction <add>, %add3A_38, %reduce_sum3A [0] : vector<2048x256xf32> to vector<256xf32>
      %broadcast_in_dim3A = vector.shape_cast %reduce_sum3A_42 : vector<256xf32> to vector<1x256xf32>
      %add3A_43 = arith.addf %get3A_41, %broadcast_in_dim3A : vector<1x256xf32>
      %swap3A_44 = arith.constant 0 : index
      %swap3A_45 = arith.constant 0 : index
      %swap3A_46 = vector.load %arg24[%swap3A_44, %swap3A_45] : memref<6x256xf32, #tpu.memory_space<vmem>>, vector<1x256xf32>
      tpu.vector_store %arg24[%swap3A_44, %swap3A_45], %add3A_43 {strides = array<i32>} : memref<6x256xf32, #tpu.memory_space<vmem>>, vector<1x256xf32>,
      %get3A_47 = arith.constant 3 : index
      %get3A_48 = arith.constant 0 : index
      %get3A_49 = vector.load %arg24[%get3A_47, %get3A_48] : memref<6x256xf32, #tpu.memory_space<vmem>>, vector<1x256xf32>
      %mul3A_50 = arith.mulf %add3A_38, %add3A_38 : vector<2048x256xf32>
      %reduce_sum3A_51 = arith.constant dense<0.000000e+00> : vector<256xf32>
      %reduce_sum3A_52 = vector.multi_reduction <add>, %mul3A_50, %reduce_sum3A_51 [0] : vector<2048x256xf32> to vector<256xf32>
      %broadcast_in_dim3A_53 = vector.shape_cast %reduce_sum3A_52 : vector<256xf32> to vector<1x256xf32>
      %add3A_54 = arith.addf %get3A_49, %broadcast_in_dim3A_53 : vector<1x256xf32>
      %swap3A_55 = arith.constant 3 : index
      %swap3A_56 = arith.constant 0 : index
      %swap3A_57 = vector.load %arg24[%swap3A_55, %swap3A_56] : memref<6x256xf32, #tpu.memory_space<vmem>>, vector<1x256xf32>
      tpu.vector_store %arg24[%swap3A_55, %swap3A_56], %add3A_54 {strides = array<i32>} : memref<6x256xf32, #tpu.memory_space<vmem>>, vector<1x256xf32>,
      %convert_element_type3A_58 = arith.truncf %get3A_24 : vector<2048x128xf32> to vector<2048x128xbf16>
      %swap3A_59 = arith.index_cast %mul3A_0 : i32 to index
      %swap3A_60 = arith.constant 0 : index
      %swap3A_61 = vector.load %arg20[%swap3A_59, %swap3A_60] : memref<16384x128xbf16, #tpu.memory_space<vmem>>, vector<2048x128xbf16>
      tpu.vector_store %arg20[%swap3A_59, %swap3A_60], %convert_element_type3A_58 {strides = array<i32>} : memref<16384x128xbf16, #tpu.memory_space<vmem>>, vector<2048x128xbf16>,
      %get3A_62 = arith.constant 0 : index
      %get3A_63 = arith.constant 0 : index
      %get3A_64 = vector.load %arg10[%get3A_62, %get3A_63] : memref<256x128xf32, #tpu.memory_space<vmem>>, vector<256x128xf32>
      %dot_general3A_65 = arith.constant dense<0.000000e+00> : vector<2048x256xf32>
      %dot_general3A_66 = tpu.matmul %get3A_24, %get3A_64, %dot_general3A_65 {dimension_numbers = #tpu.dot_dimension_numbers<[1], [1], [0], [0], [0, 0, 1, 0], [], []>, transpose_lhs_hint = false} : vector<2048x128xf32>, vector<256x128xf32>, vector<2048x256xf32> -> vector<2048x256xf32>
      %get3A_67 = arith.constant 0 : index
      %get3A_68 = arith.constant 0 : index
      %get3A_69 = vector.load %arg14[%get3A_67, %get3A_68] : memref<1x256xf32, #tpu.memory_space<vmem>>, vector<1x256xf32>
      %add3A_70 = vector.broadcast %get3A_69 : vector<1x256xf32> to vector<2048x256xf32>
      %add3A_71 = arith.addf %dot_general3A_66, %add3A_70 : vector<2048x256xf32>
      %get3A_72 = arith.constant 1 : index
      %get3A_73 = arith.constant 0 : index
      %get3A_74 = vector.load %arg24[%get3A_72, %get3A_73] : memref<6x256xf32, #tpu.memory_space<vmem>>, vector<1x256xf32>
      %reduce_sum3A_75 = arith.constant dense<0.000000e+00> : vector<256xf32>
      %reduce_sum3A_76 = vector.multi_reduction <add>, %add3A_71, %reduce_sum3A_75 [0] : vector<2048x256xf32> to vector<256xf32>
      %broadcast_in_dim3A_77 = vector.shape_cast %reduce_sum3A_76 : vector<256xf32> to vector<1x256xf32>
      %add3A_78 = arith.addf %get3A_74, %broadcast_in_dim3A_77 : vector<1x256xf32>
      %swap3A_79 = arith.constant 1 : index
      %swap3A_80 = arith.constant 0 : index
      %swap3A_81 = vector.load %arg24[%swap3A_79, %swap3A_80] : memref<6x256xf32, #tpu.memory_space<vmem>>, vector<1x256xf32>
      tpu.vector_store %arg24[%swap3A_79, %swap3A_80], %add3A_78 {strides = array<i32>} : memref<6x256xf32, #tpu.memory_space<vmem>>, vector<1x256xf32>,
      %get3A_82 = arith.constant 4 : index
      %get3A_83 = arith.constant 0 : index
      %get3A_84 = vector.load %arg24[%get3A_82, %get3A_83] : memref<6x256xf32, #tpu.memory_space<vmem>>, vector<1x256xf32>
      %mul3A_85 = arith.mulf %add3A_71, %add3A_71 : vector<2048x256xf32>
      %reduce_sum3A_86 = arith.constant dense<0.000000e+00> : vector<256xf32>
      %reduce_sum3A_87 = vector.multi_reduction <add>, %mul3A_85, %reduce_sum3A_86 [0] : vector<2048x256xf32> to vector<256xf32>
      %broadcast_in_dim3A_88 = vector.shape_cast %reduce_sum3A_87 : vector<256xf32> to vector<1x256xf32>
      %add3A_89 = arith.addf %get3A_84, %broadcast_in_dim3A_88 : vector<1x256xf32>
      %swap3A_90 = arith.constant 4 : index
      %swap3A_91 = arith.constant 0 : index
      %swap3A_92 = vector.load %arg24[%swap3A_90, %swap3A_91] : memref<6x256xf32, #tpu.memory_space<vmem>>, vector<1x256xf32>
      tpu.vector_store %arg24[%swap3A_90, %swap3A_91], %add3A_89 {strides = array<i32>} : memref<6x256xf32, #tpu.memory_space<vmem>>, vector<1x256xf32>,
      %convert_element_type3A_93 = arith.truncf %get3A_27 : vector<2048x256xf32> to vector<2048x256xbf16>
      %swap3A_94 = arith.index_cast %mul3A_0 : i32 to index
      %swap3A_95 = arith.constant 0 : index
      %swap3A_96 = vector.load %arg21[%swap3A_94, %swap3A_95] : memref<16384x256xbf16, #tpu.memory_space<vmem>>, vector<2048x256xbf16>
      tpu.vector_store %arg21[%swap3A_94, %swap3A_95], %convert_element_type3A_93 {strides = array<i32>} : memref<16384x256xbf16, #tpu.memory_space<vmem>>, vector<2048x256xbf16>,
      %get3A_97 = arith.constant 0 : index
      %get3A_98 = arith.constant 0 : index
      %get3A_99 = vector.load %arg11[%get3A_97, %get3A_98] : memref<256x256xf32, #tpu.memory_space<vmem>>, vector<256x256xf32>
      %dot_general3A_100 = arith.constant dense<0.000000e+00> : vector<2048x256xf32>
      %dot_general3A_101 = tpu.matmul %get3A_27, %get3A_99, %dot_general3A_100 {dimension_numbers = #tpu.dot_dimension_numbers<[1], [1], [0], [0], [0, 0, 1, 0], [], []>, transpose_lhs_hint = false} : vector<2048x256xf32>, vector<256x256xf32>, vector<2048x256xf32> -> vector<2048x256xf32>
      %get3A_102 = arith.constant 0 : index
      %get3A_103 = arith.constant 0 : index
      %get3A_104 = vector.load %arg15[%get3A_102, %get3A_103] : memref<1x256xf32, #tpu.memory_space<vmem>>, vector<1x256xf32>
      %add3A_105 = vector.broadcast %get3A_104 : vector<1x256xf32> to vector<2048x256xf32>
      %add3A_106 = arith.addf %dot_general3A_101, %add3A_105 : vector<2048x256xf32>
      %get3A_107 = arith.constant 2 : index
      %get3A_108 = arith.constant 0 : index
      %get3A_109 = vector.load %arg24[%get3A_107, %get3A_108] : memref<6x256xf32, #tpu.memory_space<vmem>>, vector<1x256xf32>
      %reduce_sum3A_110 = arith.constant dense<0.000000e+00> : vector<256xf32>
      %reduce_sum3A_111 = vector.multi_reduction <add>, %add3A_106, %reduce_sum3A_110 [0] : vector<2048x256xf32> to vector<256xf32>
      %broadcast_in_dim3A_112 = vector.shape_cast %reduce_sum3A_111 : vector<256xf32> to vector<1x256xf32>
      %add3A_113 = arith.addf %get3A_109, %broadcast_in_dim3A_112 : vector<1x256xf32>
      %swap3A_114 = arith.constant 2 : index
      %swap3A_115 = arith.constant 0 : index
      %swap3A_116 = vector.load %arg24[%swap3A_114, %swap3A_115] : memref<6x256xf32, #tpu.memory_space<vmem>>, vector<1x256xf32>
      tpu.vector_store %arg24[%swap3A_114, %swap3A_115], %add3A_113 {strides = array<i32>} : memref<6x256xf32, #tpu.memory_space<vmem>>, vector<1x256xf32>,
      %get3A_117 = arith.constant 5 : index
      %get3A_118 = arith.constant 0 : index
      %get3A_119 = vector.load %arg24[%get3A_117, %get3A_118] : memref<6x256xf32, #tpu.memory_space<vmem>>, vector<1x256xf32>
      %mul3A_120 = arith.mulf %add3A_106, %add3A_106 : vector<2048x256xf32>
      %reduce_sum3A_121 = arith.constant dense<0.000000e+00> : vector<256xf32>
      %reduce_sum3A_122 = vector.multi_reduction <add>, %mul3A_120, %reduce_sum3A_121 [0] : vector<2048x256xf32> to vector<256xf32>
      %broadcast_in_dim3A_123 = vector.shape_cast %reduce_sum3A_122 : vector<256xf32> to vector<1x256xf32>
      %add3A_124 = arith.addf %get3A_119, %broadcast_in_dim3A_123 : vector<1x256xf32>
      %swap3A_125 = arith.constant 5 : index
      %swap3A_126 = arith.constant 0 : index
      %swap3A_127 = vector.load %arg24[%swap3A_125, %swap3A_126] : memref<6x256xf32, #tpu.memory_space<vmem>>, vector<1x256xf32>
      tpu.vector_store %arg24[%swap3A_125, %swap3A_126], %add3A_124 {strides = array<i32>} : memref<6x256xf32, #tpu.memory_space<vmem>>, vector<1x256xf32>,
    } else {
    }
    %eq3A_10 = arith.constant 1 : i32
    %eq3A_11 = arith.cmpi eq, %arg0, %eq3A_10 : i32
    %convert_element_type3A_12 = arith.extui %eq3A_11 : i1 to i32
    %cond3A_13 = arith.constant 0 : i32
    %cond3A_14 = arith.cmpi ne, %convert_element_type3A_12, %cond3A_13 : i32
    scf.if %cond3A_14 {
      %get3A = arith.constant 0 : index
      %get3A_20 = arith.constant 0 : index
      %get3A_21 = vector.load %arg2[%get3A, %get3A_20] : memref<2x256xf32, #tpu.memory_space<vmem>>, vector<2x256xf32>
      %get3A_22 = arith.constant 0 : index
      %get3A_23 = arith.constant 0 : index
      %get3A_24 = vector.load %arg24[%get3A_22, %get3A_23] : memref<6x256xf32, #tpu.memory_space<vmem>>, vector<6x256xf32>
      %get3A_25 = arith.constant 0 : index
      %get3A_26 = arith.constant 0 : index
      %get3A_27 = vector.load %arg7[%get3A_25, %get3A_26] : memref<2048x256xf32, #tpu.memory_space<vmem>>, vector<2048x256xf32>
      %convert_element_type3A_28 = arith.truncf %get3A_27 : vector<2048x256xf32> to vector<2048x256xbf16>
      %swap3A = arith.index_cast %mul3A_0 : i32 to index
      %swap3A_29 = arith.constant 0 : index
      %swap3A_30 = vector.load %arg22[%swap3A, %swap3A_29] : memref<16384x256xbf16, #tpu.memory_space<vmem>>, vector<2048x256xbf16>
      tpu.vector_store %arg22[%swap3A, %swap3A_29], %convert_element_type3A_28 {strides = array<i32>} : memref<16384x256xbf16, #tpu.memory_space<vmem>>, vector<2048x256xbf16>,
      %get3A_31 = arith.constant 0 : index
      %get3A_32 = arith.constant 0 : index
      %get3A_33 = vector.load %arg3[%get3A_31, %get3A_32] : memref<2048x64xf32, #tpu.memory_space<vmem>>, vector<2048x64xf32>
      %convert_element_type3A_34 = arith.truncf %get3A_33 : vector<2048x64xf32> to vector<2048x64xbf16>
      %slice3A = vector.extract_strided_slice %get3A_21 {offsets = [0, 0], sizes = [1, 256], strides = [1, 1]} : vector<2x256xf32> to vector<1x256xf32>
      %slice3A_35 = vector.extract_strided_slice %get3A_21 {offsets = [1, 0], sizes = [1, 256], strides = [1, 1]} : vector<2x256xf32> to vector<1x256xf32>
      %get3A_36 = arith.index_cast %mul3A_0 : i32 to index
      %get3A_37 = arith.constant 0 : index
      %get3A_38 = vector.load %arg19[%get3A_36, %get3A_37] : memref<16384x128xbf16, #tpu.memory_space<vmem>>, vector<2048x128xbf16>
      %slice3A_39 = vector.extract_strided_slice %get3A_24 {offsets = [0, 0], sizes = [1, 256], strides = [1, 1]} : vector<6x256xf32> to vector<1x256xf32>
      %slice3A_40 = vector.extract_strided_slice %get3A_24 {offsets = [3, 0], sizes = [1, 256], strides = [1, 1]} : vector<6x256xf32> to vector<1x256xf32>
      %get3A_41 = arith.index_cast %mul3A_0 : i32 to index
      %get3A_42 = arith.constant 0 : index
      %get3A_43 = vector.load %arg20[%get3A_41, %get3A_42] : memref<16384x128xbf16, #tpu.memory_space<vmem>>, vector<2048x128xbf16>
      %slice3A_44 = vector.extract_strided_slice %get3A_24 {offsets = [1, 0], sizes = [1, 256], strides = [1, 1]} : vector<6x256xf32> to vector<1x256xf32>
      %slice3A_45 = vector.extract_strided_slice %get3A_24 {offsets = [4, 0], sizes = [1, 256], strides = [1, 1]} : vector<6x256xf32> to vector<1x256xf32>
      %get3A_46 = arith.index_cast %mul3A_0 : i32 to index
      %get3A_47 = arith.constant 0 : index
      %get3A_48 = vector.load %arg21[%get3A_46, %get3A_47] : memref<16384x256xbf16, #tpu.memory_space<vmem>>, vector<2048x256xbf16>
      %slice3A_49 = vector.extract_strided_slice %get3A_24 {offsets = [2, 0], sizes = [1, 256], strides = [1, 1]} : vector<6x256xf32> to vector<1x256xf32>
      %slice3A_50 = vector.extract_strided_slice %get3A_24 {offsets = [5, 0], sizes = [1, 256], strides = [1, 1]} : vector<6x256xf32> to vector<1x256xf32>
      %get3A_51 = arith.constant 0 : index
      %get3A_52 = arith.constant 0 : index
      %get3A_53 = vector.load %arg8[%get3A_51, %get3A_52] : memref<256x64xf32, #tpu.memory_space<vmem>>, vector<256x64xf32>
      %convert_element_type3A_54 = arith.truncf %get3A_53 : vector<256x64xf32> to vector<256x64xbf16>
      %dot_general3A = arith.constant dense<0.000000e+00> : vector<2048x256xf32>
      %dot_general3A_55 = tpu.matmul %convert_element_type3A_34, %convert_element_type3A_54, %dot_general3A {dimension_numbers = #tpu.dot_dimension_numbers<[1], [1], [0], [0], [0, 0, 1, 0], [], []>, transpose_lhs_hint = false} : vector<2048x64xbf16>, vector<256x64xbf16>, vector<2048x256xf32> -> vector<2048x256xf32>
      %get3A_56 = arith.constant 0 : index
      %get3A_57 = arith.constant 0 : index
      %get3A_58 = vector.load %arg12[%get3A_56, %get3A_57] : memref<1x256xf32, #tpu.memory_space<vmem>>, vector<1x256xf32>
      %add3A = vector.broadcast %get3A_58 : vector<1x256xf32> to vector<2048x256xf32>
      %add3A_59 = arith.addf %dot_general3A_55, %add3A : vector<2048x256xf32>
      %mul3A_60 = arith.constant 6.10351563E-5 : f32
      %mul3A_61 = vector.broadcast %mul3A_60 : f32 to vector<1x256xf32>
      %mul3A_62 = arith.mulf %slice3A, %mul3A_61 : vector<1x256xf32>
      %mul3A_63 = arith.constant 6.10351563E-5 : f32
      %mul3A_64 = vector.broadcast %mul3A_63 : f32 to vector<1x256xf32>
      %mul3A_65 = arith.mulf %slice3A_35, %mul3A_64 : vector<1x256xf32>
      %mul3A_66 = arith.mulf %mul3A_62, %mul3A_62 : vector<1x256xf32>
      %sub3A = arith.subf %mul3A_65, %mul3A_66 : vector<1x256xf32>
      %add3A_67 = arith.constant 9.99999974E-6 : f32
      %add3A_68 = vector.broadcast %add3A_67 : f32 to vector<1x256xf32>
      %add3A_69 = arith.addf %sub3A, %add3A_68 : vector<1x256xf32>
      %rsqrt3A = math.rsqrt %add3A_69 : vector<1x256xf32>
      %sub3A_70 = vector.broadcast %mul3A_62 : vector<1x256xf32> to vector<2048x256xf32>
      %sub3A_71 = arith.subf %add3A_59, %sub3A_70 : vector<2048x256xf32>
      %mul3A_72 = vector.broadcast %rsqrt3A : vector<1x256xf32> to vector<2048x256xf32>
      %mul3A_73 = arith.mulf %sub3A_71, %mul3A_72 : vector<2048x256xf32>
      %gt3A = arith.constant 0.000000e+00 : f32
      %gt3A_74 = vector.broadcast %gt3A : f32 to vector<2048x256xf32>
      %gt3A_75 = arith.cmpf ogt, %mul3A_73, %gt3A_74 : vector<2048x256xf32>
      %mul3A_76 = arith.constant 2.000000e-01 : f32
      %mul3A_77 = vector.broadcast %mul3A_76 : f32 to vector<2048x256xf32>
      %mul3A_78 = arith.mulf %mul3A_77, %mul3A_73 : vector<2048x256xf32>
      %select_n3A = arith.select %gt3A_75, %mul3A_73, %mul3A_78 : vector<2048x256xi1>, vector<2048x256xf32>
      %add3A_79 = arith.addf %get3A_27, %select_n3A : vector<2048x256xf32>
      %get3A_80 = arith.constant 0 : index
      %get3A_81 = arith.constant 0 : index
      %get3A_82 = vector.load %arg9[%get3A_80, %get3A_81] : memref<256x128xf32, #tpu.memory_space<vmem>>, vector<256x128xf32>
      %convert_element_type3A_83 = arith.truncf %get3A_82 : vector<256x128xf32> to vector<256x128xbf16>
      %dot_general3A_84 = arith.constant dense<0.000000e+00> : vector<2048x256xf32>
      %dot_general3A_85 = tpu.matmul %get3A_38, %convert_element_type3A_83, %dot_general3A_84 {dimension_numbers = #tpu.dot_dimension_numbers<[1], [1], [0], [0], [0, 0, 1, 0], [], []>, transpose_lhs_hint = false} : vector<2048x128xbf16>, vector<256x128xbf16>, vector<2048x256xf32> -> vector<2048x256xf32>
      %get3A_86 = arith.constant 0 : index
      %get3A_87 = arith.constant 0 : index
      %get3A_88 = vector.load %arg13[%get3A_86, %get3A_87] : memref<1x256xf32, #tpu.memory_space<vmem>>, vector<1x256xf32>
      %add3A_89 = vector.broadcast %get3A_88 : vector<1x256xf32> to vector<2048x256xf32>
      %add3A_90 = arith.addf %dot_general3A_85, %add3A_89 : vector<2048x256xf32>
      %mul3A_91 = arith.constant 6.10351563E-5 : f32
      %mul3A_92 = vector.broadcast %mul3A_91 : f32 to vector<1x256xf32>
      %mul3A_93 = arith.mulf %slice3A_39, %mul3A_92 : vector<1x256xf32>
      %mul3A_94 = arith.constant 6.10351563E-5 : f32
      %mul3A_95 = vector.broadcast %mul3A_94 : f32 to vector<1x256xf32>
      %mul3A_96 = arith.mulf %slice3A_40, %mul3A_95 : vector<1x256xf32>
      %mul3A_97 = arith.mulf %mul3A_93, %mul3A_93 : vector<1x256xf32>
      %sub3A_98 = arith.subf %mul3A_96, %mul3A_97 : vector<1x256xf32>
      %add3A_99 = arith.constant 9.99999974E-6 : f32
      %add3A_100 = vector.broadcast %add3A_99 : f32 to vector<1x256xf32>
      %add3A_101 = arith.addf %sub3A_98, %add3A_100 : vector<1x256xf32>
      %rsqrt3A_102 = math.rsqrt %add3A_101 : vector<1x256xf32>
      %sub3A_103 = vector.broadcast %mul3A_93 : vector<1x256xf32> to vector<2048x256xf32>
      %sub3A_104 = arith.subf %add3A_90, %sub3A_103 : vector<2048x256xf32>
      %mul3A_105 = vector.broadcast %rsqrt3A_102 : vector<1x256xf32> to vector<2048x256xf32>
      %mul3A_106 = arith.mulf %sub3A_104, %mul3A_105 : vector<2048x256xf32>
      %gt3A_107 = arith.constant 0.000000e+00 : f32
      %gt3A_108 = vector.broadcast %gt3A_107 : f32 to vector<2048x256xf32>
      %gt3A_109 = arith.cmpf ogt, %mul3A_106, %gt3A_108 : vector<2048x256xf32>
      %mul3A_110 = arith.constant 2.000000e-01 : f32
      %mul3A_111 = vector.broadcast %mul3A_110 : f32 to vector<2048x256xf32>
      %mul3A_112 = arith.mulf %mul3A_111, %mul3A_106 : vector<2048x256xf32>
      %select_n3A_113 = arith.select %gt3A_109, %mul3A_106, %mul3A_112 : vector<2048x256xi1>, vector<2048x256xf32>
      %add3A_114 = arith.addf %add3A_79, %select_n3A_113 : vector<2048x256xf32>
      %get3A_115 = arith.constant 0 : index
      %get3A_116 = arith.constant 0 : index
      %get3A_117 = vector.load %arg10[%get3A_115, %get3A_116] : memref<256x128xf32, #tpu.memory_space<vmem>>, vector<256x128xf32>
      %convert_element_type3A_118 = arith.truncf %get3A_117 : vector<256x128xf32> to vector<256x128xbf16>
      %dot_general3A_119 = arith.constant dense<0.000000e+00> : vector<2048x256xf32>
      %dot_general3A_120 = tpu.matmul %get3A_43, %convert_element_type3A_118, %dot_general3A_119 {dimension_numbers = #tpu.dot_dimension_numbers<[1], [1], [0], [0], [0, 0, 1, 0], [], []>, transpose_lhs_hint = false} : vector<2048x128xbf16>, vector<256x128xbf16>, vector<2048x256xf32> -> vector<2048x256xf32>
      %get3A_121 = arith.constant 0 : index
      %get3A_122 = arith.constant 0 : index
      %get3A_123 = vector.load %arg14[%get3A_121, %get3A_122] : memref<1x256xf32, #tpu.memory_space<vmem>>, vector<1x256xf32>
      %add3A_124 = vector.broadcast %get3A_123 : vector<1x256xf32> to vector<2048x256xf32>
      %add3A_125 = arith.addf %dot_general3A_120, %add3A_124 : vector<2048x256xf32>
      %mul3A_126 = arith.constant 6.10351563E-5 : f32
      %mul3A_127 = vector.broadcast %mul3A_126 : f32 to vector<1x256xf32>
      %mul3A_128 = arith.mulf %slice3A_44, %mul3A_127 : vector<1x256xf32>
      %mul3A_129 = arith.constant 6.10351563E-5 : f32
      %mul3A_130 = vector.broadcast %mul3A_129 : f32 to vector<1x256xf32>
      %mul3A_131 = arith.mulf %slice3A_45, %mul3A_130 : vector<1x256xf32>
      %mul3A_132 = arith.mulf %mul3A_128, %mul3A_128 : vector<1x256xf32>
      %sub3A_133 = arith.subf %mul3A_131, %mul3A_132 : vector<1x256xf32>
      %add3A_134 = arith.constant 9.99999974E-6 : f32
      %add3A_135 = vector.broadcast %add3A_134 : f32 to vector<1x256xf32>
      %add3A_136 = arith.addf %sub3A_133, %add3A_135 : vector<1x256xf32>
      %rsqrt3A_137 = math.rsqrt %add3A_136 : vector<1x256xf32>
      %sub3A_138 = vector.broadcast %mul3A_128 : vector<1x256xf32> to vector<2048x256xf32>
      %sub3A_139 = arith.subf %add3A_125, %sub3A_138 : vector<2048x256xf32>
      %mul3A_140 = vector.broadcast %rsqrt3A_137 : vector<1x256xf32> to vector<2048x256xf32>
      %mul3A_141 = arith.mulf %sub3A_139, %mul3A_140 : vector<2048x256xf32>
      %gt3A_142 = arith.constant 0.000000e+00 : f32
      %gt3A_143 = vector.broadcast %gt3A_142 : f32 to vector<2048x256xf32>
      %gt3A_144 = arith.cmpf ogt, %mul3A_141, %gt3A_143 : vector<2048x256xf32>
      %mul3A_145 = arith.constant 2.000000e-01 : f32
      %mul3A_146 = vector.broadcast %mul3A_145 : f32 to vector<2048x256xf32>
      %mul3A_147 = arith.mulf %mul3A_146, %mul3A_141 : vector<2048x256xf32>
      %select_n3A_148 = arith.select %gt3A_144, %mul3A_141, %mul3A_147 : vector<2048x256xi1>, vector<2048x256xf32>
      %add3A_149 = arith.addf %add3A_114, %select_n3A_148 : vector<2048x256xf32>
      %get3A_150 = arith.constant 0 : index
      %get3A_151 = arith.constant 0 : index
      %get3A_152 = vector.load %arg11[%get3A_150, %get3A_151] : memref<256x256xf32, #tpu.memory_space<vmem>>, vector<256x256xf32>
      %convert_element_type3A_153 = arith.truncf %get3A_152 : vector<256x256xf32> to vector<256x256xbf16>
      %dot_general3A_154 = arith.constant dense<0.000000e+00> : vector<2048x256xf32>
      %dot_general3A_155 = tpu.matmul %get3A_48, %convert_element_type3A_153, %dot_general3A_154 {dimension_numbers = #tpu.dot_dimension_numbers<[1], [1], [0], [0], [0, 0, 1, 0], [], []>, transpose_lhs_hint = false} : vector<2048x256xbf16>, vector<256x256xbf16>, vector<2048x256xf32> -> vector<2048x256xf32>
      %get3A_156 = arith.constant 0 : index
      %get3A_157 = arith.constant 0 : index
      %get3A_158 = vector.load %arg15[%get3A_156, %get3A_157] : memref<1x256xf32, #tpu.memory_space<vmem>>, vector<1x256xf32>
      %add3A_159 = vector.broadcast %get3A_158 : vector<1x256xf32> to vector<2048x256xf32>
      %add3A_160 = arith.addf %dot_general3A_155, %add3A_159 : vector<2048x256xf32>
      %mul3A_161 = arith.constant 6.10351563E-5 : f32
      %mul3A_162 = vector.broadcast %mul3A_161 : f32 to vector<1x256xf32>
      %mul3A_163 = arith.mulf %slice3A_49, %mul3A_162 : vector<1x256xf32>
      %mul3A_164 = arith.constant 6.10351563E-5 : f32
      %mul3A_165 = vector.broadcast %mul3A_164 : f32 to vector<1x256xf32>
      %mul3A_166 = arith.mulf %slice3A_50, %mul3A_165 : vector<1x256xf32>
      %mul3A_167 = arith.mulf %mul3A_163, %mul3A_163 : vector<1x256xf32>
      %sub3A_168 = arith.subf %mul3A_166, %mul3A_167 : vector<1x256xf32>
      %add3A_169 = arith.constant 9.99999974E-6 : f32
      %add3A_170 = vector.broadcast %add3A_169 : f32 to vector<1x256xf32>
      %add3A_171 = arith.addf %sub3A_168, %add3A_170 : vector<1x256xf32>
      %rsqrt3A_172 = math.rsqrt %add3A_171 : vector<1x256xf32>
      %sub3A_173 = vector.broadcast %mul3A_163 : vector<1x256xf32> to vector<2048x256xf32>
      %sub3A_174 = arith.subf %add3A_160, %sub3A_173 : vector<2048x256xf32>
      %mul3A_175 = vector.broadcast %rsqrt3A_172 : vector<1x256xf32> to vector<2048x256xf32>
      %mul3A_176 = arith.mulf %sub3A_174, %mul3A_175 : vector<2048x256xf32>
      %gt3A_177 = arith.constant 0.000000e+00 : f32
      %gt3A_178 = vector.broadcast %gt3A_177 : f32 to vector<2048x256xf32>
      %gt3A_179 = arith.cmpf ogt, %mul3A_176, %gt3A_178 : vector<2048x256xf32>
      %mul3A_180 = arith.constant 2.000000e-01 : f32
      %mul3A_181 = vector.broadcast %mul3A_180 : f32 to vector<2048x256xf32>
      %mul3A_182 = arith.mulf %mul3A_181, %mul3A_176 : vector<2048x256xf32>
      %select_n3A_183 = arith.select %gt3A_179, %mul3A_176, %mul3A_182 : vector<2048x256xi1>, vector<2048x256xf32>
      %add3A_184 = arith.addf %add3A_149, %select_n3A_183 : vector<2048x256xf32>
      %convert_element_type3A_185 = arith.truncf %add3A_184 : vector<2048x256xf32> to vector<2048x256xbf16>
      %get3A_186 = arith.constant 0 : index
      %get3A_187 = arith.constant 0 : index
      %get3A_188 = vector.load %arg16[%get3A_186, %get3A_187] : memref<256x256xf32, #tpu.memory_space<vmem>>, vector<256x256xf32>
      %convert_element_type3A_189 = arith.truncf %get3A_188 : vector<256x256xf32> to vector<256x256xbf16>
      %dot_general3A_190 = arith.constant dense<0.000000e+00> : vector<2048x256xf32>
      %dot_general3A_191 = tpu.matmul %convert_element_type3A_185, %convert_element_type3A_189, %dot_general3A_190 {dimension_numbers = #tpu.dot_dimension_numbers<[1], [1], [0], [0], [0, 0, 1, 0], [], []>, transpose_lhs_hint = false} : vector<2048x256xbf16>, vector<256x256xbf16>, vector<2048x256xf32> -> vector<2048x256xf32>
      %get3A_192 = arith.constant 0 : index
      %get3A_193 = arith.constant 0 : index
      %get3A_194 = vector.load %arg17[%get3A_192, %get3A_193] : memref<1x256xf32, #tpu.memory_space<vmem>>, vector<1x256xf32>
      %add3A_195 = vector.broadcast %get3A_194 : vector<1x256xf32> to vector<2048x256xf32>
      %add3A_196 = arith.addf %dot_general3A_191, %add3A_195 : vector<2048x256xf32>
      %convert_element_type3A_197 = arith.truncf %add3A_196 : vector<2048x256xf32> to vector<2048x256xbf16>
      %swap3A_198 = arith.index_cast %mul3A_0 : i32 to index
      %swap3A_199 = arith.constant 0 : index
      %swap3A_200 = vector.load %arg23[%swap3A_198, %swap3A_199] : memref<16384x256xbf16, #tpu.memory_space<vmem>>, vector<2048x256xbf16>
      tpu.vector_store %arg23[%swap3A_198, %swap3A_199], %convert_element_type3A_197 {strides = array<i32>} : memref<16384x256xbf16, #tpu.memory_space<vmem>>, vector<2048x256xbf16>,
      %get3A_201 = arith.constant 0 : index
      %get3A_202 = arith.constant 0 : index
      %get3A_203 = vector.load %arg25[%get3A_201, %get3A_202] : memref<2x256xf32, #tpu.memory_space<vmem>>, vector<1x256xf32>
      %reduce_sum3A = arith.constant dense<0.000000e+00> : vector<256xf32>
      %reduce_sum3A_204 = vector.multi_reduction <add>, %add3A_196, %reduce_sum3A [0] : vector<2048x256xf32> to vector<256xf32>
      %broadcast_in_dim3A = vector.shape_cast %reduce_sum3A_204 : vector<256xf32> to vector<1x256xf32>
      %add3A_205 = arith.addf %get3A_203, %broadcast_in_dim3A : vector<1x256xf32>
      %swap3A_206 = arith.constant 0 : index
      %swap3A_207 = arith.constant 0 : index
      %swap3A_208 = vector.load %arg25[%swap3A_206, %swap3A_207] : memref<2x256xf32, #tpu.memory_space<vmem>>, vector<1x256xf32>
      tpu.vector_store %arg25[%swap3A_206, %swap3A_207], %add3A_205 {strides = array<i32>} : memref<2x256xf32, #tpu.memory_space<vmem>>, vector<1x256xf32>,
      %get3A_209 = arith.constant 1 : index
      %get3A_210 = arith.constant 0 : index
      %get3A_211 = vector.load %arg25[%get3A_209, %get3A_210] : memref<2x256xf32, #tpu.memory_space<vmem>>, vector<1x256xf32>
      %mul3A_212 = arith.mulf %add3A_196, %add3A_196 : vector<2048x256xf32>
      %reduce_sum3A_213 = arith.constant dense<0.000000e+00> : vector<256xf32>
      %reduce_sum3A_214 = vector.multi_reduction <add>, %mul3A_212, %reduce_sum3A_213 [0] : vector<2048x256xf32> to vector<256xf32>
      %broadcast_in_dim3A_215 = vector.shape_cast %reduce_sum3A_214 : vector<256xf32> to vector<1x256xf32>
      %add3A_216 = arith.addf %get3A_211, %broadcast_in_dim3A_215 : vector<1x256xf32>
      %swap3A_217 = arith.constant 1 : index
      %swap3A_218 = arith.constant 0 : index
      %swap3A_219 = vector.load %arg25[%swap3A_217, %swap3A_218] : memref<2x256xf32, #tpu.memory_space<vmem>>, vector<1x256xf32>
      tpu.vector_store %arg25[%swap3A_217, %swap3A_218], %add3A_216 {strides = array<i32>} : memref<2x256xf32, #tpu.memory_space<vmem>>, vector<1x256xf32>,
    } else {
    }
    %eq3A_15 = arith.constant 2 : i32
    %eq3A_16 = arith.cmpi eq, %arg0, %eq3A_15 : i32
    %convert_element_type3A_17 = arith.extui %eq3A_16 : i1 to i32
    %cond3A_18 = arith.constant 0 : i32
    %cond3A_19 = arith.cmpi ne, %convert_element_type3A_17, %cond3A_18 : i32
    scf.if %cond3A_19 {
      %get3A = arith.constant 0 : index
      %get3A_20 = arith.constant 0 : index
      %get3A_21 = vector.load %arg25[%get3A, %get3A_20] : memref<2x256xf32, #tpu.memory_space<vmem>>, vector<2x256xf32>
      %get3A_22 = arith.index_cast %mul3A_0 : i32 to index
      %get3A_23 = arith.constant 0 : index
      %get3A_24 = vector.load %arg23[%get3A_22, %get3A_23] : memref<16384x256xbf16, #tpu.memory_space<vmem>>, vector<2048x256xbf16>
      %convert_element_type3A_25 = arith.extf %get3A_24 : vector<2048x256xbf16> to vector<2048x256xf32>
      %slice3A = vector.extract_strided_slice %get3A_21 {offsets = [0, 0], sizes = [1, 256], strides = [1, 1]} : vector<2x256xf32> to vector<1x256xf32>
      %slice3A_26 = vector.extract_strided_slice %get3A_21 {offsets = [1, 0], sizes = [1, 256], strides = [1, 1]} : vector<2x256xf32> to vector<1x256xf32>
      %mul3A_27 = arith.constant 6.10351563E-5 : f32
      %mul3A_28 = vector.broadcast %mul3A_27 : f32 to vector<1x256xf32>
      %mul3A_29 = arith.mulf %slice3A, %mul3A_28 : vector<1x256xf32>
      %mul3A_30 = arith.constant 6.10351563E-5 : f32
      %mul3A_31 = vector.broadcast %mul3A_30 : f32 to vector<1x256xf32>
      %mul3A_32 = arith.mulf %slice3A_26, %mul3A_31 : vector<1x256xf32>
      %mul3A_33 = arith.mulf %mul3A_29, %mul3A_29 : vector<1x256xf32>
      %sub3A = arith.subf %mul3A_32, %mul3A_33 : vector<1x256xf32>
      %add3A = arith.constant 9.99999974E-6 : f32
      %add3A_34 = vector.broadcast %add3A : f32 to vector<1x256xf32>
      %add3A_35 = arith.addf %sub3A, %add3A_34 : vector<1x256xf32>
      %rsqrt3A = math.rsqrt %add3A_35 : vector<1x256xf32>
      %sub3A_36 = vector.broadcast %mul3A_29 : vector<1x256xf32> to vector<2048x256xf32>
      %sub3A_37 = arith.subf %convert_element_type3A_25, %sub3A_36 : vector<2048x256xf32>
      %mul3A_38 = vector.broadcast %rsqrt3A : vector<1x256xf32> to vector<2048x256xf32>
      %mul3A_39 = arith.mulf %sub3A_37, %mul3A_38 : vector<2048x256xf32>
      %gt3A = arith.constant 0.000000e+00 : f32
      %gt3A_40 = vector.broadcast %gt3A : f32 to vector<2048x256xf32>
      %gt3A_41 = arith.cmpf ogt, %mul3A_39, %gt3A_40 : vector<2048x256xf32>
      %mul3A_42 = arith.constant 2.000000e-01 : f32
      %mul3A_43 = vector.broadcast %mul3A_42 : f32 to vector<2048x256xf32>
      %mul3A_44 = arith.mulf %mul3A_43, %mul3A_39 : vector<2048x256xf32>
      %select_n3A = arith.select %gt3A_41, %mul3A_39, %mul3A_44 : vector<2048x256xi1>, vector<2048x256xf32>
      %get3A_45 = arith.index_cast %mul3A_0 : i32 to index
      %get3A_46 = arith.constant 0 : index
      %get3A_47 = vector.load %arg22[%get3A_45, %get3A_46] : memref<16384x256xbf16, #tpu.memory_space<vmem>>, vector<2048x256xbf16>
      %convert_element_type3A_48 = arith.extf %get3A_47 : vector<2048x256xbf16> to vector<2048x256xf32>
      %add3A_49 = arith.addf %select_n3A, %convert_element_type3A_48 : vector<2048x256xf32>
      %swap3A = arith.constant 0 : index
      %swap3A_50 = arith.constant 0 : index
      %swap3A_51 = vector.load %arg26[%swap3A, %swap3A_50] : memref<2048x256xf32, #tpu.memory_space<vmem>>, vector<2048x256xf32>
      tpu.vector_store %arg26[%swap3A, %swap3A_50], %add3A_49 {strides = array<i32>} : memref<2048x256xf32, #tpu.memory_space<vmem>>, vector<2048x256xf32>,
      %dma_start3A = arith.constant 0 : i32
      %dma_start3A_52 = tpu.memref_slice %arg18[%mul3A_0, %dma_start3A] : memref<16384x256xf32, #tpu.memory_space<any>> -> memref<2048x256xf32, #tpu.memory_space<any>>
      tpu.enqueue_dma source(%arg26 : memref<2048x256xf32, #tpu.memory_space<vmem>>) target(%dma_start3A_52 : memref<2048x256xf32, #tpu.memory_space<any>>) target_semaphore(%arg27 : memref<!tpu.dma_semaphore, #tpu.memory_space<semaphore_mem>>)
      %dma_wait3A = arith.constant 0 : i32
      %dma_wait3A_53 = tpu.memref_slice %arg18[%mul3A_0, %dma_wait3A] : memref<16384x256xf32, #tpu.memory_space<any>> -> memref<2048x256xf32, #tpu.memory_space<any>>
      tpu.wait_dma2 semaphore(%arg27 : memref<!tpu.dma_semaphore, #tpu.memory_space<semaphore_mem>>) src(%arg26 : memref<2048x256xf32, #tpu.memory_space<vmem>>) dst(%dma_wait3A_53 : memref<2048x256xf32, #tpu.memory_space<any>>)
    } else {
    }
    return
  }
  func.func @transform_0(%arg0: i32, %arg1: i32) -> (i32, i32) {
    %c0_i32 = arith.constant 0 : i32
    %c0_i32_0 = arith.constant 0 : i32
    %c0_i32_1 = arith.constant 0 : i32
    return %c0_i32, %c0_i32_0 : i32, i32
  }
  func.func @transform_1(%arg0: i32, %arg1: i32) -> (i32, i32) {
    %eq3A = arith.constant 1 : i32
    %eq3A_0 = arith.cmpi eq, %arg0, %eq3A : i32
    %jit3A = arith.constant 0 : i32
    %select_n3A = arith.select %eq3A_0, %arg1, %jit3A : i32
    %c0_i32 = arith.constant 0 : i32
    %c0_i32_1 = arith.constant 0 : i32
    return %select_n3A, %c0_i32 : i32, i32
  }
  func.func @transform_2(%arg0: i32, %arg1: i32) -> (i32, i32) {
    %eq3A = arith.constant 0 : i32
    %eq3A_0 = arith.cmpi eq, %arg0, %eq3A : i32
    %jit3A = arith.constant 0 : i32
    %select_n3A = arith.select %eq3A_0, %arg1, %jit3A : i32
    %c0_i32 = arith.constant 0 : i32
    %c0_i32_1 = arith.constant 0 : i32
    return %select_n3A, %c0_i32 : i32, i32
  }
  func.func @transform_3(%arg0: i32, %arg1: i32) -> (i32, i32) {
    %eq3A = arith.constant 0 : i32
    %eq3A_0 = arith.cmpi eq, %arg0, %eq3A : i32
    %jit3A = arith.constant 0 : i32
    %select_n3A = arith.select %eq3A_0, %arg1, %jit3A : i32
    %c0_i32 = arith.constant 0 : i32
    %c0_i32_1 = arith.constant 0 : i32
    return %select_n3A, %c0_i32 : i32, i32
  }
  func.func @transform_4(%arg0: i32, %arg1: i32) -> (i32, i32) {
    %eq3A = arith.constant 0 : i32
    %eq3A_0 = arith.cmpi eq, %arg0, %eq3A : i32
    %jit3A = arith.constant 0 : i32
    %select_n3A = arith.select %eq3A_0, %arg1, %jit3A : i32
    %c0_i32 = arith.constant 0 : i32
    %c0_i32_1 = arith.constant 0 : i32
    return %select_n3A, %c0_i32 : i32, i32
  }
  func.func @transform_5(%arg0: i32, %arg1: i32) -> (i32, i32) {
    %eq3A = arith.constant 1 : i32
    %eq3A_0 = arith.cmpi eq, %arg0, %eq3A : i32
    %jit3A = arith.constant 0 : i32
    %select_n3A = arith.select %eq3A_0, %arg1, %jit3A : i32
    %c0_i32 = arith.constant 0 : i32
    %c0_i32_1 = arith.constant 0 : i32
    return %select_n3A, %c0_i32 : i32, i32
  }
  func.func @transform_6(%arg0: i32, %arg1: i32) -> (i32, i32) {
    %c0_i32 = arith.constant 0 : i32
    %c0_i32_0 = arith.constant 0 : i32
    %c0_i32_1 = arith.constant 0 : i32
    return %c0_i32, %c0_i32_0 : i32, i32
  }
  func.func @transform_7(%arg0: i32, %arg1: i32) -> (i32, i32) {
    %c0_i32 = arith.constant 0 : i32
    %c0_i32_0 = arith.constant 0 : i32
    %c0_i32_1 = arith.constant 0 : i32
    return %c0_i32, %c0_i32_0 : i32, i32
  }
  func.func @transform_8(%arg0: i32, %arg1: i32) -> (i32, i32) {
    %c0_i32 = arith.constant 0 : i32
    %c0_i32_0 = arith.constant 0 : i32
    %c0_i32_1 = arith.constant 0 : i32
    return %c0_i32, %c0_i32_0 : i32, i32
  }
  func.func @transform_9(%arg0: i32, %arg1: i32) -> (i32, i32) {
    %c0_i32 = arith.constant 0 : i32
    %c0_i32_0 = arith.constant 0 : i32
    %c0_i32_1 = arith.constant 0 : i32
    return %c0_i32, %c0_i32_0 : i32, i32
  }
  func.func @transform_10(%arg0: i32, %arg1: i32) -> (i32, i32) {
    %c0_i32 = arith.constant 0 : i32
    %c0_i32_0 = arith.constant 0 : i32
    %c0_i32_1 = arith.constant 0 : i32
    return %c0_i32, %c0_i32_0 : i32, i32
  }
  func.func @transform_11(%arg0: i32, %arg1: i32) -> (i32, i32) {
    %c0_i32 = arith.constant 0 : i32
    %c0_i32_0 = arith.constant 0 : i32
    %c0_i32_1 = arith.constant 0 : i32
    return %c0_i32, %c0_i32_0 : i32, i32
  }
  func.func @transform_12(%arg0: i32, %arg1: i32) -> (i32, i32) {
    %c0_i32 = arith.constant 0 : i32
    %c0_i32_0 = arith.constant 0 : i32
    %c0_i32_1 = arith.constant 0 : i32
    return %c0_i32, %c0_i32_0 : i32, i32
  }
  func.func @transform_13(%arg0: i32, %arg1: i32) -> (i32, i32) {
    %c0_i32 = arith.constant 0 : i32
    %c0_i32_0 = arith.constant 0 : i32
    %c0_i32_1 = arith.constant 0 : i32
    return %c0_i32, %c0_i32_0 : i32, i32
  }
  func.func @transform_14(%arg0: i32, %arg1: i32) -> (i32, i32) {
    %c0_i32 = arith.constant 0 : i32
    %c0_i32_0 = arith.constant 0 : i32
    %c0_i32_1 = arith.constant 0 : i32
    return %c0_i32, %c0_i32_0 : i32, i32
  }
  func.func @transform_15(%arg0: i32, %arg1: i32) -> (i32, i32) {
    %c0_i32 = arith.constant 0 : i32
    %c0_i32_0 = arith.constant 0 : i32
    %c0_i32_1 = arith.constant 0 : i32
    return %c0_i32, %c0_i32_0 : i32, i32
  }
}

</mosaic_0001>

<sc_bundles>
// kernel: kernel.6.cloned.1.call-start
scs
__scs_entry_jumppad:
0x0: {  	(pc) =	sbr.rel $0x88, $3  }
0x1: {  	(tag) =	ssettag $0x0;
	lr =	simm.s32 $0x1  }
0x2: {  	[smem:$0x3F8E] =	sst lr;
	_ =	strace $0xD0000000  }
0x3: {  	_ = 	snop  }
0x4: {  	_ = 	snop  }
0x5: {  	_ = 	snop  }
0x6: {  	_ = 	snop  }
0x7: {  	_ = 	snop  }
__scs_overlays_trampoline_lowered:
0x8: {  	[smem:$0x3F9D] =	sst s0  }
0x9: {  	[smem:$0x3F9E] =	sst s1  }
0xa: {  	[smem:$0x3F9F] =	sst s2  }
0xb: {  	[smem:$0x3FA0] =	sst s3  }
0xc: {  	[smem:$0x3FA1] =	sst s4  }
0xd: {  	[smem:$0x3FA2] =	sst s5  }
0xe: {  	[smem:$0x3FA3] =	sst s6  }
0xf: {  	[smem:$0x3FA4] =	sst s7  }
0x10: {  	[smem:$0x3FA5] =	sst s8  }
0x11: {  	[smem:$0x3FA6] =	sst s9;
	s0 =	simm.s32 @!p0 $0x0  }
0x12: {  	s1 =	sld [smem:$0x3F8C];
	s0 =	simm.s32 @p0 $0x1  }
0x13: {  	[smem:$0x3FA7] =	sst s0;
	s0 =	simm.s32 @!p1 $0x0  }
0x14: {  	s2 =	sld [smem:$0x3F8B];
	s0 =	simm.s32 @p1 $0x1  }
0x15: {  	[smem:$0x3FA8] =	sst s0;
	s0 =	simm.s32 @!p2 $0x0  }
0x16: {  	s3 =	sld [smem:$0x3FDB];
	s0 =	simm.s32 @p2 $0x1  }
0x17: {  	s4 =	simm.s32 $0x1BF5;
	[smem:$0x3FAA] =	sst s0  }
0x18: {  	s0 =	sld [smem:$0x3F8D];
	_ =	swait.ge [sflag:s4], $0x0  }
0x19: {  	s7 =	sld [smem:$0x3F8E]  }
0x1a: {  	s8 =	sadd.s32 $0xFFFFE003, lr  }
0x1b: {  	s9 =	sadd.s32 $0xFFFFFEF7, lr;
	s5 =	simm.s32 $0xFFFFFFFF;
	p2 =	slt.u32 s8, $0xFFFFF086  }
0x1c: {  	p1 =	slt.u32 s9, $0xF7A;
	s5 =	simm.s32 @!p2 $0x0  }
0x1d: {  	s5 =	simm.s32 @p1 $0x1;
	p0 =	seq.s32 s7, s2  }
0x1e: {  	s7 =	smul.u32 @!p0 $0xF7A, s2;
	p2 =	seq.s32 @!p0 s5, $0x0  }
0x1f: {  	s9 =	smul.u32 $0xF7A, s1;
	s8 =	simm.s32 @!p0 $0x1BF5;
	p2 =	por !p2, p0  }
0x20: {  	[sflag:s8] =	ssyncset.s32 @!p0 $0xFFFFF086;
	s6 =	sadd.s32 @!p0 s3, s7;
	s7 =	simm.s32 @!p0 $0x108  }
0x21: {  	s3 =	sadd.s32 s3, s9;
	s6 =	sadd.s32 @!p0 $0x88, s6;
	s7 =	simm.s32 @p2 $0x1082  }
0x22: {  	[simem:s7], [sflag:s8] =	dma.local @!p0 [hbm:s6], $0xF7A  }
0x23: {  	s9 =	sor.u32 $0xD0000000, s2;
	s6 =	simm.s32 $0x108;
	_ =	swait.ge @!p0 [sflag:s8], $0x0  }
0x24: {  	s3 =	sadd.s32 $0x88, s3;
	s6 =	simm.s32 @!p1 $0x1082;
	[sflag:s4] =	ssyncset.s32 $0xFFFFF086  }
0x25: {  	[simem:s6], [sflag:s4] =	dma.local [hbm:s3], $0xF7A  }
0x26: {  	[smem:$0x3F8E] =	sst s1;
	(tag) =	ssettag s2;
	_ =	strace s9  }
0x27: {  	s1 =	sld [smem:$0x3F9E]  }
0x28: {  	s2 =	sld [smem:$0x3F9F]  }
0x29: {  	s4 =	sld [smem:$0x3FA1]  }
0x2a: {  	p0 =	seq.s32 s5, $0x0;
	s5 =	sld [smem:$0x3FA2]  }
0x2b: {  	s6 =	sld [smem:$0x3FA3]  }
0x2c: {  	s7 =	sld [smem:$0x3FA4]  }
0x2d: {  	s3 =	simm.s32 $0x108;
	s8 =	sld [smem:$0x3FA5]  }
0x2e: {  	s3 =	simm.s32 @!p0 $0x1082;
	s9 =	sld [smem:$0x3FA6]  }
0x2f: {  	lr =	sadd.s32 s0, s3;
	s0 =	sld [smem:$0x3F9D]  }
0x30: {  	s3 =	sld [smem:$0x3FA0]  }
0x31: {  	[smem:$0x3FA9] =	sst s10  }
0x32: {  	s10 =	sld [smem:$0x3FA7];
	_ =	sdelay $0x3  }
0x33: {  	p0 =	seq.s32 s10, $0x1;
	s10 =	sld [smem:$0x3FA9];
	_ =	sdelay $0x3  }
0x34: {  	[smem:$0x3FA9] =	sst s10  }
0x35: {  	s10 =	sld [smem:$0x3FA8];
	_ =	sdelay $0x3  }
0x36: {  	p1 =	seq.s32 s10, $0x1;
	s10 =	sld [smem:$0x3FA9];
	_ =	sdelay $0x3  }
0x37: {  	[smem:$0x3FA9] =	sst s10  }
0x38: {  	s10 =	sld [smem:$0x3FAA]  }
0x39: {  	_ = 	snop;
	(pc) =	sbr.ind lr, $3  }
0x3a: {  	_ = 	snop  }
0x3b: {  	_ = 	snop  }
0x3c: {  	p2 =	seq.s32 s10, $0x1;
	s10 =	sld [smem:$0x3FA9]  }
0x3d: {  	_ =	shalt  }
0x3e: {  	_ =	shalt  }
0x3f: {  	_ =	shalt  }
0x40: {  	_ =	shalt  }
0x41: {  	_ =	shalt  }
0x42: {  	_ =	shalt  }
0x43: {  	_ =	shalt  }
0x44: {  	_ =	shalt  }
0x45: {  	_ =	shalt  }
0x46: {  	_ =	shalt  }
0x47: {  	_ =	shalt  }
0x48: {  	_ =	shalt  }
0x49: {  	_ =	shalt  }
0x4a: {  	_ =	shalt  }
0x4b: {  	_ =	shalt  }
0x4c: {  	_ =	shalt  }
0x4d: {  	_ =	shalt  }
0x4e: {  	_ =	shalt  }
0x4f: {  	_ =	shalt  }
0x50: {  	_ =	shalt  }
0x51: {  	_ =	shalt  }
0x52: {  	_ =	shalt  }
0x53: {  	_ =	shalt  }
0x54: {  	_ =	shalt  }
0x55: {  	_ =	shalt  }
0x56: {  	_ =	shalt  }
0x57: {  	_ =	shalt  }
0x58: {  	_ =	shalt  }
0x59: {  	_ =	shalt  }
0x5a: {  	_ =	shalt  }
0x5b: {  	_ =	shalt  }
0x5c: {  	_ =	shalt  }
0x5d: {  	_ =	shalt  }
0x5e: {  	_ =	shalt  }
0x5f: {  	_ =	shalt  }
0x60: {  	_ =	shalt  }
0x61: {  	_ =	shalt  }
0x62: {  	_ =	shalt  }
0x63: {  	_ =	shalt  }
0x64: {  	_ =	shalt  }
0x65: {  	_ =	shalt  }
0x66: {  	_ =	shalt  }
0x67: {  	_ =	shalt  }
0x68: {  	_ =	shalt  }
0x69: {  	_ =	shalt  }
0x6a: {  	_ =	shalt  }
0x6b: {  	_ =	shalt  }
0x6c: {  	_ =	shalt  }
0x6d: {  	_ =	shalt  }
0x6e: {  	_ =	shalt  }
0x6f: {  	_ =	shalt  }
0x70: {  	_ =	shalt  }
0x71: {  	_ =	shalt  }
0x72: {  	_ =	shalt  }
0x73: {  	_ =	shalt  }
0x74: {  	_ =	shalt  }
0x75: {  	_ =	shalt  }
0x76: {  	_ =	shalt  }
0x77: {  	_ =	shalt  }
0x78: {  	_ =	shalt  }
0x79: {  	_ =	shalt  }
0x7a: {  	_ =	shalt  }
0x7b: {  	_ =	shalt  }
0x7c: {  	_ =	shalt  }
0x7d: {  	_ =	shalt  }
0x7e: {  	_ =	shalt  }
0x7f: {  	_ =	shalt  }
0x80: {  	_ =	shalt  }
0x81: {  	_ =	shalt  }
0x82: {  	_ =	shalt  }
0x83: {  	_ =	shalt  }
0x84: {  	_ =	shalt  }
0x85: {  	_ =	shalt  }
0x86: {  	_ =	shalt  }
0x87: {  	_ =	shalt  }
.Lfunc_end0:
.L_simem_size_0:
called_computation_lowered:
.L_overlay_start_0:
0x88: {  	s2 =	sld [smem:$0x3FD9]  }
0x89: {  	s3 =	sld [smem:$0x3FFE];
	_ =	sdelay $0x1  }
0x8a: {  	s1 =	srdreg.scid  }
0x8b: {  	s0 =	sand.u32 $0x1, s1  }
0x8c: {  	s17 =	sshll.u32 s0, $0xA;
	s2 =	sadd.s32 s3, s2  }
0x8d: {  	s2 =	sadd.s32 s2, s17  }
0x8e: {  	[smem:$0x3FB5] =	sst s2  }
0x8f: {  	_ = 	snop  }
0x90: {  	s2 =	sld [smem:$0x3FC4]  }
0x91: {  	s18 =	sld [smem:$0x3FC3]  }
0x92: {  	s4 =	sld [smem:$0x3FC2]  }
0x93: {  	s5 =	sld [smem:$0x3FC1]  }
0x94: {  	s6 =	sld [smem:$0x3FD0];
	(tm) =	ssettm $0x1  }
0x95: {  	s7 =	sld [smem:$0x3FFB];
	_ =	sdelay $0x3  }
0x96: {  	_ =	strace s7  }
0x97: {  	s7 =	sld [smem:$0x3FFC];
	_ =	sdelay $0x3  }
0x98: {  	_ =	strace s7  }
0x99: {  	s7 =	sld [smem:$0x3FFD];
	_ =	sdelay $0x3  }
0x9a: {  	_ =	strace s7  }
0x9b: {  	_ =	strace $0x8FFFFFFF  }
0x9c: {  	s19 =	sld [smem:$0x3FDB];
	_ =	sdelay $0x1  }
0x9d: {  	s8 =	simm.s32 $_scs_section_size  }
0x9e: {  	s9 =	simm.s32 $_size__tile_overlayer_lowered;
	s10 =	simm.s32 $_tile_overlayer_lowered  }
0x9f: {  	s22 =	simm.s32 $0x1BFF;
	s21 =	sshll.u32 s10, $0x1;
	s7 =	sadd.s32 s8, s19  }
0xa0: {  	s11 =	simm.s32 $0x0;
	s20 =	sshll.u32 s9, $0x1;
	s9 =	sadd.s32 s21, s7  }
0xa1: {  	[timem:s11], [sflag:s22] =	dma.local [hbm:s9], s20  }
0xa2: {  	_ =	swait.ge [sflag:s22], s20  }
0xa3: {  	s8 =	ssub.s32 $0x0, s20;
	[sflag:s22] =	ssyncset.done $0x0  }
0xa4: {  	[sflag:s22] =	ssyncadd.s32 s8;
	_ =	sdelay $0x1  }
0xa5: {  	s23 =	simm.s32 $0x1B8B  }
0xa6: {  	_ =	swait.ge [sflag:s23], $0x1  }
0xa7: {  	[sflag:s23] =	ssyncset.done $0x0  }
0xa8: {  	s25 =	simm.s32 $0x1B8E;
	s24 =	sld [smem:$0x3FFE];
	[sflag:s23] =	ssyncadd.s32 $0xFFFFFFFF  }
0xa9: {  	s26 =	simm.s32 $execute0_lowered;
	[smem:$0x3FD2] =	sst s25  }
0xaa: {  	s9 =	sshll.u32 s26, $0x1;
	_ =	strace $0x80000046;
	[dreg:$0x1] =	wrdreg $0xFFFFFFFF  }
0xab: {  	s28 =	simm.s32 $_size_execute0_lowered;
	s7 =	sadd.s32 s7, s9;
	[dreg:$0x0] =	wrdreg $0x0  }
0xac: {  	s9 =	sshll.u32 s28, $0x1;
	[dreg:$0x2] =	wrdreg s7  }
0xad: {  	[dreg:$0x3] =	wrdreg s9  }
0xae: {  	[dreg:$0x4] =	wrdreg $0xC0  }
0xaf: {  	_ =	task [dreg:s11], $0x5FFFF  }
0xb0: {  	[dreg:$0x1] =	wrdreg $0xFFFFFFFF  }
0xb1: {  	[dreg:$0x0] =	wrdreg $0x60  }
0xb2: {  	[dreg:$0x2] =	wrdreg s2  }
0xb3: {  	[dreg:$0x3] =	wrdreg s18  }
0xb4: {  	[dreg:$0x4] =	wrdreg s4  }
0xb5: {  	[dreg:$0x5] =	wrdreg s5  }
0xb6: {  	[dreg:$0x6] =	wrdreg s6  }
0xb7: {  	[dreg:$0x7] =	wrdreg s24  }
0xb8: {  	[dreg:$0x8] =	wrdreg $0x9  }
0xb9: {  	_ =	task.clear_ibuf [dreg:s11], $0x9FFFF;
	_ =	strace $0x90000046  }
0xba: {  	s29 =	simm.s32 $0x9;
	_ =	strace $0x80000048  }
0xbb: {  	_ =	swait.ge [sflag:s29], $0x1  }
0xbc: {  	[sflag:s29] =	ssyncadd.s32 $0xFFFFFFFF  }
0xbd: {  	_ =	strace $0x90000048  }
0xbe: {  	_ =	sfence  }
0xbf: {  	s30 =	sld [smem:$0x0];
	_ =	sdelay $0x2  }
0xc0: {  	s31 =	sshll.u32 s1, $0xD;
	s1 =	sshrl.u32 s1, $0x2  }
0xc1: {  	s3 =	sand.u32 $0x4000, s31;
	s1 =	sadd.s32 s1, s30  }
0xc2: {  	s0 =	sor.u32 s3, s0;
	s1 =	sshll.u32 s1, $0x11  }
0xc3: {  	s0 =	sor.u32 s1, s0  }
0xc4: {  	s0 =	sadd.s32 $0x8F2B, s0  }
0xc5: {  	[sflag:s0] =	ssyncadd.remote.s32 $0x1  }
0xc6: {  	_ =	sfence.sel $0xFFFF  }
0xc7: {  	[dreg:$0x0] =	wrdreg $0xFFFFFFFF;
	(pc) =	sbr.abs _section_cstart, $3  }
0xc8: {  	[dreg:$0x1] =	wrdreg $0xFFFFFFFF  }
0xc9: {  	_ =	task.clear_ibuf [dreg:s11], $0x2FFFF;
	_ =	strace $0x9FFFFFFF  }
0xca: {  	(tm) =	ssettm $0x7FFFFFFF  }
0xcb: {  	_ =	shalt  }
tec
execute0_lowered:
.L_overlay_start_1:
0x0: {  	(tag) =	ssettag $0x1  }
0x1: {  	s3 =	rddreg [dreg:$0x0]  }
0x2: {  	s4 =	rddreg [dreg:$0x1]  }
0x3: {  	s5 =	rddreg [dreg:$0x2]  }
0x4: {  	s6 =	rddreg [dreg:$0x3]  }
0x5: {  	s7 =	rddreg [dreg:$0x4]  }
0x6: {  	s8 =	rddreg [dreg:$0x5]  }
0x7: {  	s0 =	rddreg [dreg:$0x6];
	s9 =	srdreg.scid  }
0x8: {  	s2 =	simm.s32 $0x0;
	s1 =	stileid.u32;
	s9 =	sand.u32 $0x1, s9  }
0x9: {  	[smem:$0x7FF] =	sst s2;
	s11 =	sshll.u32 s1, $0xA;
	s14 =	sshll.u32 s1, $0x1  }
0xa: {  	s25 =	sshll.u32 s1, $0xD;
	s26 =	sshll.u32 s1, $0xC;
	s16 =	sshll.u32 s1, $0xB  }
0xb: {  	s10 =	sshll.u32 s9, $0x9;
	_ =	strace $0x80000047;
	s12 =	ssub.s32 $0x2, s9  }
0xc: {  	s24 =	sor.u32 s9, s14;
	s11 =	sor.u32 s10, s11;
	s13 =	sshrl.u32 s12, $0x1  }
0xd: {  	s9 =	sshll.u32 s24, $0x2;
	s14 =	sor.u32 s10, s26;
	s28 =	sshll.u32 s24, $0xA  }
0xe: {  	s29 =	sshll.u32 s24, $0xB;
	s30 =	sshll.u32 s24, $0xC;
	s11 =	sshrl.u32 s11, $0x3  }
0xf: {  	s12 =	ssub.s32 s12, s13;
	s13 =	sor.u32 s10, s25;
	s14 =	sshrl.u32 s14, $0x3  }
0x10: {  	s10 =	sor.u32 s10, s16;
	s31 =	sor.u32 $0x1, s9;
	s9 =	sor.u32 $0x2, s9  }
0x11: {  	s16 =	simm.s32 $0x1800;
	s15 =	sadd.s32 s11, s8;
	s13 =	sshrl.u32 s13, $0x3  }
0x12: {  	s4 =	sadd.s32 s4, s14;
	s10 =	sshrl.u32 s10, $0x3;
	s6 =	sadd.s32 s6, s11  }
0x13: {  	s17 =	sshll.u32 s31, $0x8;
	s18 =	sshll.u32 s31, $0x9;
	s19 =	sshll.u32 s31, $0xA  }
0x14: {  	s20 =	sshll.u32 s9, $0x8;
	s8 =	sshllo.u32 s24, $0x2;
	s21 =	sshll.u32 s9, $0x9  }
0x15: {  	s22 =	sshll.u32 s9, $0xA;
	s7 =	sadd.s32 s7, s11;
	s11 =	smax.u32 s12, $0x1  }
0x16: {  	s12 =	simm.s32 $0x200;
	s14 =	simm.s32 $0x1;
	s3 =	sadd.s32 s3, s13  }
0x17: {  	s5 =	sadd.s32 s5, s10;
	s23 =	sshll.u32 s8, $0x8;
	s24 =	sshll.u32 s8, $0x9  }
0x18: {  	v0 =	vmov s28;
	v1 =	vmov s29;
	v2 =	vmov s30;
	s25 =	sshll.u32 s8, $0xA;
	s8 =	sadd.s32 $0x1400, s15;
	s9 =	sadd.s32 $0x1C00, s15  }
0x19: {  	s10 =	sadd.s32 $0x2400, s15;
	s13 =	simm.s32 $0x400;
	v3 =	vmov s17;
	v4 =	vmov s18;
	v5 =	vmov s19;
	s15 =	simm.s32 $0x1000  }
0x1a: {  	v6 =	vmov s20;
	v7 =	vmov s21;
	v8 =	vmov s22;
	s17 =	simm.s32 $0x1C00;
	s18 =	simm.s32 $0x1E00;
	s19 =	simm.s32 $0x2000  }
0x1b: {  	s20 =	simm.s32 $0x2200;
	s21 =	simm.s32 $0x2400;
	s22 =	simm.s32 $0x0;
	v9 =	vmov s23;
	v10 =	vmov s24;
	v11 =	vmov s25  }
.LBB2_1:
0x1c: {  	[tilespmem:s2], [sflag:$0x1] =	stream.strided.gather [hbm4b:s3+s12], $0x1000, s13, s12, $0x38;
	[tilespmem:$0x2600] =	vst v63  }
0x1d: {  	_ =	swait.ge [sflag:s14], $0x1000  }
0x1e: {  	[sflag:s14] =	ssyncset.done $0x0  }
0x1f: {  	[sflag:s14] =	ssyncadd.s32 $0xFFFFF000  }
0x20: {  	[tilespmem:s15], [sflag:$0x1] =	stream.strided.gather [hbm4b:s4+s12], $0x800, s13, s12, $0x38;
	[tilespmem:$0x2600] =	vst v63  }
0x21: {  	_ =	swait.ge [sflag:s14], $0x800  }
0x22: {  	[sflag:s14] =	ssyncset.done $0x0  }
0x23: {  	[sflag:s14] =	ssyncadd.s32 $0xFFFFF800  }
0x24: {  	[tilespmem:s16], [sflag:$0x1] =	stream.strided.gather [hbm4b:s5+s12], $0x400, s13, s12, $0x38;
	[tilespmem:$0x2600] =	vst v63  }
0x25: {  	_ =	swait.ge [sflag:s14], $0x400  }
0x26: {  	[sflag:s14] =	ssyncset.done $0x0  }
0x27: {  	[sflag:s14] =	ssyncadd.s32 $0xFFFFFC00  }
0x28: {  	[tilespmem:s17], [sflag:$0x1] =	stream.linear.gather [hbm4b:s6+s2], $0x200, $0x38;
	[tilespmem:$0x2600] =	vst v63  }
0x29: {  	_ =	swait.ge [sflag:s14], $0x200  }
0x2a: {  	[sflag:s14] =	ssyncset.done $0x0  }
0x2b: {  	[sflag:s14] =	ssyncadd.s32 $0xFFFFFE00  }
0x2c: {  	v12 =	vld [tilespmem:$0x1C00];
	_ =	sdelay $0x4  }
0x2d: {  	v13 =	vshll.u32 v12, $0x2  }
0x2e: {  	v14 =	vand.u32 $0x7F, v12;
	v13 =	vand.u32 $0xFFFFFE00, v13  }
0x2f: {  	v13 =	vor.u32 v14, v13;
	_ =	sdelay $0x4  }
0x30: {  	v13 =	vld.idx.msk [tilespmem:v13+s16+$0x0], $0xffff;
	_ =	sdelay $0x4  }
0x31: {  	v14 =	vshll.u32 v13, $0x2  }
0x32: {  	v15 =	vand.u32 $0x7F, v13;
	v14 =	vand.u32 $0xFFFFFE00, v14  }
0x33: {  	v14 =	vor.u32 v15, v14;
	_ =	sdelay $0x4  }
0x34: {  	v14 =	vld.idx.msk [tilespmem:v14+s15+$0x0], $0xffff;
	_ =	sdelay $0x4  }
0x35: {  	v15 =	vshll.u32 v14, $0x2  }
0x36: {  	v45 =	vld [tilespmem:$0x1C10];
	v16 =	vand.u32 $0x7F, v14;
	v15 =	vand.u32 $0xFFFFFE00, v15  }
0x37: {  	v15 =	vor.u32 v16, v15;
	_ =	sdelay $0x3  }
0x38: {  	v17 =	vshll.u32 v45, $0x2  }
0x39: {  	v18 =	vand.u32 $0x7F, v45;
	v17 =	vand.u32 $0xFFFFFE00, v17;
	v15 =	vld.idx.msk [tilespmem:v15+s2+$0x0], $0xffff  }
0x3a: {  	v12 =	vadd.s32 v0, v12;
	v17 =	vor.u32 v18, v17  }
0x3b: {  	[tilespmem:$0x2400] =	vst v12;
	v12 =	vadd.s32 v1, v13  }
0x3c: {  	[tilespmem:$0x2200] =	vst v12;
	v12 =	vadd.s32 v2, v14  }
0x3d: {  	[tilespmem:$0x2000] =	vst v12  }
0x3e: {  	[tilespmem:$0x1E00] =	vst v15  }
0x3f: {  	v12 =	vld.idx.msk [tilespmem:v17+s16+$0x0], $0xffff;
	_ =	sdelay $0x4  }
0x40: {  	v13 =	vshll.u32 v12, $0x2  }
0x41: {  	v14 =	vand.u32 $0x7F, v12;
	v13 =	vand.u32 $0xFFFFFE00, v13  }
0x42: {  	v13 =	vor.u32 v14, v13;
	_ =	sdelay $0x4  }
0x43: {  	v13 =	vld.idx.msk [tilespmem:v13+s15+$0x0], $0xffff;
	_ =	sdelay $0x4  }
0x44: {  	v14 =	vshll.u32 v13, $0x2  }
0x45: {  	v15 =	vand.u32 $0x7F, v13;
	v14 =	vand.u32 $0xFFFFFE00, v14  }
0x46: {  	v14 =	vor.u32 v15, v14;
	v15 =	vld [tilespmem:$0x1C20];
	_ =	sdelay $0x4  }
0x47: {  	v14 =	vld.idx.msk [tilespmem:v14+s2+$0x0], $0xffff;
	v46 =	vshll.u32 v15, $0x2  }
0x48: {  	v47 =	vand.u32 $0x7F, v15;
	v17 =	vand.u32 $0xFFFFFE00, v46  }
0x49: {  	v12 =	vadd.s32 v1, v12;
	v17 =	vor.u32 v47, v17  }
0x4a: {  	[tilespmem:$0x2210] =	vst v12;
	v12 =	vadd.s32 v2, v13  }
0x4b: {  	[tilespmem:$0x2010] =	vst v12  }
0x4c: {  	[tilespmem:$0x1E10] =	vst v14;
	v14 =	vadd.s32 v0, v45  }
0x4d: {  	[tilespmem:$0x2410] =	vst v14  }
0x4e: {  	v12 =	vld.idx.msk [tilespmem:v17+s16+$0x0], $0xffff;
	_ =	sdelay $0x4  }
0x4f: {  	v13 =	vshll.u32 v12, $0x2  }
0x50: {  	v14 =	vand.u32 $0x7F, v12;
	v13 =	vand.u32 $0xFFFFFE00, v13  }
0x51: {  	v13 =	vor.u32 v14, v13;
	_ =	sdelay $0x4  }
0x52: {  	v13 =	vld.idx.msk [tilespmem:v13+s15+$0x0], $0xffff;
	_ =	sdelay $0x4  }
0x53: {  	v14 =	vshll.u32 v13, $0x2  }
0x54: {  	v48 =	vand.u32 $0x7F, v13;
	v14 =	vand.u32 $0xFFFFFE00, v14  }
0x55: {  	v49 =	vld [tilespmem:$0x1C30];
	v14 =	vor.u32 v48, v14;
	_ =	sdelay $0x4  }
0x56: {  	v50 =	vshll.u32 v49, $0x2;
	v14 =	vld.idx.msk [tilespmem:v14+s2+$0x0], $0xffff  }
0x57: {  	v51 =	vand.u32 $0x7F, v49;
	v17 =	vand.u32 $0xFFFFFE00, v50  }
0x58: {  	v17 =	vor.u32 v51, v17;
	v12 =	vadd.s32 v1, v12  }
0x59: {  	[tilespmem:$0x2220] =	vst v12;
	v12 =	vadd.s32 v2, v13  }
0x5a: {  	[tilespmem:$0x2020] =	vst v12  }
0x5b: {  	[tilespmem:$0x1E20] =	vst v14;
	v14 =	vadd.s32 v0, v15  }
0x5c: {  	[tilespmem:$0x2420] =	vst v14  }
0x5d: {  	v12 =	vld.idx.msk [tilespmem:v17+s16+$0x0], $0xffff;
	_ =	sdelay $0x4  }
0x5e: {  	v13 =	vshll.u32 v12, $0x2  }
0x5f: {  	v14 =	vand.u32 $0x7F, v12;
	v13 =	vand.u32 $0xFFFFFE00, v13  }
0x60: {  	v13 =	vor.u32 v14, v13;
	_ =	sdelay $0x4  }
0x61: {  	v13 =	vld.idx.msk [tilespmem:v13+s15+$0x0], $0xffff;
	_ =	sdelay $0x4  }
0x62: {  	v14 =	vshll.u32 v13, $0x2  }
0x63: {  	v15 =	vand.u32 $0x7F, v13;
	v14 =	vand.u32 $0xFFFFFE00, v14  }
0x64: {  	v14 =	vor.u32 v15, v14;
	v15 =	vld [tilespmem:$0x1C40];
	_ =	sdelay $0x4  }
0x65: {  	v14 =	vld.idx.msk [tilespmem:v14+s2+$0x0], $0xffff;
	v52 =	vshll.u32 v15, $0x2  }
0x66: {  	v53 =	vand.u32 $0x7F, v15;
	v17 =	vand.u32 $0xFFFFFE00, v52  }
0x67: {  	v12 =	vadd.s32 v1, v12;
	v17 =	vor.u32 v53, v17  }
0x68: {  	[tilespmem:$0x2230] =	vst v12;
	v12 =	vadd.s32 v2, v13  }
0x69: {  	[tilespmem:$0x2030] =	vst v12  }
0x6a: {  	[tilespmem:$0x1E30] =	vst v14;
	v14 =	vadd.s32 v0, v49  }
0x6b: {  	[tilespmem:$0x2430] =	vst v14  }
0x6c: {  	v12 =	vld.idx.msk [tilespmem:v17+s16+$0x0], $0xffff;
	_ =	sdelay $0x4  }
0x6d: {  	v13 =	vshll.u32 v12, $0x2  }
0x6e: {  	v14 =	vand.u32 $0x7F, v12;
	v13 =	vand.u32 $0xFFFFFE00, v13  }
0x6f: {  	v13 =	vor.u32 v14, v13;
	_ =	sdelay $0x4  }
0x70: {  	v13 =	vld.idx.msk [tilespmem:v13+s15+$0x0], $0xffff;
	_ =	sdelay $0x4  }
0x71: {  	v14 =	vshll.u32 v13, $0x2  }
0x72: {  	v54 =	vand.u32 $0x7F, v13;
	v14 =	vand.u32 $0xFFFFFE00, v14  }
0x73: {  	v55 =	vld [tilespmem:$0x1C50];
	v14 =	vor.u32 v54, v14;
	_ =	sdelay $0x4  }
0x74: {  	v56 =	vshll.u32 v55, $0x2;
	v14 =	vld.idx.msk [tilespmem:v14+s2+$0x0], $0xffff  }
0x75: {  	v57 =	vand.u32 $0x7F, v55;
	v17 =	vand.u32 $0xFFFFFE00, v56  }
0x76: {  	v17 =	vor.u32 v57, v17;
	v12 =	vadd.s32 v1, v12  }
0x77: {  	[tilespmem:$0x2240] =	vst v12;
	v12 =	vadd.s32 v2, v13  }
0x78: {  	[tilespmem:$0x2040] =	vst v12  }
0x79: {  	[tilespmem:$0x1E40] =	vst v14;
	v14 =	vadd.s32 v0, v15  }
0x7a: {  	[tilespmem:$0x2440] =	vst v14  }
0x7b: {  	v12 =	vld.idx.msk [tilespmem:v17+s16+$0x0], $0xffff;
	_ =	sdelay $0x4  }
0x7c: {  	v13 =	vshll.u32 v12, $0x2  }
0x7d: {  	v14 =	vand.u32 $0x7F, v12;
	v13 =	vand.u32 $0xFFFFFE00, v13  }
0x7e: {  	v13 =	vor.u32 v14, v13;
	_ =	sdelay $0x4  }
0x7f: {  	v13 =	vld.idx.msk [tilespmem:v13+s15+$0x0], $0xffff;
	_ =	sdelay $0x4  }
0x80: {  	v14 =	vshll.u32 v13, $0x2  }
0x81: {  	v15 =	vand.u32 $0x7F, v13;
	v14 =	vand.u32 $0xFFFFFE00, v14  }
0x82: {  	v14 =	vor.u32 v15, v14;
	v15 =	vld [tilespmem:$0x1C60];
	_ =	sdelay $0x4  }
0x83: {  	v14 =	vld.idx.msk [tilespmem:v14+s2+$0x0], $0xffff;
	v58 =	vshll.u32 v15, $0x2  }
0x84: {  	v59 =	vand.u32 $0x7F, v15;
	v17 =	vand.u32 $0xFFFFFE00, v58  }
0x85: {  	v12 =	vadd.s32 v1, v12;
	v17 =	vor.u32 v59, v17  }
0x86: {  	[tilespmem:$0x2250] =	vst v12;
	v12 =	vadd.s32 v2, v13  }
0x87: {  	[tilespmem:$0x2050] =	vst v12  }
0x88: {  	[tilespmem:$0x1E50] =	vst v14;
	v14 =	vadd.s32 v0, v55  }
0x89: {  	[tilespmem:$0x2450] =	vst v14  }
0x8a: {  	v12 =	vld.idx.msk [tilespmem:v17+s16+$0x0], $0xffff;
	_ =	sdelay $0x4  }
0x8b: {  	v13 =	vshll.u32 v12, $0x2  }
0x8c: {  	v14 =	vand.u32 $0x7F, v12;
	v13 =	vand.u32 $0xFFFFFE00, v13  }
0x8d: {  	v13 =	vor.u32 v14, v13;
	_ =	sdelay $0x4  }
0x8e: {  	v13 =	vld.idx.msk [tilespmem:v13+s15+$0x0], $0xffff;
	_ =	sdelay $0x4  }
0x8f: {  	v14 =	vshll.u32 v13, $0x2  }
0x90: {  	v60 =	vand.u32 $0x7F, v13;
	v14 =	vand.u32 $0xFFFFFE00, v14  }
0x91: {  	v61 =	vld [tilespmem:$0x1C70];
	v14 =	vor.u32 v60, v14;
	_ =	sdelay $0x4  }
0x92: {  	v62 =	vshll.u32 v61, $0x2;
	v14 =	vld.idx.msk [tilespmem:v14+s2+$0x0], $0xffff  }
0x93: {  	v63 =	vand.u32 $0x7F, v61;
	v17 =	vand.u32 $0xFFFFFE00, v62  }
0x94: {  	v17 =	vor.u32 v63, v17;
	v12 =	vadd.s32 v1, v12  }
0x95: {  	[tilespmem:$0x2260] =	vst v12;
	v12 =	vadd.s32 v2, v13  }
0x96: {  	[tilespmem:$0x2060] =	vst v12  }
0x97: {  	[tilespmem:$0x1E60] =	vst v14;
	v14 =	vadd.s32 v0, v15  }
0x98: {  	[tilespmem:$0x2460] =	vst v14  }
0x99: {  	v12 =	vld.idx.msk [tilespmem:v17+s16+$0x0], $0xffff;
	_ =	sdelay $0x4  }
0x9a: {  	v13 =	vshll.u32 v12, $0x2  }
0x9b: {  	v14 =	vand.u32 $0x7F, v12;
	v13 =	vand.u32 $0xFFFFFE00, v13  }
0x9c: {  	v13 =	vor.u32 v14, v13;
	_ =	sdelay $0x4  }
0x9d: {  	v13 =	vld.idx.msk [tilespmem:v13+s15+$0x0], $0xffff;
	_ =	sdelay $0x4  }
0x9e: {  	v14 =	vshll.u32 v13, $0x2  }
0x9f: {  	v15 =	vand.u32 $0x7F, v13;
	v14 =	vand.u32 $0xFFFFFE00, v14  }
0xa0: {  	v14 =	vor.u32 v15, v14;
	_ =	sdelay $0x4  }
0xa1: {  	v14 =	vld.idx.msk [tilespmem:v14+s2+$0x0], $0xffff;
	_ =	sdelay $0x1  }
0xa2: {  	v12 =	vadd.s32 v1, v12  }
0xa3: {  	[tilespmem:$0x2270] =	vst v12;
	v12 =	vadd.s32 v2, v13  }
0xa4: {  	[tilespmem:$0x2070] =	vst v12  }
0xa5: {  	[tilespmem:$0x1E70] =	vst v14;
	v14 =	vadd.s32 v0, v61  }
0xa6: {  	s23 =	simm.s32 $0x0;
	[tilespmem:$0x2470] =	vst v14  }
0xa7: {  	v12 =	vld [tilespmem:s23+$0x1C80];
	_ =	sdelay $0x4  }
0xa8: {  	v13 =	vshll.u32 v12, $0x2  }
0xa9: {  	v14 =	vand.u32 $0x7F, v12;
	v13 =	vand.u32 $0xFFFFFE00, v13  }
0xaa: {  	v13 =	vor.u32 v13, v14  }
0xab: {  	v13 =	vor.u32 $0x80, v13;
	_ =	sdelay $0x4  }
0xac: {  	v13 =	vld.idx.msk [tilespmem:v13+s16+$0x0], $0xffff;
	_ =	sdelay $0x4  }
0xad: {  	v14 =	vshll.u32 v13, $0x2  }
0xae: {  	v15 =	vand.u32 $0x7F, v13;
	v14 =	vand.u32 $0xFFFFFE00, v14  }
0xaf: {  	v14 =	vor.u32 v14, v15  }
0xb0: {  	v14 =	vor.u32 $0x80, v14;
	_ =	sdelay $0x4  }
0xb1: {  	s25 =	simm.s32 $0x40;
	s26 =	simm.s32 $0x80;
	v14 =	vld.idx.msk [tilespmem:v14+s15+$0x0], $0xffff  }
.LBB2_2:
0xb2: {  	p0 =	sne.s32 s26, $0x1C0;
	_ =	sdelay $0x3  }
0xb3: {  	v15 =	vshll.u32 v14, $0x2;
	v16 =	vadd.s32 v5, v14  }
0xb4: {  	s28 =	sshra.s32 s25, $0x2;
	s25 =	smov.u32 s26;
	v14 =	vand.u32 $0x7F, v14;
	v15 =	vand.u32 $0xFFFFFE00, v15  }
0xb5: {  	v14 =	vor.u32 v15, v14;
	v17 =	vld [tilespmem:s28+$0x1C80]  }
0xb6: {  	v14 =	vor.u32 $0x80, v14;
	_ =	sdelay $0x3  }
0xb7: {  	s24 =	simm.s32 $0x0;
	v13 =	vadd.s32 v4, v13;
	v15 =	vshll.u32 v17, $0x2  }
0xb8: {  	v18 =	vand.u32 $0x7F, v17;
	v15 =	vand.u32 $0xFFFFFE00, v15;
	v14 =	vld.idx.msk [tilespmem:v14+s24+$0x0], $0xffff;
	[tilespmem:s23+$0x2280] =	vst v13  }
0xb9: {  	v13 =	vor.u32 v15, v18;
	v15 =	vadd.s32 v3, v12;
	[tilespmem:s23+$0x2080] =	vst v16;
	v12 =	vmov v17  }
0xba: {  	v13 =	vor.u32 $0x80, v13;
	[tilespmem:s23+$0x2480] =	vst v15;
	_ =	sdelay $0x3  }
0xbb: {  	[tilespmem:s23+$0x1E80] =	vst v14;
	s23 =	smov.u32 s28  }
0xbc: {  	v13 =	vld.idx.msk [tilespmem:v13+s16+$0x0], $0xffff;
	_ =	sdelay $0x5  }
0xbd: {  	v14 =	vshll.u32 v13, $0x2  }
0xbe: {  	v15 =	vand.u32 $0x7F, v13;
	v14 =	vand.u32 $0xFFFFFE00, v14  }
0xbf: {  	v14 =	vor.u32 v14, v15  }
0xc0: {  	v14 =	vor.u32 $0x80, v14;
	_ =	sdelay $0x1  }
.Ltmp0:
0xc1: {  	(pc) =	sbr.rel @p0 .LBB2_2-.Ltmp0, $3  }
0xc2: {  	_ =	sdelay $0x1  }
0xc3: {  	v14 =	vld.idx.msk [tilespmem:v14+s15+$0x0], $0xffff  }
0xc4: {  	s26 =	sadd.s32 $0x40, s26  }
0xc5: {  	_ =	sdelay $0x2  }
0xc6: {  	s25 =	sshra.s32 s25, $0x2;
	v15 =	vshll.u32 v14, $0x2  }
0xc7: {  	v17 =	vld [tilespmem:s25+$0x1C80];
	v16 =	vand.u32 $0x7F, v14;
	v15 =	vand.u32 $0xFFFFFE00, v15  }
0xc8: {  	v15 =	vor.u32 v15, v16  }
0xc9: {  	v15 =	vor.u32 $0x80, v15;
	_ =	sdelay $0x2  }
0xca: {  	v63 =	vshll.u32 v17, $0x2  }
0xcb: {  	v18 =	vand.u32 $0x7F, v17;
	v16 =	vand.u32 $0xFFFFFE00, v63  }
0xcc: {  	v16 =	vor.u32 v16, v18;
	v15 =	vld.idx.msk [tilespmem:v15+s24+$0x0], $0xffff  }
0xcd: {  	v13 =	vadd.s32 v4, v13;
	v16 =	vor.u32 $0x80, v16  }
0xce: {  	v14 =	vadd.s32 v5, v14;
	[tilespmem:s23+$0x2280] =	vst v13  }
0xcf: {  	v12 =	vadd.s32 v3, v12;
	[tilespmem:s23+$0x2080] =	vst v14  }
0xd0: {  	[tilespmem:s23+$0x2480] =	vst v12  }
0xd1: {  	[tilespmem:s23+$0x1E80] =	vst v15  }
0xd2: {  	v12 =	vld.idx.msk [tilespmem:v16+s16+$0x0], $0xffff;
	_ =	sdelay $0x4  }
0xd3: {  	v13 =	vshll.u32 v12, $0x2  }
0xd4: {  	v14 =	vand.u32 $0x7F, v12;
	v13 =	vand.u32 $0xFFFFFE00, v13  }
0xd5: {  	v13 =	vor.u32 v13, v14  }
0xd6: {  	v13 =	vor.u32 $0x80, v13;
	_ =	sdelay $0x4  }
0xd7: {  	v13 =	vld.idx.msk [tilespmem:v13+s15+$0x0], $0xffff;
	_ =	sdelay $0x4  }
0xd8: {  	v14 =	vshll.u32 v13, $0x2  }
0xd9: {  	v15 =	vand.u32 $0x7F, v13;
	v14 =	vand.u32 $0xFFFFFE00, v14  }
0xda: {  	v14 =	vor.u32 v14, v15  }
0xdb: {  	v14 =	vor.u32 $0x80, v14;
	_ =	sdelay $0x4  }
0xdc: {  	v14 =	vld.idx.msk [tilespmem:v14+s24+$0x0], $0xffff  }
0xdd: {  	v12 =	vadd.s32 v4, v12  }
0xde: {  	v13 =	vadd.s32 v5, v13;
	[tilespmem:s25+$0x2280] =	vst v12  }
0xdf: {  	v12 =	vadd.s32 v3, v17;
	[tilespmem:s25+$0x2080] =	vst v13  }
0xe0: {  	[tilespmem:s25+$0x2480] =	vst v12  }
0xe1: {  	s23 =	simm.s32 $0x0;
	[tilespmem:s25+$0x1E80] =	vst v14  }
0xe2: {  	v12 =	vld [tilespmem:s23+$0x1D00];
	_ =	sdelay $0x4  }
0xe3: {  	v13 =	vshll.u32 v12, $0x2  }
0xe4: {  	v14 =	vand.u32 $0x7F, v12;
	v13 =	vand.u32 $0xFFFFFE00, v13  }
0xe5: {  	v13 =	vor.u32 v13, v14  }
0xe6: {  	v13 =	vor.u32 $0x100, v13;
	_ =	sdelay $0x4  }
0xe7: {  	v13 =	vld.idx.msk [tilespmem:v13+s16+$0x0], $0xffff;
	_ =	sdelay $0x4  }
0xe8: {  	v14 =	vshll.u32 v13, $0x2  }
0xe9: {  	v15 =	vand.u32 $0x7F, v13;
	v14 =	vand.u32 $0xFFFFFE00, v14  }
0xea: {  	v14 =	vor.u32 v14, v15  }
0xeb: {  	v14 =	vor.u32 $0x100, v14;
	_ =	sdelay $0x3  }
0xec: {  	s28 =	simm.s32 $0x80  }
0xed: {  	s29 =	simm.s32 $0x40;
	s26 =	simm.s32 $0x0;
	s25 =	simm.s32 $0x40;
	v14 =	vld.idx.msk [tilespmem:v14+s15+$0x0], $0xffff  }
.LBB2_4:
0xee: {  	p0 =	sne.s32 s28, $0x1C0;
	_ =	sdelay $0x3  }
0xef: {  	v15 =	vshll.u32 v14, $0x2;
	v16 =	vadd.s32 v8, v14  }
0xf0: {  	s30 =	sshra.s32 s29, $0x2;
	s29 =	smov.u32 s28;
	v14 =	vand.u32 $0x7F, v14;
	v15 =	vand.u32 $0xFFFFFE00, v15  }
0xf1: {  	v14 =	vor.u32 v15, v14;
	v17 =	vld [tilespmem:s30+$0x1D00]  }
0xf2: {  	v14 =	vor.u32 $0x100, v14;
	_ =	sdelay $0x3  }
0xf3: {  	v13 =	vadd.s32 v7, v13;
	v15 =	vshll.u32 v17, $0x2  }
0xf4: {  	v18 =	vand.u32 $0x7F, v17;
	v15 =	vand.u32 $0xFFFFFE00, v15;
	v14 =	vld.idx.msk [tilespmem:v14+s24+$0x0], $0xffff;
	[tilespmem:s26+$0x2300] =	vst v13  }
0xf5: {  	v13 =	vor.u32 v15, v18;
	v15 =	vadd.s32 v6, v12;
	[tilespmem:s26+$0x2100] =	vst v16;
	v12 =	vmov v17  }
0xf6: {  	v13 =	vor.u32 $0x100, v13;
	[tilespmem:s26+$0x2500] =	vst v15;
	_ =	sdelay $0x3  }
0xf7: {  	[tilespmem:s26+$0x1F00] =	vst v14;
	s26 =	smov.u32 s30  }
0xf8: {  	v13 =	vld.idx.msk [tilespmem:v13+s16+$0x0], $0xffff;
	_ =	sdelay $0x5  }
0xf9: {  	v14 =	vshll.u32 v13, $0x2  }
0xfa: {  	v15 =	vand.u32 $0x7F, v13;
	v14 =	vand.u32 $0xFFFFFE00, v14  }
0xfb: {  	v14 =	vor.u32 v14, v15  }
0xfc: {  	v14 =	vor.u32 $0x100, v14;
	_ =	sdelay $0x1  }
.Ltmp1:
0xfd: {  	(pc) =	sbr.rel @p0 .LBB2_4-.Ltmp1, $3  }
0xfe: {  	_ =	sdelay $0x1  }
0xff: {  	v14 =	vld.idx.msk [tilespmem:v14+s15+$0x0], $0xffff  }
0x100: {  	s28 =	sadd.s32 $0x40, s28  }
0x101: {  	_ =	sdelay $0x2  }
0x102: {  	s28 =	sshra.s32 s29, $0x2;
	v15 =	vshll.u32 v14, $0x2  }
0x103: {  	v17 =	vld [tilespmem:s28+$0x1D00];
	v16 =	vand.u32 $0x7F, v14;
	v15 =	vand.u32 $0xFFFFFE00, v15  }
0x104: {  	v15 =	vor.u32 v15, v16  }
0x105: {  	v15 =	vor.u32 $0x100, v15;
	_ =	sdelay $0x2  }
0x106: {  	v63 =	vshll.u32 v17, $0x2  }
0x107: {  	v18 =	vand.u32 $0x7F, v17;
	v16 =	vand.u32 $0xFFFFFE00, v63  }
0x108: {  	v16 =	vor.u32 v16, v18;
	v15 =	vld.idx.msk [tilespmem:v15+s24+$0x0], $0xffff  }
0x109: {  	v13 =	vadd.s32 v7, v13;
	v16 =	vor.u32 $0x100, v16  }
0x10a: {  	v14 =	vadd.s32 v8, v14;
	[tilespmem:s26+$0x2300] =	vst v13  }
0x10b: {  	v12 =	vadd.s32 v6, v12;
	[tilespmem:s26+$0x2100] =	vst v14  }
0x10c: {  	[tilespmem:s26+$0x2500] =	vst v12  }
0x10d: {  	[tilespmem:s26+$0x1F00] =	vst v15  }
0x10e: {  	v12 =	vld.idx.msk [tilespmem:v16+s16+$0x0], $0xffff;
	_ =	sdelay $0x4  }
0x10f: {  	v13 =	vshll.u32 v12, $0x2  }
0x110: {  	v14 =	vand.u32 $0x7F, v12;
	v13 =	vand.u32 $0xFFFFFE00, v13  }
0x111: {  	v13 =	vor.u32 v13, v14  }
0x112: {  	v13 =	vor.u32 $0x100, v13;
	_ =	sdelay $0x4  }
0x113: {  	v13 =	vld.idx.msk [tilespmem:v13+s15+$0x0], $0xffff;
	_ =	sdelay $0x4  }
0x114: {  	v14 =	vshll.u32 v13, $0x2  }
0x115: {  	v15 =	vand.u32 $0x7F, v13;
	v14 =	vand.u32 $0xFFFFFE00, v14  }
0x116: {  	v14 =	vor.u32 v14, v15  }
0x117: {  	v14 =	vor.u32 $0x100, v14;
	_ =	sdelay $0x4  }
0x118: {  	v14 =	vld.idx.msk [tilespmem:v14+s24+$0x0], $0xffff  }
0x119: {  	v12 =	vadd.s32 v7, v12  }
0x11a: {  	v13 =	vadd.s32 v8, v13;
	[tilespmem:s28+$0x2300] =	vst v12  }
0x11b: {  	v12 =	vadd.s32 v6, v17;
	[tilespmem:s28+$0x2100] =	vst v13  }
0x11c: {  	[tilespmem:s28+$0x2500] =	vst v12  }
0x11d: {  	[tilespmem:s28+$0x1F00] =	vst v14  }
0x11e: {  	v12 =	vld [tilespmem:s23+$0x1D80];
	_ =	sdelay $0x4  }
0x11f: {  	v13 =	vshll.u32 v12, $0x2  }
0x120: {  	v14 =	vand.u32 $0x7F, v12;
	v13 =	vand.u32 $0xFFFFFE00, v13  }
0x121: {  	v13 =	vor.u32 v13, v14  }
0x122: {  	v13 =	vor.u32 $0x180, v13;
	_ =	sdelay $0x4  }
0x123: {  	v13 =	vld.idx.msk [tilespmem:v13+s16+$0x0], $0xffff;
	_ =	sdelay $0x4  }
0x124: {  	v14 =	vshll.u32 v13, $0x2  }
0x125: {  	v15 =	vand.u32 $0x7F, v13;
	v14 =	vand.u32 $0xFFFFFE00, v14  }
0x126: {  	v14 =	vor.u32 v14, v15  }
0x127: {  	v14 =	vor.u32 $0x180, v14;
	_ =	sdelay $0x4  }
0x128: {  	s24 =	simm.s32 $0x80;
	v14 =	vld.idx.msk [tilespmem:v14+s15+$0x0], $0xffff  }
.LBB2_6:
0x129: {  	p0 =	sne.s32 s24, $0x1C0;
	_ =	sdelay $0x3  }
0x12a: {  	v15 =	vshll.u32 v14, $0x2;
	v16 =	vadd.s32 v11, v14  }
0x12b: {  	s26 =	sshra.s32 s25, $0x2;
	s25 =	smov.u32 s24;
	v14 =	vand.u32 $0x7F, v14;
	v15 =	vand.u32 $0xFFFFFE00, v15  }
0x12c: {  	v14 =	vor.u32 v15, v14;
	v17 =	vld [tilespmem:s26+$0x1D80]  }
0x12d: {  	v14 =	vor.u32 $0x180, v14;
	_ =	sdelay $0x3  }
0x12e: {  	v13 =	vadd.s32 v10, v13;
	v15 =	vshll.u32 v17, $0x2  }
0x12f: {  	v18 =	vand.u32 $0x7F, v17;
	v15 =	vand.u32 $0xFFFFFE00, v15;
	v14 =	vld.idx.msk [tilespmem:v14+s2+$0x0], $0xffff;
	[tilespmem:s23+$0x2380] =	vst v13  }
0x130: {  	v13 =	vor.u32 v15, v18;
	v15 =	vadd.s32 v9, v12;
	[tilespmem:s23+$0x2180] =	vst v16;
	v12 =	vmov v17  }
0x131: {  	v13 =	vor.u32 $0x180, v13;
	[tilespmem:s23+$0x2580] =	vst v15;
	_ =	sdelay $0x3  }
0x132: {  	[tilespmem:s23+$0x1F80] =	vst v14;
	s23 =	smov.u32 s26  }
0x133: {  	v13 =	vld.idx.msk [tilespmem:v13+s16+$0x0], $0xffff;
	_ =	sdelay $0x5  }
0x134: {  	v14 =	vshll.u32 v13, $0x2  }
0x135: {  	v15 =	vand.u32 $0x7F, v13;
	v14 =	vand.u32 $0xFFFFFE00, v14  }
0x136: {  	v14 =	vor.u32 v14, v15  }
0x137: {  	v14 =	vor.u32 $0x180, v14;
	_ =	sdelay $0x1  }
.Ltmp2:
0x138: {  	(pc) =	sbr.rel @p0 .LBB2_6-.Ltmp2, $3  }
0x139: {  	_ =	sdelay $0x1  }
0x13a: {  	v14 =	vld.idx.msk [tilespmem:v14+s15+$0x0], $0xffff  }
0x13b: {  	s24 =	sadd.s32 $0x40, s24  }
0x13c: {  	_ =	sdelay $0x2  }
0x13d: {  	s24 =	sshra.s32 s25, $0x2;
	v15 =	vshll.u32 v14, $0x2  }
0x13e: {  	v17 =	vld [tilespmem:s24+$0x1D80];
	v16 =	vand.u32 $0x7F, v14;
	v15 =	vand.u32 $0xFFFFFE00, v15  }
0x13f: {  	v15 =	vor.u32 v15, v16  }
0x140: {  	v15 =	vor.u32 $0x180, v15;
	_ =	sdelay $0x2  }
0x141: {  	v57 =	vshll.u32 v17, $0x2  }
0x142: {  	v18 =	vand.u32 $0x7F, v17;
	v16 =	vand.u32 $0xFFFFFE00, v57  }
0x143: {  	v16 =	vor.u32 v16, v18;
	v15 =	vld.idx.msk [tilespmem:v15+s2+$0x0], $0xffff  }
0x144: {  	v13 =	vadd.s32 v10, v13;
	v16 =	vor.u32 $0x180, v16  }
0x145: {  	v58 =	vadd.s32 v11, v14;
	[tilespmem:s23+$0x2380] =	vst v13  }
0x146: {  	v12 =	vadd.s32 v9, v12;
	[tilespmem:s23+$0x2180] =	vst v58  }
0x147: {  	[tilespmem:s23+$0x2580] =	vst v12  }
0x148: {  	[tilespmem:s23+$0x1F80] =	vst v15  }
0x149: {  	v12 =	vld.idx.msk [tilespmem:v16+s16+$0x0], $0xffff;
	_ =	sdelay $0x4  }
0x14a: {  	v59 =	vshll.u32 v12, $0x2  }
0x14b: {  	v60 =	vand.u32 $0x7F, v12;
	v13 =	vand.u32 $0xFFFFFE00, v59  }
0x14c: {  	v13 =	vor.u32 v13, v60  }
0x14d: {  	v13 =	vor.u32 $0x180, v13;
	_ =	sdelay $0x4  }
0x14e: {  	v13 =	vld.idx.msk [tilespmem:v13+s15+$0x0], $0xffff;
	_ =	sdelay $0x4  }
0x14f: {  	v61 =	vshll.u32 v13, $0x2  }
0x150: {  	v62 =	vand.u32 $0x7F, v13;
	v14 =	vand.u32 $0xFFFFFE00, v61  }
0x151: {  	v14 =	vor.u32 v14, v62  }
0x152: {  	v14 =	vor.u32 $0x180, v14;
	_ =	sdelay $0x4  }
0x153: {  	v14 =	vld.idx.msk [tilespmem:v14+s2+$0x0], $0xffff  }
0x154: {  	v12 =	vadd.s32 v10, v12  }
0x155: {  	v13 =	vadd.s32 v11, v13;
	[tilespmem:s24+$0x2380] =	vst v12  }
0x156: {  	v63 =	vadd.s32 v9, v17;
	[tilespmem:s24+$0x2180] =	vst v13  }
0x157: {  	[tilespmem:s24+$0x2580] =	vst v63  }
0x158: {  	[tilespmem:s24+$0x1F80] =	vst v14  }
0x159: {  	[hbm4b:s7+s2] =	stream.linear.scatter [tilespmem:s18], [sflag:$0x1], $0x200, $0x38;
	[tilespmem:$0x2600] =	vst v63  }
0x15a: {  	_ =	swait.ge [sflag:s14], $0x200  }
0x15b: {  	[sflag:s14] =	ssyncset.done $0x0  }
0x15c: {  	[sflag:s14] =	ssyncadd.s32 $0xFFFFFE00  }
0x15d: {  	[hbm4b:s8+s2] =	stream.linear.scatter [tilespmem:s19], [sflag:$0x1], $0x200, $0x38;
	[tilespmem:$0x2600] =	vst v63  }
0x15e: {  	_ =	swait.ge [sflag:s14], $0x200  }
0x15f: {  	[sflag:s14] =	ssyncset.done $0x0  }
0x160: {  	[sflag:s14] =	ssyncadd.s32 $0xFFFFFE00  }
0x161: {  	[hbm4b:s9+s2] =	stream.linear.scatter [tilespmem:s20], [sflag:$0x1], $0x200, $0x38;
	[tilespmem:$0x2600] =	vst v63  }
0x162: {  	s22 =	sadd.s32 $0x1, s22;
	_ =	swait.ge [sflag:s14], $0x200  }
0x163: {  	p0 =	sne.s32 s22, s11;
	[sflag:s14] =	ssyncset.done $0x0  }
.Ltmp3:
0x164: {  	[sflag:s14] =	ssyncadd.s32 $0xFFFFFE00;
	(pc) =	sbr.rel @p0 .LBB2_1-.Ltmp3, $4  }
0x165: {  	[hbm4b:s10+s2] =	stream.linear.scatter [tilespmem:s21], [sflag:$0x1], $0x200, $0x38;
	[tilespmem:$0x2600] =	vst v63  }
0x166: {  	_ =	swait.ge [sflag:s14], $0x200  }
0x167: {  	[sflag:s14] =	ssyncset.done $0x0  }
0x168: {  	[sflag:s14] =	ssyncadd.s32 $0xFFFFFE00  }
0x169: {  	_ =	sfence.sel $0x180000  }
0x16a: {  	[bflag:$0x0] =	sbarrier.arrive $0xFFFF  }
0x16b: {  	p0 =	sne.s32 s1, $0x0;
	_ =	strace $0x90000047  }
0x16c: {  	s0 =	sadd.s32 @!p0 $0x100000, s0;
	[bflag:$0x2] =	sbarrier.arrive $0xFFFF  }
0x16d: {  	[sflag:s0] =	ssyncadd.tile.s32 @!p0 $0x1;
	_ =	shalt  }
.Lfunc_end2:
_tile_overlayer_lowered:
.L_overlay_start_2:
0x16e: {  	(tag) =	ssettag $0x2  }
0x16f: {  	s0 =	rddreg [dreg:$0x0];
	s2 =	stileid.u32  }
0x170: {  	s1 =	rddreg [dreg:$0x1];
	p0 =	sne.s32 s2, $0x0  }
0x171: {  	s3 =	rddreg [dreg:$0x2];
	[bflag:$0x3] =	sbarrier.arrive $0xFFFF;
	s2 =	simm.s32 @!p0 $0x1C01  }
0x172: {  	[timem:s3], [sflag:s2] =	dma.local @!p0 [hbm:s0], s1  }
0x173: {  	s0 =	simm.s32 @!p0 $0x1  }
0x174: {  	_ =	swait.ge @!p0 [sflag:s0], s1  }
0x175: {  	s1 =	ssub.s32 @!p0 $0x0, s1;
	[sflag:s0] =	ssyncset.done @!p0 $0x0  }
0x176: {  	[sflag:s0] =	ssyncadd.s32 @!p0 s1  }
0x177: {  	[bflag:$0x3] =	sbarrier.arrive $0xFFFF  }
0x178: {  	_ =	shalt  }

// kernel: kernel.9.cloned.1.call-start
scs
__scs_entry_jumppad:
0x0: {  	(pc) =	sbr.rel $0x88, $3  }
0x1: {  	(tag) =	ssettag $0x0;
	lr =	simm.s32 $0x1  }
0x2: {  	[smem:$0x3F8E] =	sst lr;
	_ =	strace $0xD0000000  }
0x3: {  	_ = 	snop  }
0x4: {  	_ = 	snop  }
0x5: {  	_ = 	snop  }
0x6: {  	_ = 	snop  }
0x7: {  	_ = 	snop  }
__scs_overlays_trampoline_lowered:
0x8: {  	[smem:$0x3F9D] =	sst s0  }
0x9: {  	[smem:$0x3F9E] =	sst s1  }
0xa: {  	[smem:$0x3F9F] =	sst s2  }
0xb: {  	[smem:$0x3FA0] =	sst s3  }
0xc: {  	[smem:$0x3FA1] =	sst s4  }
0xd: {  	[smem:$0x3FA2] =	sst s5  }
0xe: {  	[smem:$0x3FA3] =	sst s6  }
0xf: {  	[smem:$0x3FA4] =	sst s7  }
0x10: {  	[smem:$0x3FA5] =	sst s8  }
0x11: {  	[smem:$0x3FA6] =	sst s9;
	s0 =	simm.s32 @!p0 $0x0  }
0x12: {  	s1 =	sld [smem:$0x3F8C];
	s0 =	simm.s32 @p0 $0x1  }
0x13: {  	[smem:$0x3FA7] =	sst s0;
	s0 =	simm.s32 @!p1 $0x0  }
0x14: {  	s2 =	sld [smem:$0x3F8B];
	s0 =	simm.s32 @p1 $0x1  }
0x15: {  	[smem:$0x3FA8] =	sst s0;
	s0 =	simm.s32 @!p2 $0x0  }
0x16: {  	s3 =	sld [smem:$0x3FDB];
	s0 =	simm.s32 @p2 $0x1  }
0x17: {  	s4 =	simm.s32 $0x1BF5;
	[smem:$0x3FAA] =	sst s0  }
0x18: {  	s0 =	sld [smem:$0x3F8D];
	_ =	swait.ge [sflag:s4], $0x0  }
0x19: {  	s7 =	sld [smem:$0x3F8E]  }
0x1a: {  	s8 =	sadd.s32 $0xFFFFE003, lr  }
0x1b: {  	s9 =	sadd.s32 $0xFFFFFEF7, lr;
	s5 =	simm.s32 $0xFFFFFFFF;
	p2 =	slt.u32 s8, $0xFFFFF086  }
0x1c: {  	p1 =	slt.u32 s9, $0xF7A;
	s5 =	simm.s32 @!p2 $0x0  }
0x1d: {  	s5 =	simm.s32 @p1 $0x1;
	p0 =	seq.s32 s7, s2  }
0x1e: {  	s7 =	smul.u32 @!p0 $0xF7A, s2;
	p2 =	seq.s32 @!p0 s5, $0x0  }
0x1f: {  	s9 =	smul.u32 $0xF7A, s1;
	s8 =	simm.s32 @!p0 $0x1BF5;
	p2 =	por !p2, p0  }
0x20: {  	[sflag:s8] =	ssyncset.s32 @!p0 $0xFFFFF086;
	s6 =	sadd.s32 @!p0 s3, s7;
	s7 =	simm.s32 @!p0 $0x108  }
0x21: {  	s3 =	sadd.s32 s3, s9;
	s6 =	sadd.s32 @!p0 $0x88, s6;
	s7 =	simm.s32 @p2 $0x1082  }
0x22: {  	[simem:s7], [sflag:s8] =	dma.local @!p0 [hbm:s6], $0xF7A  }
0x23: {  	s9 =	sor.u32 $0xD0000000, s2;
	s6 =	simm.s32 $0x108;
	_ =	swait.ge @!p0 [sflag:s8], $0x0  }
0x24: {  	s3 =	sadd.s32 $0x88, s3;
	s6 =	simm.s32 @!p1 $0x1082;
	[sflag:s4] =	ssyncset.s32 $0xFFFFF086  }
0x25: {  	[simem:s6], [sflag:s4] =	dma.local [hbm:s3], $0xF7A  }
0x26: {  	[smem:$0x3F8E] =	sst s1;
	(tag) =	ssettag s2;
	_ =	strace s9  }
0x27: {  	s1 =	sld [smem:$0x3F9E]  }
0x28: {  	s2 =	sld [smem:$0x3F9F]  }
0x29: {  	s4 =	sld [smem:$0x3FA1]  }
0x2a: {  	p0 =	seq.s32 s5, $0x0;
	s5 =	sld [smem:$0x3FA2]  }
0x2b: {  	s6 =	sld [smem:$0x3FA3]  }
0x2c: {  	s7 =	sld [smem:$0x3FA4]  }
0x2d: {  	s3 =	simm.s32 $0x108;
	s8 =	sld [smem:$0x3FA5]  }
0x2e: {  	s3 =	simm.s32 @!p0 $0x1082;
	s9 =	sld [smem:$0x3FA6]  }
0x2f: {  	lr =	sadd.s32 s0, s3;
	s0 =	sld [smem:$0x3F9D]  }
0x30: {  	s3 =	sld [smem:$0x3FA0]  }
0x31: {  	[smem:$0x3FA9] =	sst s10  }
0x32: {  	s10 =	sld [smem:$0x3FA7];
	_ =	sdelay $0x3  }
0x33: {  	p0 =	seq.s32 s10, $0x1;
	s10 =	sld [smem:$0x3FA9];
	_ =	sdelay $0x3  }
0x34: {  	[smem:$0x3FA9] =	sst s10  }
0x35: {  	s10 =	sld [smem:$0x3FA8];
	_ =	sdelay $0x3  }
0x36: {  	p1 =	seq.s32 s10, $0x1;
	s10 =	sld [smem:$0x3FA9];
	_ =	sdelay $0x3  }
0x37: {  	[smem:$0x3FA9] =	sst s10  }
0x38: {  	s10 =	sld [smem:$0x3FAA]  }
0x39: {  	_ = 	snop;
	(pc) =	sbr.ind lr, $3  }
0x3a: {  	_ = 	snop  }
0x3b: {  	_ = 	snop  }
0x3c: {  	p2 =	seq.s32 s10, $0x1;
	s10 =	sld [smem:$0x3FA9]  }
0x3d: {  	_ =	shalt  }
0x3e: {  	_ =	shalt  }
0x3f: {  	_ =	shalt  }
0x40: {  	_ =	shalt  }
0x41: {  	_ =	shalt  }
0x42: {  	_ =	shalt  }
0x43: {  	_ =	shalt  }
0x44: {  	_ =	shalt  }
0x45: {  	_ =	shalt  }
0x46: {  	_ =	shalt  }
0x47: {  	_ =	shalt  }
0x48: {  	_ =	shalt  }
0x49: {  	_ =	shalt  }
0x4a: {  	_ =	shalt  }
0x4b: {  	_ =	shalt  }
0x4c: {  	_ =	shalt  }
0x4d: {  	_ =	shalt  }
0x4e: {  	_ =	shalt  }
0x4f: {  	_ =	shalt  }
0x50: {  	_ =	shalt  }
0x51: {  	_ =	shalt  }
0x52: {  	_ =	shalt  }
0x53: {  	_ =	shalt  }
0x54: {  	_ =	shalt  }
0x55: {  	_ =	shalt  }
0x56: {  	_ =	shalt  }
0x57: {  	_ =	shalt  }
0x58: {  	_ =	shalt  }
0x59: {  	_ =	shalt  }
0x5a: {  	_ =	shalt  }
0x5b: {  	_ =	shalt  }
0x5c: {  	_ =	shalt  }
0x5d: {  	_ =	shalt  }
0x5e: {  	_ =	shalt  }
0x5f: {  	_ =	shalt  }
0x60: {  	_ =	shalt  }
0x61: {  	_ =	shalt  }
0x62: {  	_ =	shalt  }
0x63: {  	_ =	shalt  }
0x64: {  	_ =	shalt  }
0x65: {  	_ =	shalt  }
0x66: {  	_ =	shalt  }
0x67: {  	_ =	shalt  }
0x68: {  	_ =	shalt  }
0x69: {  	_ =	shalt  }
0x6a: {  	_ =	shalt  }
0x6b: {  	_ =	shalt  }
0x6c: {  	_ =	shalt  }
0x6d: {  	_ =	shalt  }
0x6e: {  	_ =	shalt  }
0x6f: {  	_ =	shalt  }
0x70: {  	_ =	shalt  }
0x71: {  	_ =	shalt  }
0x72: {  	_ =	shalt  }
0x73: {  	_ =	shalt  }
0x74: {  	_ =	shalt  }
0x75: {  	_ =	shalt  }
0x76: {  	_ =	shalt  }
0x77: {  	_ =	shalt  }
0x78: {  	_ =	shalt  }
0x79: {  	_ =	shalt  }
0x7a: {  	_ =	shalt  }
0x7b: {  	_ =	shalt  }
0x7c: {  	_ =	shalt  }
0x7d: {  	_ =	shalt  }
0x7e: {  	_ =	shalt  }
0x7f: {  	_ =	shalt  }
0x80: {  	_ =	shalt  }
0x81: {  	_ =	shalt  }
0x82: {  	_ =	shalt  }
0x83: {  	_ =	shalt  }
0x84: {  	_ =	shalt  }
0x85: {  	_ =	shalt  }
0x86: {  	_ =	shalt  }
0x87: {  	_ =	shalt  }
.Lfunc_end0:
.L_simem_size_0:
called_computation.1_lowered:
.L_overlay_start_0:
0x88: {  	s2 =	sld [smem:$0x3FD9]  }
0x89: {  	s3 =	sld [smem:$0x3FFE];
	_ =	sdelay $0x1  }
0x8a: {  	s1 =	srdreg.scid  }
0x8b: {  	s0 =	sand.u32 $0x1, s1  }
0x8c: {  	s17 =	sshll.u32 s0, $0xA;
	s2 =	sadd.s32 s3, s2  }
0x8d: {  	s2 =	sadd.s32 s2, s17  }
0x8e: {  	[smem:$0x3FB5] =	sst s2  }
0x8f: {  	_ = 	snop  }
0x90: {  	s2 =	sld [smem:$0x3FC8]  }
0x91: {  	s18 =	sld [smem:$0x3FC7]  }
0x92: {  	s4 =	sld [smem:$0x3FC6];
	(tm) =	ssettm $0x1  }
0x93: {  	s5 =	sld [smem:$0x3FFB];
	_ =	sdelay $0x3  }
0x94: {  	_ =	strace s5  }
0x95: {  	s5 =	sld [smem:$0x3FFC];
	_ =	sdelay $0x3  }
0x96: {  	_ =	strace s5  }
0x97: {  	s5 =	sld [smem:$0x3FFD];
	_ =	sdelay $0x3  }
0x98: {  	_ =	strace s5  }
0x99: {  	_ =	strace $0x8FFFFFFF  }
0x9a: {  	s19 =	sld [smem:$0x3FDB];
	_ =	sdelay $0x1  }
0x9b: {  	s6 =	simm.s32 $_scs_section_size  }
0x9c: {  	s7 =	simm.s32 $_size__tile_overlayer_lowered;
	s8 =	simm.s32 $_tile_overlayer_lowered  }
0x9d: {  	s22 =	simm.s32 $0x1BFF;
	s21 =	sshll.u32 s8, $0x1;
	s5 =	sadd.s32 s6, s19  }
0x9e: {  	s9 =	simm.s32 $0x0;
	s20 =	sshll.u32 s7, $0x1;
	s7 =	sadd.s32 s21, s5  }
0x9f: {  	[timem:s9], [sflag:s22] =	dma.local [hbm:s7], s20  }
0xa0: {  	_ =	swait.ge [sflag:s22], s20  }
0xa1: {  	s6 =	ssub.s32 $0x0, s20;
	[sflag:s22] =	ssyncset.done $0x0  }
0xa2: {  	[sflag:s22] =	ssyncadd.s32 s6;
	_ =	sdelay $0x1  }
0xa3: {  	s23 =	simm.s32 $0x1B8B  }
0xa4: {  	_ =	swait.ge [sflag:s23], $0x1  }
0xa5: {  	[sflag:s23] =	ssyncset.done $0x0  }
0xa6: {  	s25 =	simm.s32 $0x1B8E;
	s24 =	sld [smem:$0x3FFE];
	[sflag:s23] =	ssyncadd.s32 $0xFFFFFFFF  }
0xa7: {  	s26 =	simm.s32 $execute0_lowered;
	[smem:$0x3FD2] =	sst s25  }
0xa8: {  	s7 =	sshll.u32 s26, $0x1;
	_ =	strace $0x80000049;
	[dreg:$0x1] =	wrdreg $0xFFFFFFFF  }
0xa9: {  	s28 =	simm.s32 $_size_execute0_lowered;
	s5 =	sadd.s32 s5, s7;
	[dreg:$0x0] =	wrdreg $0x0  }
0xaa: {  	s7 =	sshll.u32 s28, $0x1;
	[dreg:$0x2] =	wrdreg s5  }
0xab: {  	[dreg:$0x3] =	wrdreg s7  }
0xac: {  	[dreg:$0x4] =	wrdreg $0xC0  }
0xad: {  	_ =	task [dreg:s9], $0x5FFFF  }
0xae: {  	[dreg:$0x1] =	wrdreg $0xFFFFFFFF  }
0xaf: {  	[dreg:$0x0] =	wrdreg $0x60  }
0xb0: {  	[dreg:$0x2] =	wrdreg s24  }
0xb1: {  	[dreg:$0x3] =	wrdreg s2  }
0xb2: {  	[dreg:$0x4] =	wrdreg s18  }
0xb3: {  	[dreg:$0x5] =	wrdreg s4  }
0xb4: {  	[dreg:$0x6] =	wrdreg $0x9  }
0xb5: {  	_ =	task.clear_ibuf [dreg:s9], $0x7FFFF;
	_ =	strace $0x90000049  }
0xb6: {  	s29 =	simm.s32 $0x9;
	_ =	strace $0x8000004B  }
0xb7: {  	_ =	swait.ge [sflag:s29], $0x1  }
0xb8: {  	[sflag:s29] =	ssyncadd.s32 $0xFFFFFFFF  }
0xb9: {  	_ =	strace $0x9000004B  }
0xba: {  	_ =	sfence  }
0xbb: {  	s30 =	sld [smem:$0x0];
	_ =	sdelay $0x2  }
0xbc: {  	s31 =	sshll.u32 s1, $0xD;
	s1 =	sshrl.u32 s1, $0x2  }
0xbd: {  	s3 =	sand.u32 $0x4000, s31;
	s1 =	sadd.s32 s1, s30  }
0xbe: {  	s0 =	sor.u32 s3, s0;
	s1 =	sshll.u32 s1, $0x11  }
0xbf: {  	s0 =	sor.u32 s1, s0  }
0xc0: {  	s0 =	sadd.s32 $0x8F2B, s0  }
0xc1: {  	[sflag:s0] =	ssyncadd.remote.s32 $0x1  }
0xc2: {  	_ =	sfence.sel $0xFFFF  }
0xc3: {  	[dreg:$0x0] =	wrdreg $0xFFFFFFFF;
	(pc) =	sbr.abs _section_cstart, $3  }
0xc4: {  	[dreg:$0x1] =	wrdreg $0xFFFFFFFF  }
0xc5: {  	_ =	task.clear_ibuf [dreg:s9], $0x2FFFF;
	_ =	strace $0x9FFFFFFF  }
0xc6: {  	(tm) =	ssettm $0x7FFFFFFF  }
0xc7: {  	_ =	shalt  }
tec
execute0_lowered:
.L_overlay_start_1:
0x0: {  	(tag) =	ssettag $0x1  }
0x1: {  	s0 =	srdreg.scid  }
0x2: {  	s8 =	stileid.u32;
	s2 =	sand.u32 $0x1, s0  }
0x3: {  	s6 =	rddreg [dreg:$0x0];
	s11 =	sshll.u32 s8, $0x7;
	s7 =	sshll.u32 s2, $0x6  }
0x4: {  	s4 =	rddreg [dreg:$0x3];
	s5 =	simm.s32 $0x0;
	s0 =	sor.u32 s7, s11  }
0x5: {  	[smem:$0x7FF] =	sst s5;
	s8 =	sshll.u32 s8, $0x1;
	s7 =	sadd.s32 s0, s6  }
0x6: {  	_ =	strace $0x8000004A;
	s8 =	sor.u32 s2, s8;
	s9 =	sadd.s32 $0x1400, s7  }
0x7: {  	s10 =	sshll.u32 s8, $0xD;
	s12 =	sadd.s32 $0x1C00, s7;
	[dreg:$0x5] =	wrdreg s9  }
0x8: {  	s0 =	sadd.s32 $0x2C00, s6;
	s13 =	sadd.s32 $0x2400, s7;
	[dreg:$0x6] =	wrdreg s12  }
0x9: {  	s7 =	sadd.s32 $0x42C00, s6;
	s14 =	sadd.s32 s0, s10;
	[dreg:$0x7] =	wrdreg s13  }
0xa: {  	s6 =	sadd.s32 $0x82C00, s6;
	[dreg:$0x8] =	wrdreg s14;
	s9 =	sshll.u32 s8, $0x6  }
0xb: {  	s10 =	sadd.s32 s7, s10;
	s8 =	sshll.u32 s8, $0xE;
	s11 =	sor.u32 $0x8, s9  }
0xc: {  	[dreg:$0x9] =	wrdreg s10;
	s8 =	sadd.s32 s6, s8;
	s15 =	sshll.u32 s11, $0x7  }
0xd: {  	s19 =	sor.u32 $0x10, s9;
	[dreg:$0xa] =	wrdreg s8;
	s16 =	sadd.s32 s0, s15  }
0xe: {  	s18 =	sshll.u32 s11, $0x8;
	s17 =	sadd.s32 s7, s15;
	[dreg:$0xb] =	wrdreg s16  }
0xf: {  	s21 =	sshll.u32 s19, $0x7;
	s20 =	sadd.s32 s6, s18;
	[dreg:$0xc] =	wrdreg s17  }
0x10: {  	s25 =	sor.u32 $0x18, s9;
	s22 =	sadd.s32 s0, s21;
	[dreg:$0xd] =	wrdreg s20  }
0x11: {  	s24 =	sshll.u32 s19, $0x8;
	s23 =	sadd.s32 s7, s21;
	[dreg:$0xe] =	wrdreg s22  }
0x12: {  	s28 =	sshll.u32 s25, $0x7;
	s26 =	sadd.s32 s6, s24;
	[dreg:$0xf] =	wrdreg s23  }
0x13: {  	s3 =	sor.u32 $0x20, s9;
	s29 =	sadd.s32 s0, s28;
	[dreg:$0x10] =	wrdreg s26  }
0x14: {  	s1 =	sshll.u32 s25, $0x8;
	s30 =	sadd.s32 s7, s28;
	[dreg:$0x11] =	wrdreg s29  }
0x15: {  	s13 =	sshll.u32 s3, $0x7;
	s12 =	sadd.s32 s6, s1;
	[dreg:$0x12] =	wrdreg s30  }
0x16: {  	s14 =	sadd.s32 s0, s13;
	s15 =	sadd.s32 s7, s13;
	[dreg:$0x13] =	wrdreg s12  }
0x17: {  	[dreg:$0x14] =	wrdreg s14;
	s16 =	sshll.u32 s3, $0x8;
	s17 =	sor.u32 $0x28, s9  }
0x18: {  	[dreg:$0x15] =	wrdreg s15;
	s23 =	sor.u32 $0x30, s9;
	s15 =	simm.s32 $0x400  }
0x19: {  	s18 =	sadd.s32 s6, s16;
	s19 =	sshll.u32 s17, $0x7;
	[smem:$0x7F0] =	sst s15  }
0x1a: {  	s22 =	sshll.u32 s17, $0x8;
	s16 =	simm.s32 $0x240;
	[dreg:$0x16] =	wrdreg s18  }
0x1b: {  	s25 =	sshll.u32 s23, $0x7;
	s17 =	simm.s32 $0x80;
	[smem:$0x7F1] =	sst s16  }
0x1c: {  	s29 =	sshll.u32 s23, $0x8;
	s23 =	simm.s32 $0x300;
	[smem:$0x7F2] =	sst s17  }
0x1d: {  	s20 =	sadd.s32 s0, s19;
	[smem:$0x7F7] =	sst s23  }
0x1e: {  	s21 =	sadd.s32 s7, s19;
	[dreg:$0x17] =	wrdreg s20  }
0x1f: {  	s31 =	simm.s32 $0x1;
	s24 =	sadd.s32 s6, s22;
	[dreg:$0x18] =	wrdreg s21  }
0x20: {  	s2 =	ssub.s32 $0x2, s2;
	s26 =	sadd.s32 s0, s25;
	[dreg:$0x19] =	wrdreg s24  }
0x21: {  	s9 =	sor.u32 $0x38, s9;
	s28 =	sadd.s32 s7, s25;
	[dreg:$0x1a] =	wrdreg s26  }
0x22: {  	s1 =	sshll.u32 s9, $0x7;
	s30 =	sadd.s32 s6, s29;
	[dreg:$0x1b] =	wrdreg s28  }
0x23: {  	s11 =	simm.s32 $0x2600;
	s0 =	sadd.s32 s0, s1;
	[dreg:$0x1c] =	wrdreg s30  }
0x24: {  	s13 =	sshll.u32 s9, $0x8;
	s12 =	sadd.s32 s7, s1;
	[dreg:$0x1d] =	wrdreg s0  }
0x25: {  	s8 =	simm.s32 $0x4;
	s14 =	sadd.s32 s6, s13;
	[dreg:$0x1e] =	wrdreg s12  }
0x26: {  	s3 =	sshrl.u32 s2, $0x1;
	s18 =	simm.s32 $0x280;
	[dreg:$0x1f] =	wrdreg s14  }
0x27: {  	s2 =	ssub.s32 s2, s3;
	s22 =	simm.s32 $0x100;
	[smem:$0x7F3] =	sst s18  }
0x28: {  	s9 =	simm.s32 $0x40;
	s25 =	simm.s32 $0x340;
	[smem:$0x7F6] =	sst s22  }
0x29: {  	s6 =	smax.u32 s2, $0x1;
	s29 =	simm.s32 $0x1C0;
	[smem:$0x7F9] =	sst s25  }
0x2a: {  	s7 =	simm.s32 $0x5;
	s20 =	simm.s32 $0xC0;
	[smem:$0x7FC] =	sst s29  }
0x2b: {  	s19 =	simm.s32 $0x600;
	s21 =	simm.s32 $0x2C0;
	[smem:$0x7F4] =	sst s20  }
0x2c: {  	s2 =	simm.s32 $0x2;
	s24 =	simm.s32 $0x140;
	[smem:$0x7F5] =	sst s21  }
0x2d: {  	s12 =	simm.s32 $0x4600;
	s26 =	simm.s32 $0x180;
	[smem:$0x7F8] =	sst s24  }
0x2e: {  	v2 =	vlaneseq.u32;
	s28 =	simm.s32 $0x380;
	s22 =	simm.s32 $0xC600;
	[smem:$0x7FA] =	sst s26  }
0x2f: {  	vm0 =	vmmov $0xffff;
	v1 =	vshrl.u32 v2, $0x3;
	s30 =	simm.s32 $0x3C0;
	s0 =	simm.s32 $0x3;
	[smem:$0x7FB] =	sst s28  }
0x30: {  	v0 =	vand.u32 $0x7, v2;
	v2 =	vor.u32 $0x8, v2;
	v1 =	vmul.u32 $0x8, v1;
	s20 =	simm.s32 $0x8600;
	s21 =	simm.s32 $0xA600;
	[smem:$0x7FD] =	sst s30  }
.LBB2_1:
0x31: {  	s13 =	rddreg [dreg:$0x5]  }
0x32: {  	[tilespmem:s5], [sflag:$0x5] =	stream.linear.gather [hbm4b:s13+s5], $0x200, $0x38;
	[tilespmem:$0x10600] =	vst v63  }
0x33: {  	_ =	swait.ge [sflag:s7], $0x200  }
0x34: {  	[sflag:s7] =	ssyncset.done $0x0  }
0x35: {  	s15 =	simm.s32 $0x200;
	s26 =	rddreg [dreg:$0x6];
	[sflag:s7] =	ssyncadd.s32 $0xFFFFFE00  }
0x36: {  	[tilespmem:s15], [sflag:$0x5] =	stream.linear.gather [hbm4b:s26+s5], $0x200, $0x38;
	[tilespmem:$0x10600] =	vst v63  }
0x37: {  	_ =	swait.ge [sflag:s7], $0x200  }
0x38: {  	s14 =	sld [smem:$0x7F0]  }
0x39: {  	[sflag:s7] =	ssyncset.done $0x0  }
0x3a: {  	s28 =	rddreg [dreg:$0x7];
	[sflag:s7] =	ssyncadd.s32 $0xFFFFFE00  }
0x3b: {  	[tilespmem:s14], [sflag:$0x5] =	stream.linear.gather [hbm4b:s28+s5], $0x200, $0x38;
	[tilespmem:$0x10600] =	vst v63  }
0x3c: {  	_ =	swait.ge [sflag:s7], $0x200  }
0x3d: {  	[sflag:s7] =	ssyncset.done $0x0  }
0x3e: {  	[sflag:s7] =	ssyncadd.s32 $0xFFFFFE00  }
0x3f: {  	s3 =	rddreg [dreg:$0x1]  }
0x40: {  	[tilespmem:s19], [sflag:$0x1] =	stream.indirect.gather [hbm4b:s3+s9], $0x80, s5, s9, $0xb8;
	[tilespmem:$0x10600] =	vst v63  }
0x41: {  	s1 =	rddreg [dreg:$0x2]  }
0x42: {  	[tilespmem:s11], [sflag:$0x1] =	stream.indirect.gather [hbm4b:s1+s9], $0x80, s15, s9, $0xb8;
	[tilespmem:$0x10600] =	vst v63  }
0x43: {  	v3 =	vld [tilespmem:$0x400];
	_ =	sdelay $0x4  }
0x44: {  	v4 =	vshll.u32 v3, $0x1  }
0x45: {  	v3 =	vand.u32 $0x7, v3;
	v4 =	vand.u32 $0xFFFFFFF0, v4  }
0x46: {  	v3 =	vor.u32 v3, v4  }
0x47: {  	v4 =	vperm.xlane v3, v0;
	_ =	sdelay $0x1  }
0x48: {  	v3 =	vperm.xlane v3, v2;
	v4 =	vadd.s32 v1, v4;
	_ =	sdelay $0x1  }
0x49: {  	v3 =	vadd.s32 v1, v3;
	_ =	sdelay $0x2  }
0x4a: {  	[tilespmem:s12], [sflag:$0x1] =	stream.indirect_vreg.gather [hbm4b:s4+s5], $0x80, v4, vm0, $0xb8;
	[tilespmem:$0x10600] =	vst v63  }
0x4b: {  	s10 =	simm.s32 $0x4E00  }
0x4c: {  	[tilespmem:s10], [sflag:$0x1] =	stream.indirect_vreg.gather [hbm4b:s4+s5], $0x80, v3, vm0, $0xb8;
	[tilespmem:$0x10600] =	vst v63  }
0x4d: {  	v3 =	vld [tilespmem:$0x410];
	_ =	sdelay $0x4  }
0x4e: {  	v33 =	vshll.u32 v3, $0x1  }
0x4f: {  	v3 =	vand.u32 $0x7, v3;
	v4 =	vand.u32 $0xFFFFFFF0, v33  }
0x50: {  	v3 =	vor.u32 v3, v4  }
0x51: {  	v4 =	vperm.xlane v3, v0;
	_ =	sdelay $0x1  }
0x52: {  	v3 =	vperm.xlane v3, v2;
	v4 =	vadd.s32 v1, v4;
	_ =	sdelay $0x1  }
0x53: {  	v3 =	vadd.s32 v1, v3;
	_ =	sdelay $0x1  }
0x54: {  	s29 =	simm.s32 $0x5600  }
0x55: {  	[tilespmem:s29], [sflag:$0x1] =	stream.indirect_vreg.gather [hbm4b:s4+s5], $0x80, v4, vm0, $0xb8;
	[tilespmem:$0x10600] =	vst v63  }
0x56: {  	s30 =	simm.s32 $0x5E00  }
0x57: {  	[tilespmem:s30], [sflag:$0x1] =	stream.indirect_vreg.gather [hbm4b:s4+s5], $0x80, v3, vm0, $0xb8;
	[tilespmem:$0x10600] =	vst v63  }
0x58: {  	v3 =	vld [tilespmem:$0x420];
	_ =	sdelay $0x4  }
0x59: {  	v34 =	vshll.u32 v3, $0x1  }
0x5a: {  	v3 =	vand.u32 $0x7, v3;
	v4 =	vand.u32 $0xFFFFFFF0, v34  }
0x5b: {  	v3 =	vor.u32 v3, v4  }
0x5c: {  	v4 =	vperm.xlane v3, v0;
	_ =	sdelay $0x1  }
0x5d: {  	v3 =	vperm.xlane v3, v2;
	v4 =	vadd.s32 v1, v4;
	_ =	sdelay $0x1  }
0x5e: {  	v3 =	vadd.s32 v1, v3;
	_ =	sdelay $0x1  }
0x5f: {  	s13 =	simm.s32 $0x6600  }
0x60: {  	[tilespmem:s13], [sflag:$0x1] =	stream.indirect_vreg.gather [hbm4b:s4+s5], $0x80, v4, vm0, $0xb8;
	[tilespmem:$0x10600] =	vst v63  }
0x61: {  	s14 =	simm.s32 $0x6E00  }
0x62: {  	[tilespmem:s14], [sflag:$0x1] =	stream.indirect_vreg.gather [hbm4b:s4+s5], $0x80, v3, vm0, $0xb8;
	[tilespmem:$0x10600] =	vst v63  }
0x63: {  	v3 =	vld [tilespmem:$0x430];
	_ =	sdelay $0x4  }
0x64: {  	v35 =	vshll.u32 v3, $0x1  }
0x65: {  	v3 =	vand.u32 $0x7, v3;
	v4 =	vand.u32 $0xFFFFFFF0, v35  }
0x66: {  	v3 =	vor.u32 v3, v4  }
0x67: {  	v4 =	vperm.xlane v3, v0;
	_ =	sdelay $0x1  }
0x68: {  	v3 =	vperm.xlane v3, v2;
	v4 =	vadd.s32 v1, v4;
	_ =	sdelay $0x1  }
0x69: {  	v3 =	vadd.s32 v1, v3;
	_ =	sdelay $0x1  }
0x6a: {  	s15 =	simm.s32 $0x7600  }
0x6b: {  	[tilespmem:s15], [sflag:$0x1] =	stream.indirect_vreg.gather [hbm4b:s4+s5], $0x80, v4, vm0, $0xb8;
	[tilespmem:$0x10600] =	vst v63  }
0x6c: {  	s16 =	simm.s32 $0x7E00  }
0x6d: {  	[tilespmem:s16], [sflag:$0x1] =	stream.indirect_vreg.gather [hbm4b:s4+s5], $0x80, v3, vm0, $0xb8;
	[tilespmem:$0x10600] =	vst v63  }
0x6e: {  	s17 =	sld [smem:$0x7F1]  }
0x6f: {  	[tilespmem:s20], [sflag:$0x2] =	stream.indirect.gather [hbm4b:s3+s9], $0x80, s9, s9, $0xb8;
	[tilespmem:$0x10600] =	vst v63  }
0x70: {  	_ = 	snop  }
0x71: {  	[tilespmem:s21], [sflag:$0x2] =	stream.indirect.gather [hbm4b:s1+s9], $0x80, s17, s9, $0xb8;
	[tilespmem:$0x10600] =	vst v63  }
0x72: {  	v3 =	vld [tilespmem:$0x440];
	_ =	sdelay $0x4  }
0x73: {  	v36 =	vshll.u32 v3, $0x1  }
0x74: {  	v3 =	vand.u32 $0x7, v3;
	v4 =	vand.u32 $0xFFFFFFF0, v36  }
0x75: {  	v3 =	vor.u32 v3, v4  }
0x76: {  	v4 =	vperm.xlane v3, v0;
	_ =	sdelay $0x1  }
0x77: {  	v3 =	vperm.xlane v3, v2;
	v4 =	vadd.s32 v1, v4;
	_ =	sdelay $0x1  }
0x78: {  	v3 =	vadd.s32 v1, v3;
	_ =	sdelay $0x2  }
0x79: {  	[tilespmem:s22], [sflag:$0x2] =	stream.indirect_vreg.gather [hbm4b:s4+s5], $0x80, v4, vm0, $0xb8;
	[tilespmem:$0x10600] =	vst v63  }
0x7a: {  	s18 =	simm.s32 $0xCE00  }
0x7b: {  	[tilespmem:s18], [sflag:$0x2] =	stream.indirect_vreg.gather [hbm4b:s4+s5], $0x80, v3, vm0, $0xb8;
	[tilespmem:$0x10600] =	vst v63  }
0x7c: {  	v3 =	vld [tilespmem:$0x450];
	_ =	sdelay $0x4  }
0x7d: {  	v37 =	vshll.u32 v3, $0x1  }
0x7e: {  	v3 =	vand.u32 $0x7, v3;
	v4 =	vand.u32 $0xFFFFFFF0, v37  }
0x7f: {  	v3 =	vor.u32 v3, v4  }
0x80: {  	v4 =	vperm.xlane v3, v0;
	_ =	sdelay $0x1  }
0x81: {  	v3 =	vperm.xlane v3, v2;
	v4 =	vadd.s32 v1, v4;
	_ =	sdelay $0x1  }
0x82: {  	v3 =	vadd.s32 v1, v3;
	_ =	sdelay $0x1  }
0x83: {  	s23 =	simm.s32 $0xD600  }
0x84: {  	[tilespmem:s23], [sflag:$0x2] =	stream.indirect_vreg.gather [hbm4b:s4+s5], $0x80, v4, vm0, $0xb8;
	[tilespmem:$0x10600] =	vst v63  }
0x85: {  	s24 =	simm.s32 $0xDE00  }
0x86: {  	[tilespmem:s24], [sflag:$0x2] =	stream.indirect_vreg.gather [hbm4b:s4+s5], $0x80, v3, vm0, $0xb8;
	[tilespmem:$0x10600] =	vst v63  }
0x87: {  	v3 =	vld [tilespmem:$0x460];
	_ =	sdelay $0x4  }
0x88: {  	v38 =	vshll.u32 v3, $0x1  }
0x89: {  	v3 =	vand.u32 $0x7, v3;
	v4 =	vand.u32 $0xFFFFFFF0, v38  }
0x8a: {  	v3 =	vor.u32 v3, v4  }
0x8b: {  	v4 =	vperm.xlane v3, v0;
	_ =	sdelay $0x1  }
0x8c: {  	v3 =	vperm.xlane v3, v2;
	v4 =	vadd.s32 v1, v4;
	_ =	sdelay $0x1  }
0x8d: {  	v3 =	vadd.s32 v1, v3;
	_ =	sdelay $0x1  }
0x8e: {  	s28 =	simm.s32 $0xE600  }
0x8f: {  	[tilespmem:s28], [sflag:$0x2] =	stream.indirect_vreg.gather [hbm4b:s4+s5], $0x80, v4, vm0, $0xb8;
	[tilespmem:$0x10600] =	vst v63  }
0x90: {  	s14 =	simm.s32 $0xEE00  }
0x91: {  	[tilespmem:s14], [sflag:$0x2] =	stream.indirect_vreg.gather [hbm4b:s4+s5], $0x80, v3, vm0, $0xb8;
	[tilespmem:$0x10600] =	vst v63  }
0x92: {  	v3 =	vld [tilespmem:$0x470];
	_ =	sdelay $0x4  }
0x93: {  	v39 =	vshll.u32 v3, $0x1  }
0x94: {  	v3 =	vand.u32 $0x7, v3;
	v4 =	vand.u32 $0xFFFFFFF0, v39  }
0x95: {  	v3 =	vor.u32 v3, v4  }
0x96: {  	v4 =	vperm.xlane v3, v0;
	_ =	sdelay $0x1  }
0x97: {  	v3 =	vperm.xlane v3, v2;
	v4 =	vadd.s32 v1, v4;
	_ =	sdelay $0x1  }
0x98: {  	v3 =	vadd.s32 v1, v3;
	_ =	sdelay $0x1  }
0x99: {  	s15 =	simm.s32 $0xF600  }
0x9a: {  	[tilespmem:s15], [sflag:$0x2] =	stream.indirect_vreg.gather [hbm4b:s4+s5], $0x80, v4, vm0, $0xb8;
	[tilespmem:$0x10600] =	vst v63  }
0x9b: {  	s23 =	simm.s32 $0xFE00  }
0x9c: {  	[tilespmem:s23], [sflag:$0x2] =	stream.indirect_vreg.gather [hbm4b:s4+s5], $0x80, v3, vm0, $0xb8;
	[tilespmem:$0x10600] =	vst v63  }
0x9d: {  	_ =	swait.ge [sflag:s31], $0x2000  }
0x9e: {  	[sflag:s31] =	ssyncset.done $0x0  }
0x9f: {  	[sflag:s31] =	ssyncadd.s32 $0xFFFFE000  }
0xa0: {  	_ =	swait.ge [sflag:s31], $0x2000  }
0xa1: {  	[sflag:s31] =	ssyncset.done $0x0  }
0xa2: {  	[sflag:s31] =	ssyncadd.s32 $0xFFFFE000  }
0xa3: {  	_ =	swait.ge [sflag:s31], $0x4000  }
0xa4: {  	[sflag:s31] =	ssyncset.done $0x0  }
0xa5: {  	s24 =	rddreg [dreg:$0x8];
	[sflag:s31] =	ssyncadd.s32 $0xFFFFC000  }
0xa6: {  	[hbm4b:s24+s5] =	stream.linear.scatter [tilespmem:s19], [sflag:$0x3], $0x2000, $0x38;
	[tilespmem:$0x10600] =	vst v63  }
0xa7: {  	s28 =	rddreg [dreg:$0x9]  }
0xa8: {  	[hbm4b:s28+s5] =	stream.linear.scatter [tilespmem:s11], [sflag:$0x3], $0x2000, $0x38;
	[tilespmem:$0x10600] =	vst v63  }
0xa9: {  	s23 =	rddreg [dreg:$0xa]  }
0xaa: {  	[hbm4b:s23+s5] =	stream.linear.scatter [tilespmem:s12], [sflag:$0x3], $0x4000, $0x38;
	[tilespmem:$0x10600] =	vst v63  }
0xab: {  	_ =	swait.ge [sflag:s0], $0x2000  }
0xac: {  	[sflag:s0] =	ssyncset.done $0x0  }
0xad: {  	[sflag:s0] =	ssyncadd.s32 $0xFFFFE000  }
0xae: {  	_ =	swait.ge [sflag:s0], $0x2000  }
0xaf: {  	[sflag:s0] =	ssyncset.done $0x0  }
0xb0: {  	[sflag:s0] =	ssyncadd.s32 $0xFFFFE000  }
0xb1: {  	_ =	swait.ge [sflag:s0], $0x4000  }
0xb2: {  	s24 =	sld [smem:$0x7F2]  }
0xb3: {  	[sflag:s0] =	ssyncset.done $0x0  }
0xb4: {  	s28 =	sld [smem:$0x7F3];
	[sflag:s0] =	ssyncadd.s32 $0xFFFFC000  }
0xb5: {  	[tilespmem:s19], [sflag:$0x1] =	stream.indirect.gather [hbm4b:s3+s9], $0x80, s24, s9, $0xb8;
	[tilespmem:$0x10600] =	vst v63  }
0xb6: {  	_ = 	snop  }
0xb7: {  	[tilespmem:s11], [sflag:$0x1] =	stream.indirect.gather [hbm4b:s1+s9], $0x80, s28, s9, $0xb8;
	[tilespmem:$0x10600] =	vst v63  }
0xb8: {  	v3 =	vld [tilespmem:$0x480];
	_ =	sdelay $0x4  }
0xb9: {  	v40 =	vshll.u32 v3, $0x1  }
0xba: {  	v3 =	vand.u32 $0x7, v3;
	v4 =	vand.u32 $0xFFFFFFF0, v40  }
0xbb: {  	v3 =	vor.u32 v3, v4  }
0xbc: {  	v4 =	vperm.xlane v3, v0;
	_ =	sdelay $0x1  }
0xbd: {  	v3 =	vperm.xlane v3, v2;
	v4 =	vadd.s32 v1, v4;
	_ =	sdelay $0x1  }
0xbe: {  	v3 =	vadd.s32 v1, v3;
	_ =	sdelay $0x2  }
0xbf: {  	[tilespmem:s12], [sflag:$0x1] =	stream.indirect_vreg.gather [hbm4b:s4+s5], $0x80, v4, vm0, $0xb8;
	[tilespmem:$0x10600] =	vst v63  }
0xc0: {  	s28 =	simm.s32 $0x4E00  }
0xc1: {  	[tilespmem:s28], [sflag:$0x1] =	stream.indirect_vreg.gather [hbm4b:s4+s5], $0x80, v3, vm0, $0xb8;
	[tilespmem:$0x10600] =	vst v63  }
0xc2: {  	v3 =	vld [tilespmem:$0x490];
	_ =	sdelay $0x4  }
0xc3: {  	v41 =	vshll.u32 v3, $0x1  }
0xc4: {  	v3 =	vand.u32 $0x7, v3;
	v4 =	vand.u32 $0xFFFFFFF0, v41  }
0xc5: {  	v3 =	vor.u32 v3, v4  }
0xc6: {  	v4 =	vperm.xlane v3, v0;
	_ =	sdelay $0x1  }
0xc7: {  	v3 =	vperm.xlane v3, v2;
	v4 =	vadd.s32 v1, v4;
	_ =	sdelay $0x1  }
0xc8: {  	v3 =	vadd.s32 v1, v3;
	_ =	sdelay $0x1  }
0xc9: {  	s26 =	simm.s32 $0x5600  }
0xca: {  	[tilespmem:s26], [sflag:$0x1] =	stream.indirect_vreg.gather [hbm4b:s4+s5], $0x80, v4, vm0, $0xb8;
	[tilespmem:$0x10600] =	vst v63  }
0xcb: {  	s26 =	simm.s32 $0x5E00  }
0xcc: {  	[tilespmem:s26], [sflag:$0x1] =	stream.indirect_vreg.gather [hbm4b:s4+s5], $0x80, v3, vm0, $0xb8;
	[tilespmem:$0x10600] =	vst v63  }
0xcd: {  	v3 =	vld [tilespmem:$0x4A0];
	_ =	sdelay $0x4  }
0xce: {  	v42 =	vshll.u32 v3, $0x1  }
0xcf: {  	v3 =	vand.u32 $0x7, v3;
	v4 =	vand.u32 $0xFFFFFFF0, v42  }
0xd0: {  	v3 =	vor.u32 v3, v4  }
0xd1: {  	v4 =	vperm.xlane v3, v0;
	_ =	sdelay $0x1  }
0xd2: {  	v3 =	vperm.xlane v3, v2;
	v4 =	vadd.s32 v1, v4;
	_ =	sdelay $0x1  }
0xd3: {  	v3 =	vadd.s32 v1, v3;
	_ =	sdelay $0x1  }
0xd4: {  	s29 =	simm.s32 $0x6600  }
0xd5: {  	[tilespmem:s29], [sflag:$0x1] =	stream.indirect_vreg.gather [hbm4b:s4+s5], $0x80, v4, vm0, $0xb8;
	[tilespmem:$0x10600] =	vst v63  }
0xd6: {  	s30 =	simm.s32 $0x6E00  }
0xd7: {  	[tilespmem:s30], [sflag:$0x1] =	stream.indirect_vreg.gather [hbm4b:s4+s5], $0x80, v3, vm0, $0xb8;
	[tilespmem:$0x10600] =	vst v63  }
0xd8: {  	v3 =	vld [tilespmem:$0x4B0];
	_ =	sdelay $0x4  }
0xd9: {  	v43 =	vshll.u32 v3, $0x1  }
0xda: {  	v3 =	vand.u32 $0x7, v3;
	v4 =	vand.u32 $0xFFFFFFF0, v43  }
0xdb: {  	v3 =	vor.u32 v3, v4  }
0xdc: {  	v4 =	vperm.xlane v3, v0;
	_ =	sdelay $0x1  }
0xdd: {  	v3 =	vperm.xlane v3, v2;
	v4 =	vadd.s32 v1, v4;
	_ =	sdelay $0x1  }
0xde: {  	v3 =	vadd.s32 v1, v3;
	_ =	sdelay $0x1  }
0xdf: {  	s10 =	simm.s32 $0x7600  }
0xe0: {  	[tilespmem:s10], [sflag:$0x1] =	stream.indirect_vreg.gather [hbm4b:s4+s5], $0x80, v4, vm0, $0xb8;
	[tilespmem:$0x10600] =	vst v63  }
0xe1: {  	s25 =	simm.s32 $0x7E00  }
0xe2: {  	[tilespmem:s25], [sflag:$0x1] =	stream.indirect_vreg.gather [hbm4b:s4+s5], $0x80, v3, vm0, $0xb8;
	[tilespmem:$0x10600] =	vst v63  }
0xe3: {  	_ =	swait.ge [sflag:s2], $0x2000  }
0xe4: {  	[sflag:s2] =	ssyncset.done $0x0  }
0xe5: {  	[sflag:s2] =	ssyncadd.s32 $0xFFFFE000  }
0xe6: {  	_ =	swait.ge [sflag:s2], $0x2000  }
0xe7: {  	[sflag:s2] =	ssyncset.done $0x0  }
0xe8: {  	[sflag:s2] =	ssyncadd.s32 $0xFFFFE000  }
0xe9: {  	_ =	swait.ge [sflag:s2], $0x4000  }
0xea: {  	[sflag:s2] =	ssyncset.done $0x0  }
0xeb: {  	s14 =	rddreg [dreg:$0xb];
	[sflag:s2] =	ssyncadd.s32 $0xFFFFC000  }
0xec: {  	[hbm4b:s14+s5] =	stream.linear.scatter [tilespmem:s20], [sflag:$0x4], $0x2000, $0x38;
	[tilespmem:$0x10600] =	vst v63  }
0xed: {  	s25 =	rddreg [dreg:$0xc]  }
0xee: {  	[hbm4b:s25+s5] =	stream.linear.scatter [tilespmem:s21], [sflag:$0x4], $0x2000, $0x38;
	[tilespmem:$0x10600] =	vst v63  }
0xef: {  	s29 =	rddreg [dreg:$0xd]  }
0xf0: {  	[hbm4b:s29+s5] =	stream.linear.scatter [tilespmem:s22], [sflag:$0x4], $0x4000, $0x38;
	[tilespmem:$0x10600] =	vst v63  }
0xf1: {  	_ =	swait.ge [sflag:s8], $0x2000  }
0xf2: {  	[sflag:s8] =	ssyncset.done $0x0  }
0xf3: {  	[sflag:s8] =	ssyncadd.s32 $0xFFFFE000  }
0xf4: {  	_ =	swait.ge [sflag:s8], $0x2000  }
0xf5: {  	[sflag:s8] =	ssyncset.done $0x0  }
0xf6: {  	[sflag:s8] =	ssyncadd.s32 $0xFFFFE000  }
0xf7: {  	_ =	swait.ge [sflag:s8], $0x4000  }
0xf8: {  	s30 =	sld [smem:$0x7F4]  }
0xf9: {  	[sflag:s8] =	ssyncset.done $0x0  }
0xfa: {  	s10 =	sld [smem:$0x7F5];
	[sflag:s8] =	ssyncadd.s32 $0xFFFFC000  }
0xfb: {  	[tilespmem:s20], [sflag:$0x2] =	stream.indirect.gather [hbm4b:s3+s9], $0x80, s30, s9, $0xb8;
	[tilespmem:$0x10600] =	vst v63  }
0xfc: {  	_ = 	snop  }
0xfd: {  	[tilespmem:s21], [sflag:$0x2] =	stream.indirect.gather [hbm4b:s1+s9], $0x80, s10, s9, $0xb8;
	[tilespmem:$0x10600] =	vst v63  }
0xfe: {  	v3 =	vld [tilespmem:$0x4C0];
	_ =	sdelay $0x4  }
0xff: {  	v44 =	vshll.u32 v3, $0x1  }
0x100: {  	v3 =	vand.u32 $0x7, v3;
	v4 =	vand.u32 $0xFFFFFFF0, v44  }
0x101: {  	v3 =	vor.u32 v3, v4  }
0x102: {  	v4 =	vperm.xlane v3, v0;
	_ =	sdelay $0x1  }
0x103: {  	v3 =	vperm.xlane v3, v2;
	v4 =	vadd.s32 v1, v4;
	_ =	sdelay $0x1  }
0x104: {  	v3 =	vadd.s32 v1, v3;
	_ =	sdelay $0x2  }
0x105: {  	[tilespmem:s22], [sflag:$0x2] =	stream.indirect_vreg.gather [hbm4b:s4+s5], $0x80, v4, vm0, $0xb8;
	[tilespmem:$0x10600] =	vst v63  }
0x106: {  	s16 =	simm.s32 $0xCE00  }
0x107: {  	[tilespmem:s16], [sflag:$0x2] =	stream.indirect_vreg.gather [hbm4b:s4+s5], $0x80, v3, vm0, $0xb8;
	[tilespmem:$0x10600] =	vst v63  }
0x108: {  	v3 =	vld [tilespmem:$0x4D0];
	_ =	sdelay $0x4  }
0x109: {  	v45 =	vshll.u32 v3, $0x1  }
0x10a: {  	v3 =	vand.u32 $0x7, v3;
	v4 =	vand.u32 $0xFFFFFFF0, v45  }
0x10b: {  	v3 =	vor.u32 v3, v4  }
0x10c: {  	v4 =	vperm.xlane v3, v0;
	_ =	sdelay $0x1  }
0x10d: {  	v3 =	vperm.xlane v3, v2;
	v4 =	vadd.s32 v1, v4;
	_ =	sdelay $0x1  }
0x10e: {  	v3 =	vadd.s32 v1, v3;
	_ =	sdelay $0x1  }
0x10f: {  	s16 =	simm.s32 $0xD600  }
0x110: {  	[tilespmem:s16], [sflag:$0x2] =	stream.indirect_vreg.gather [hbm4b:s4+s5], $0x80, v4, vm0, $0xb8;
	[tilespmem:$0x10600] =	vst v63  }
0x111: {  	s17 =	simm.s32 $0xDE00  }
0x112: {  	[tilespmem:s17], [sflag:$0x2] =	stream.indirect_vreg.gather [hbm4b:s4+s5], $0x80, v3, vm0, $0xb8;
	[tilespmem:$0x10600] =	vst v63  }
0x113: {  	v3 =	vld [tilespmem:$0x4E0];
	_ =	sdelay $0x4  }
0x114: {  	v46 =	vshll.u32 v3, $0x1  }
0x115: {  	v3 =	vand.u32 $0x7, v3;
	v4 =	vand.u32 $0xFFFFFFF0, v46  }
0x116: {  	v3 =	vor.u32 v3, v4  }
0x117: {  	v4 =	vperm.xlane v3, v0;
	_ =	sdelay $0x1  }
0x118: {  	v3 =	vperm.xlane v3, v2;
	v4 =	vadd.s32 v1, v4;
	_ =	sdelay $0x1  }
0x119: {  	v3 =	vadd.s32 v1, v3;
	_ =	sdelay $0x1  }
0x11a: {  	s17 =	simm.s32 $0xE600  }
0x11b: {  	[tilespmem:s17], [sflag:$0x2] =	stream.indirect_vreg.gather [hbm4b:s4+s5], $0x80, v4, vm0, $0xb8;
	[tilespmem:$0x10600] =	vst v63  }
0x11c: {  	s18 =	simm.s32 $0xEE00  }
0x11d: {  	[tilespmem:s18], [sflag:$0x2] =	stream.indirect_vreg.gather [hbm4b:s4+s5], $0x80, v3, vm0, $0xb8;
	[tilespmem:$0x10600] =	vst v63  }
0x11e: {  	v3 =	vld [tilespmem:$0x4F0];
	_ =	sdelay $0x4  }
0x11f: {  	v47 =	vshll.u32 v3, $0x1  }
0x120: {  	v3 =	vand.u32 $0x7, v3;
	v4 =	vand.u32 $0xFFFFFFF0, v47  }
0x121: {  	v3 =	vor.u32 v3, v4  }
0x122: {  	v4 =	vperm.xlane v3, v0;
	_ =	sdelay $0x1  }
0x123: {  	v3 =	vperm.xlane v3, v2;
	v4 =	vadd.s32 v1, v4;
	_ =	sdelay $0x1  }
0x124: {  	v3 =	vadd.s32 v1, v3;
	_ =	sdelay $0x1  }
0x125: {  	s29 =	simm.s32 $0xF600  }
0x126: {  	[tilespmem:s29], [sflag:$0x2] =	stream.indirect_vreg.gather [hbm4b:s4+s5], $0x80, v4, vm0, $0xb8;
	[tilespmem:$0x10600] =	vst v63  }
0x127: {  	s15 =	simm.s32 $0xFE00  }
0x128: {  	[tilespmem:s15], [sflag:$0x2] =	stream.indirect_vreg.gather [hbm4b:s4+s5], $0x80, v3, vm0, $0xb8;
	[tilespmem:$0x10600] =	vst v63  }
0x129: {  	_ =	swait.ge [sflag:s31], $0x2000  }
0x12a: {  	[sflag:s31] =	ssyncset.done $0x0  }
0x12b: {  	[sflag:s31] =	ssyncadd.s32 $0xFFFFE000  }
0x12c: {  	_ =	swait.ge [sflag:s31], $0x2000  }
0x12d: {  	[sflag:s31] =	ssyncset.done $0x0  }
0x12e: {  	[sflag:s31] =	ssyncadd.s32 $0xFFFFE000  }
0x12f: {  	_ =	swait.ge [sflag:s31], $0x4000  }
0x130: {  	[sflag:s31] =	ssyncset.done $0x0  }
0x131: {  	s14 =	rddreg [dreg:$0xe];
	[sflag:s31] =	ssyncadd.s32 $0xFFFFC000  }
0x132: {  	[hbm4b:s14+s5] =	stream.linear.scatter [tilespmem:s19], [sflag:$0x3], $0x2000, $0x38;
	[tilespmem:$0x10600] =	vst v63  }
0x133: {  	s15 =	rddreg [dreg:$0xf]  }
0x134: {  	[hbm4b:s15+s5] =	stream.linear.scatter [tilespmem:s11], [sflag:$0x3], $0x2000, $0x38;
	[tilespmem:$0x10600] =	vst v63  }
0x135: {  	s18 =	rddreg [dreg:$0x10]  }
0x136: {  	[hbm4b:s18+s5] =	stream.linear.scatter [tilespmem:s12], [sflag:$0x3], $0x4000, $0x38;
	[tilespmem:$0x10600] =	vst v63  }
0x137: {  	_ =	swait.ge [sflag:s0], $0x2000  }
0x138: {  	[sflag:s0] =	ssyncset.done $0x0  }
0x139: {  	[sflag:s0] =	ssyncadd.s32 $0xFFFFE000  }
0x13a: {  	_ =	swait.ge [sflag:s0], $0x2000  }
0x13b: {  	[sflag:s0] =	ssyncset.done $0x0  }
0x13c: {  	[sflag:s0] =	ssyncadd.s32 $0xFFFFE000  }
0x13d: {  	_ =	swait.ge [sflag:s0], $0x4000  }
0x13e: {  	s15 =	sld [smem:$0x7F6]  }
0x13f: {  	[sflag:s0] =	ssyncset.done $0x0  }
0x140: {  	s18 =	sld [smem:$0x7F7];
	[sflag:s0] =	ssyncadd.s32 $0xFFFFC000  }
0x141: {  	[tilespmem:s19], [sflag:$0x1] =	stream.indirect.gather [hbm4b:s3+s9], $0x80, s15, s9, $0xb8;
	[tilespmem:$0x10600] =	vst v63  }
0x142: {  	_ = 	snop  }
0x143: {  	[tilespmem:s11], [sflag:$0x1] =	stream.indirect.gather [hbm4b:s1+s9], $0x80, s18, s9, $0xb8;
	[tilespmem:$0x10600] =	vst v63  }
0x144: {  	v3 =	vld [tilespmem:$0x500];
	_ =	sdelay $0x4  }
0x145: {  	v48 =	vshll.u32 v3, $0x1  }
0x146: {  	v3 =	vand.u32 $0x7, v3;
	v4 =	vand.u32 $0xFFFFFFF0, v48  }
0x147: {  	v3 =	vor.u32 v3, v4  }
0x148: {  	v4 =	vperm.xlane v3, v0;
	_ =	sdelay $0x1  }
0x149: {  	v3 =	vperm.xlane v3, v2;
	v4 =	vadd.s32 v1, v4;
	_ =	sdelay $0x1  }
0x14a: {  	v3 =	vadd.s32 v1, v3;
	_ =	sdelay $0x2  }
0x14b: {  	[tilespmem:s12], [sflag:$0x1] =	stream.indirect_vreg.gather [hbm4b:s4+s5], $0x80, v4, vm0, $0xb8;
	[tilespmem:$0x10600] =	vst v63  }
0x14c: {  	_ = 	snop  }
0x14d: {  	[tilespmem:s28], [sflag:$0x1] =	stream.indirect_vreg.gather [hbm4b:s4+s5], $0x80, v3, vm0, $0xb8;
	[tilespmem:$0x10600] =	vst v63  }
0x14e: {  	v3 =	vld [tilespmem:$0x510];
	_ =	sdelay $0x4  }
0x14f: {  	v49 =	vshll.u32 v3, $0x1  }
0x150: {  	v3 =	vand.u32 $0x7, v3;
	v4 =	vand.u32 $0xFFFFFFF0, v49  }
0x151: {  	v3 =	vor.u32 v3, v4  }
0x152: {  	v4 =	vperm.xlane v3, v0;
	_ =	sdelay $0x1  }
0x153: {  	v3 =	vperm.xlane v3, v2;
	v4 =	vadd.s32 v1, v4;
	_ =	sdelay $0x1  }
0x154: {  	v3 =	vadd.s32 v1, v3;
	_ =	sdelay $0x1  }
0x155: {  	s23 =	simm.s32 $0x5600  }
0x156: {  	[tilespmem:s23], [sflag:$0x1] =	stream.indirect_vreg.gather [hbm4b:s4+s5], $0x80, v4, vm0, $0xb8;
	[tilespmem:$0x10600] =	vst v63  }
0x157: {  	_ = 	snop  }
0x158: {  	[tilespmem:s26], [sflag:$0x1] =	stream.indirect_vreg.gather [hbm4b:s4+s5], $0x80, v3, vm0, $0xb8;
	[tilespmem:$0x10600] =	vst v63  }
0x159: {  	v3 =	vld [tilespmem:$0x520];
	_ =	sdelay $0x4  }
0x15a: {  	v50 =	vshll.u32 v3, $0x1  }
0x15b: {  	v3 =	vand.u32 $0x7, v3;
	v4 =	vand.u32 $0xFFFFFFF0, v50  }
0x15c: {  	v3 =	vor.u32 v3, v4  }
0x15d: {  	v4 =	vperm.xlane v3, v0;
	_ =	sdelay $0x1  }
0x15e: {  	v3 =	vperm.xlane v3, v2;
	v4 =	vadd.s32 v1, v4;
	_ =	sdelay $0x1  }
0x15f: {  	v3 =	vadd.s32 v1, v3;
	_ =	sdelay $0x1  }
0x160: {  	s26 =	simm.s32 $0x6600  }
0x161: {  	[tilespmem:s26], [sflag:$0x1] =	stream.indirect_vreg.gather [hbm4b:s4+s5], $0x80, v4, vm0, $0xb8;
	[tilespmem:$0x10600] =	vst v63  }
0x162: {  	s28 =	simm.s32 $0x6E00  }
0x163: {  	[tilespmem:s28], [sflag:$0x1] =	stream.indirect_vreg.gather [hbm4b:s4+s5], $0x80, v3, vm0, $0xb8;
	[tilespmem:$0x10600] =	vst v63  }
0x164: {  	v3 =	vld [tilespmem:$0x530];
	_ =	sdelay $0x4  }
0x165: {  	v51 =	vshll.u32 v3, $0x1  }
0x166: {  	v3 =	vand.u32 $0x7, v3;
	v4 =	vand.u32 $0xFFFFFFF0, v51  }
0x167: {  	v3 =	vor.u32 v3, v4  }
0x168: {  	v4 =	vperm.xlane v3, v0;
	_ =	sdelay $0x1  }
0x169: {  	v3 =	vperm.xlane v3, v2;
	v4 =	vadd.s32 v1, v4;
	_ =	sdelay $0x1  }
0x16a: {  	v3 =	vadd.s32 v1, v3;
	_ =	sdelay $0x1  }
0x16b: {  	s24 =	simm.s32 $0x7600  }
0x16c: {  	[tilespmem:s24], [sflag:$0x1] =	stream.indirect_vreg.gather [hbm4b:s4+s5], $0x80, v4, vm0, $0xb8;
	[tilespmem:$0x10600] =	vst v63  }
0x16d: {  	s14 =	simm.s32 $0x7E00  }
0x16e: {  	[tilespmem:s14], [sflag:$0x1] =	stream.indirect_vreg.gather [hbm4b:s4+s5], $0x80, v3, vm0, $0xb8;
	[tilespmem:$0x10600] =	vst v63  }
0x16f: {  	_ =	swait.ge [sflag:s2], $0x2000  }
0x170: {  	[sflag:s2] =	ssyncset.done $0x0  }
0x171: {  	[sflag:s2] =	ssyncadd.s32 $0xFFFFE000  }
0x172: {  	_ =	swait.ge [sflag:s2], $0x2000  }
0x173: {  	[sflag:s2] =	ssyncset.done $0x0  }
0x174: {  	[sflag:s2] =	ssyncadd.s32 $0xFFFFE000  }
0x175: {  	_ =	swait.ge [sflag:s2], $0x4000  }
0x176: {  	[sflag:s2] =	ssyncset.done $0x0  }
0x177: {  	s15 =	rddreg [dreg:$0x11];
	[sflag:s2] =	ssyncadd.s32 $0xFFFFC000  }
0x178: {  	[hbm4b:s15+s5] =	stream.linear.scatter [tilespmem:s20], [sflag:$0x4], $0x2000, $0x38;
	[tilespmem:$0x10600] =	vst v63  }
0x179: {  	s24 =	rddreg [dreg:$0x12]  }
0x17a: {  	[hbm4b:s24+s5] =	stream.linear.scatter [tilespmem:s21], [sflag:$0x4], $0x2000, $0x38;
	[tilespmem:$0x10600] =	vst v63  }
0x17b: {  	s26 =	rddreg [dreg:$0x13]  }
0x17c: {  	[hbm4b:s26+s5] =	stream.linear.scatter [tilespmem:s22], [sflag:$0x4], $0x4000, $0x38;
	[tilespmem:$0x10600] =	vst v63  }
0x17d: {  	_ =	swait.ge [sflag:s8], $0x2000  }
0x17e: {  	[sflag:s8] =	ssyncset.done $0x0  }
0x17f: {  	[sflag:s8] =	ssyncadd.s32 $0xFFFFE000  }
0x180: {  	_ =	swait.ge [sflag:s8], $0x2000  }
0x181: {  	[sflag:s8] =	ssyncset.done $0x0  }
0x182: {  	[sflag:s8] =	ssyncadd.s32 $0xFFFFE000  }
0x183: {  	_ =	swait.ge [sflag:s8], $0x4000  }
0x184: {  	s14 =	sld [smem:$0x7F8]  }
0x185: {  	[sflag:s8] =	ssyncset.done $0x0  }
0x186: {  	s15 =	sld [smem:$0x7F9];
	[sflag:s8] =	ssyncadd.s32 $0xFFFFC000  }
0x187: {  	[tilespmem:s20], [sflag:$0x2] =	stream.indirect.gather [hbm4b:s3+s9], $0x80, s14, s9, $0xb8;
	[tilespmem:$0x10600] =	vst v63  }
0x188: {  	_ = 	snop  }
0x189: {  	[tilespmem:s21], [sflag:$0x2] =	stream.indirect.gather [hbm4b:s1+s9], $0x80, s15, s9, $0xb8;
	[tilespmem:$0x10600] =	vst v63  }
0x18a: {  	v3 =	vld [tilespmem:$0x540];
	_ =	sdelay $0x4  }
0x18b: {  	v52 =	vshll.u32 v3, $0x1  }
0x18c: {  	v3 =	vand.u32 $0x7, v3;
	v4 =	vand.u32 $0xFFFFFFF0, v52  }
0x18d: {  	v3 =	vor.u32 v3, v4  }
0x18e: {  	v4 =	vperm.xlane v3, v0;
	_ =	sdelay $0x1  }
0x18f: {  	v3 =	vperm.xlane v3, v2;
	v4 =	vadd.s32 v1, v4;
	_ =	sdelay $0x1  }
0x190: {  	v3 =	vadd.s32 v1, v3;
	_ =	sdelay $0x2  }
0x191: {  	[tilespmem:s22], [sflag:$0x2] =	stream.indirect_vreg.gather [hbm4b:s4+s5], $0x80, v4, vm0, $0xb8;
	[tilespmem:$0x10600] =	vst v63  }
0x192: {  	s10 =	simm.s32 $0xCE00  }
0x193: {  	[tilespmem:s10], [sflag:$0x2] =	stream.indirect_vreg.gather [hbm4b:s4+s5], $0x80, v3, vm0, $0xb8;
	[tilespmem:$0x10600] =	vst v63  }
0x194: {  	v3 =	vld [tilespmem:$0x550];
	_ =	sdelay $0x4  }
0x195: {  	v53 =	vshll.u32 v3, $0x1  }
0x196: {  	v3 =	vand.u32 $0x7, v3;
	v4 =	vand.u32 $0xFFFFFFF0, v53  }
0x197: {  	v3 =	vor.u32 v3, v4  }
0x198: {  	v4 =	vperm.xlane v3, v0;
	_ =	sdelay $0x1  }
0x199: {  	v3 =	vperm.xlane v3, v2;
	v4 =	vadd.s32 v1, v4;
	_ =	sdelay $0x1  }
0x19a: {  	v3 =	vadd.s32 v1, v3;
	_ =	sdelay $0x1  }
0x19b: {  	s24 =	simm.s32 $0xD600  }
0x19c: {  	[tilespmem:s24], [sflag:$0x2] =	stream.indirect_vreg.gather [hbm4b:s4+s5], $0x80, v4, vm0, $0xb8;
	[tilespmem:$0x10600] =	vst v63  }
0x19d: {  	s25 =	simm.s32 $0xDE00  }
0x19e: {  	[tilespmem:s25], [sflag:$0x2] =	stream.indirect_vreg.gather [hbm4b:s4+s5], $0x80, v3, vm0, $0xb8;
	[tilespmem:$0x10600] =	vst v63  }
0x19f: {  	v3 =	vld [tilespmem:$0x560];
	_ =	sdelay $0x4  }
0x1a0: {  	v54 =	vshll.u32 v3, $0x1  }
0x1a1: {  	v3 =	vand.u32 $0x7, v3;
	v4 =	vand.u32 $0xFFFFFFF0, v54  }
0x1a2: {  	v3 =	vor.u32 v3, v4  }
0x1a3: {  	v4 =	vperm.xlane v3, v0;
	_ =	sdelay $0x1  }
0x1a4: {  	v3 =	vperm.xlane v3, v2;
	v4 =	vadd.s32 v1, v4;
	_ =	sdelay $0x1  }
0x1a5: {  	v3 =	vadd.s32 v1, v3;
	_ =	sdelay $0x1  }
0x1a6: {  	s17 =	simm.s32 $0xE600  }
0x1a7: {  	[tilespmem:s17], [sflag:$0x2] =	stream.indirect_vreg.gather [hbm4b:s4+s5], $0x80, v4, vm0, $0xb8;
	[tilespmem:$0x10600] =	vst v63  }
0x1a8: {  	s30 =	simm.s32 $0xEE00  }
0x1a9: {  	[tilespmem:s30], [sflag:$0x2] =	stream.indirect_vreg.gather [hbm4b:s4+s5], $0x80, v3, vm0, $0xb8;
	[tilespmem:$0x10600] =	vst v63  }
0x1aa: {  	v3 =	vld [tilespmem:$0x570];
	_ =	sdelay $0x4  }
0x1ab: {  	v55 =	vshll.u32 v3, $0x1  }
0x1ac: {  	v3 =	vand.u32 $0x7, v3;
	v4 =	vand.u32 $0xFFFFFFF0, v55  }
0x1ad: {  	v3 =	vor.u32 v3, v4  }
0x1ae: {  	v4 =	vperm.xlane v3, v0;
	_ =	sdelay $0x1  }
0x1af: {  	v3 =	vperm.xlane v3, v2;
	v4 =	vadd.s32 v1, v4;
	_ =	sdelay $0x1  }
0x1b0: {  	v3 =	vadd.s32 v1, v3;
	_ =	sdelay $0x1  }
0x1b1: {  	s16 =	simm.s32 $0xF600  }
0x1b2: {  	[tilespmem:s16], [sflag:$0x2] =	stream.indirect_vreg.gather [hbm4b:s4+s5], $0x80, v4, vm0, $0xb8;
	[tilespmem:$0x10600] =	vst v63  }
0x1b3: {  	s29 =	simm.s32 $0xFE00  }
0x1b4: {  	[tilespmem:s29], [sflag:$0x2] =	stream.indirect_vreg.gather [hbm4b:s4+s5], $0x80, v3, vm0, $0xb8;
	[tilespmem:$0x10600] =	vst v63  }
0x1b5: {  	_ =	swait.ge [sflag:s31], $0x2000  }
0x1b6: {  	[sflag:s31] =	ssyncset.done $0x0  }
0x1b7: {  	[sflag:s31] =	ssyncadd.s32 $0xFFFFE000  }
0x1b8: {  	_ =	swait.ge [sflag:s31], $0x2000  }
0x1b9: {  	[sflag:s31] =	ssyncset.done $0x0  }
0x1ba: {  	[sflag:s31] =	ssyncadd.s32 $0xFFFFE000  }
0x1bb: {  	_ =	swait.ge [sflag:s31], $0x4000  }
0x1bc: {  	[sflag:s31] =	ssyncset.done $0x0  }
0x1bd: {  	s29 =	rddreg [dreg:$0x14];
	[sflag:s31] =	ssyncadd.s32 $0xFFFFC000  }
0x1be: {  	[hbm4b:s29+s5] =	stream.linear.scatter [tilespmem:s19], [sflag:$0x3], $0x2000, $0x38;
	[tilespmem:$0x10600] =	vst v63  }
0x1bf: {  	s30 =	rddreg [dreg:$0x15]  }
0x1c0: {  	[hbm4b:s30+s5] =	stream.linear.scatter [tilespmem:s11], [sflag:$0x3], $0x2000, $0x38;
	[tilespmem:$0x10600] =	vst v63  }
0x1c1: {  	s25 =	rddreg [dreg:$0x16]  }
0x1c2: {  	[hbm4b:s25+s5] =	stream.linear.scatter [tilespmem:s12], [sflag:$0x3], $0x4000, $0x38;
	[tilespmem:$0x10600] =	vst v63  }
0x1c3: {  	_ =	swait.ge [sflag:s0], $0x2000  }
0x1c4: {  	[sflag:s0] =	ssyncset.done $0x0  }
0x1c5: {  	[sflag:s0] =	ssyncadd.s32 $0xFFFFE000  }
0x1c6: {  	_ =	swait.ge [sflag:s0], $0x2000  }
0x1c7: {  	[sflag:s0] =	ssyncset.done $0x0  }
0x1c8: {  	[sflag:s0] =	ssyncadd.s32 $0xFFFFE000  }
0x1c9: {  	_ =	swait.ge [sflag:s0], $0x4000  }
0x1ca: {  	s29 =	sld [smem:$0x7FA]  }
0x1cb: {  	[sflag:s0] =	ssyncset.done $0x0  }
0x1cc: {  	s30 =	sld [smem:$0x7FB];
	[sflag:s0] =	ssyncadd.s32 $0xFFFFC000  }
0x1cd: {  	[tilespmem:s19], [sflag:$0x1] =	stream.indirect.gather [hbm4b:s3+s9], $0x80, s29, s9, $0xb8;
	[tilespmem:$0x10600] =	vst v63  }
0x1ce: {  	_ = 	snop  }
0x1cf: {  	[tilespmem:s11], [sflag:$0x1] =	stream.indirect.gather [hbm4b:s1+s9], $0x80, s30, s9, $0xb8;
	[tilespmem:$0x10600] =	vst v63  }
0x1d0: {  	v3 =	vld [tilespmem:$0x580];
	_ =	sdelay $0x4  }
0x1d1: {  	v56 =	vshll.u32 v3, $0x1  }
0x1d2: {  	v3 =	vand.u32 $0x7, v3;
	v4 =	vand.u32 $0xFFFFFFF0, v56  }
0x1d3: {  	v3 =	vor.u32 v3, v4  }
0x1d4: {  	v4 =	vperm.xlane v3, v0;
	_ =	sdelay $0x1  }
0x1d5: {  	v3 =	vperm.xlane v3, v2;
	v4 =	vadd.s32 v1, v4;
	_ =	sdelay $0x1  }
0x1d6: {  	v3 =	vadd.s32 v1, v3;
	_ =	sdelay $0x2  }
0x1d7: {  	[tilespmem:s12], [sflag:$0x1] =	stream.indirect_vreg.gather [hbm4b:s4+s5], $0x80, v4, vm0, $0xb8;
	[tilespmem:$0x10600] =	vst v63  }
0x1d8: {  	s18 =	simm.s32 $0x4E00  }
0x1d9: {  	[tilespmem:s18], [sflag:$0x1] =	stream.indirect_vreg.gather [hbm4b:s4+s5], $0x80, v3, vm0, $0xb8;
	[tilespmem:$0x10600] =	vst v63  }
0x1da: {  	v3 =	vld [tilespmem:$0x590];
	_ =	sdelay $0x4  }
0x1db: {  	v57 =	vshll.u32 v3, $0x1  }
0x1dc: {  	v3 =	vand.u32 $0x7, v3;
	v4 =	vand.u32 $0xFFFFFFF0, v57  }
0x1dd: {  	v3 =	vor.u32 v3, v4  }
0x1de: {  	v4 =	vperm.xlane v3, v0;
	_ =	sdelay $0x1  }
0x1df: {  	v3 =	vperm.xlane v3, v2;
	v4 =	vadd.s32 v1, v4;
	_ =	sdelay $0x1  }
0x1e0: {  	v3 =	vadd.s32 v1, v3;
	_ =	sdelay $0x1  }
0x1e1: {  	s14 =	simm.s32 $0x5600  }
0x1e2: {  	[tilespmem:s14], [sflag:$0x1] =	stream.indirect_vreg.gather [hbm4b:s4+s5], $0x80, v4, vm0, $0xb8;
	[tilespmem:$0x10600] =	vst v63  }
0x1e3: {  	s23 =	simm.s32 $0x5E00  }
0x1e4: {  	[tilespmem:s23], [sflag:$0x1] =	stream.indirect_vreg.gather [hbm4b:s4+s5], $0x80, v3, vm0, $0xb8;
	[tilespmem:$0x10600] =	vst v63  }
0x1e5: {  	v3 =	vld [tilespmem:$0x5A0];
	_ =	sdelay $0x4  }
0x1e6: {  	v58 =	vshll.u32 v3, $0x1  }
0x1e7: {  	v3 =	vand.u32 $0x7, v3;
	v4 =	vand.u32 $0xFFFFFFF0, v58  }
0x1e8: {  	v3 =	vor.u32 v3, v4  }
0x1e9: {  	v4 =	vperm.xlane v3, v0;
	_ =	sdelay $0x1  }
0x1ea: {  	v3 =	vperm.xlane v3, v2;
	v4 =	vadd.s32 v1, v4;
	_ =	sdelay $0x1  }
0x1eb: {  	v3 =	vadd.s32 v1, v3;
	_ =	sdelay $0x1  }
0x1ec: {  	s18 =	simm.s32 $0x6600  }
0x1ed: {  	[tilespmem:s18], [sflag:$0x1] =	stream.indirect_vreg.gather [hbm4b:s4+s5], $0x80, v4, vm0, $0xb8;
	[tilespmem:$0x10600] =	vst v63  }
0x1ee: {  	s23 =	simm.s32 $0x6E00  }
0x1ef: {  	[tilespmem:s23], [sflag:$0x1] =	stream.indirect_vreg.gather [hbm4b:s4+s5], $0x80, v3, vm0, $0xb8;
	[tilespmem:$0x10600] =	vst v63  }
0x1f0: {  	v3 =	vld [tilespmem:$0x5B0];
	_ =	sdelay $0x4  }
0x1f1: {  	v59 =	vshll.u32 v3, $0x1  }
0x1f2: {  	v3 =	vand.u32 $0x7, v3;
	v4 =	vand.u32 $0xFFFFFFF0, v59  }
0x1f3: {  	v3 =	vor.u32 v3, v4  }
0x1f4: {  	v4 =	vperm.xlane v3, v0;
	_ =	sdelay $0x1  }
0x1f5: {  	v3 =	vperm.xlane v3, v2;
	v4 =	vadd.s32 v1, v4;
	_ =	sdelay $0x1  }
0x1f6: {  	v3 =	vadd.s32 v1, v3;
	_ =	sdelay $0x1  }
0x1f7: {  	s28 =	simm.s32 $0x7600  }
0x1f8: {  	[tilespmem:s28], [sflag:$0x1] =	stream.indirect_vreg.gather [hbm4b:s4+s5], $0x80, v4, vm0, $0xb8;
	[tilespmem:$0x10600] =	vst v63  }
0x1f9: {  	s25 =	simm.s32 $0x7E00  }
0x1fa: {  	[tilespmem:s25], [sflag:$0x1] =	stream.indirect_vreg.gather [hbm4b:s4+s5], $0x80, v3, vm0, $0xb8;
	[tilespmem:$0x10600] =	vst v63  }
0x1fb: {  	_ =	swait.ge [sflag:s2], $0x2000  }
0x1fc: {  	[sflag:s2] =	ssyncset.done $0x0  }
0x1fd: {  	[sflag:s2] =	ssyncadd.s32 $0xFFFFE000  }
0x1fe: {  	_ =	swait.ge [sflag:s2], $0x2000  }
0x1ff: {  	[sflag:s2] =	ssyncset.done $0x0  }
0x200: {  	[sflag:s2] =	ssyncadd.s32 $0xFFFFE000  }
0x201: {  	_ =	swait.ge [sflag:s2], $0x4000  }
0x202: {  	[sflag:s2] =	ssyncset.done $0x0  }
0x203: {  	s28 =	rddreg [dreg:$0x17];
	[sflag:s2] =	ssyncadd.s32 $0xFFFFC000  }
0x204: {  	[hbm4b:s28+s5] =	stream.linear.scatter [tilespmem:s20], [sflag:$0x4], $0x2000, $0x38;
	[tilespmem:$0x10600] =	vst v63  }
0x205: {  	s29 =	rddreg [dreg:$0x18]  }
0x206: {  	[hbm4b:s29+s5] =	stream.linear.scatter [tilespmem:s21], [sflag:$0x4], $0x2000, $0x38;
	[tilespmem:$0x10600] =	vst v63  }
0x207: {  	s30 =	rddreg [dreg:$0x19]  }
0x208: {  	[hbm4b:s30+s5] =	stream.linear.scatter [tilespmem:s22], [sflag:$0x4], $0x4000, $0x38;
	[tilespmem:$0x10600] =	vst v63  }
0x209: {  	_ =	swait.ge [sflag:s8], $0x2000  }
0x20a: {  	[sflag:s8] =	ssyncset.done $0x0  }
0x20b: {  	[sflag:s8] =	ssyncadd.s32 $0xFFFFE000  }
0x20c: {  	_ =	swait.ge [sflag:s8], $0x2000  }
0x20d: {  	[sflag:s8] =	ssyncset.done $0x0  }
0x20e: {  	[sflag:s8] =	ssyncadd.s32 $0xFFFFE000  }
0x20f: {  	_ =	swait.ge [sflag:s8], $0x4000  }
0x210: {  	s14 =	sld [smem:$0x7FC]  }
0x211: {  	[sflag:s8] =	ssyncset.done $0x0  }
0x212: {  	s18 =	sld [smem:$0x7FD];
	[sflag:s8] =	ssyncadd.s32 $0xFFFFC000  }
0x213: {  	[tilespmem:s20], [sflag:$0x2] =	stream.indirect.gather [hbm4b:s3+s9], $0x80, s14, s9, $0xb8;
	[tilespmem:$0x10600] =	vst v63  }
0x214: {  	_ = 	snop  }
0x215: {  	[tilespmem:s21], [sflag:$0x2] =	stream.indirect.gather [hbm4b:s1+s9], $0x80, s18, s9, $0xb8;
	[tilespmem:$0x10600] =	vst v63  }
0x216: {  	v3 =	vld [tilespmem:$0x5C0];
	_ =	sdelay $0x4  }
0x217: {  	v60 =	vshll.u32 v3, $0x1  }
0x218: {  	v3 =	vand.u32 $0x7, v3;
	v4 =	vand.u32 $0xFFFFFFF0, v60  }
0x219: {  	v3 =	vor.u32 v3, v4  }
0x21a: {  	v4 =	vperm.xlane v3, v0;
	_ =	sdelay $0x1  }
0x21b: {  	v3 =	vperm.xlane v3, v2;
	v4 =	vadd.s32 v1, v4;
	_ =	sdelay $0x1  }
0x21c: {  	v3 =	vadd.s32 v1, v3;
	_ =	sdelay $0x2  }
0x21d: {  	[tilespmem:s22], [sflag:$0x2] =	stream.indirect_vreg.gather [hbm4b:s4+s5], $0x80, v4, vm0, $0xb8;
	[tilespmem:$0x10600] =	vst v63  }
0x21e: {  	s26 =	simm.s32 $0xCE00  }
0x21f: {  	[tilespmem:s26], [sflag:$0x2] =	stream.indirect_vreg.gather [hbm4b:s4+s5], $0x80, v3, vm0, $0xb8;
	[tilespmem:$0x10600] =	vst v63  }
0x220: {  	v3 =	vld [tilespmem:$0x5D0];
	_ =	sdelay $0x4  }
0x221: {  	v61 =	vshll.u32 v3, $0x1  }
0x222: {  	v3 =	vand.u32 $0x7, v3;
	v4 =	vand.u32 $0xFFFFFFF0, v61  }
0x223: {  	v3 =	vor.u32 v3, v4  }
0x224: {  	v4 =	vperm.xlane v3, v0;
	_ =	sdelay $0x1  }
0x225: {  	v3 =	vperm.xlane v3, v2;
	v4 =	vadd.s32 v1, v4;
	_ =	sdelay $0x1  }
0x226: {  	v3 =	vadd.s32 v1, v3;
	_ =	sdelay $0x1  }
0x227: {  	s23 =	simm.s32 $0xD600  }
0x228: {  	[tilespmem:s23], [sflag:$0x2] =	stream.indirect_vreg.gather [hbm4b:s4+s5], $0x80, v4, vm0, $0xb8;
	[tilespmem:$0x10600] =	vst v63  }
0x229: {  	s15 =	simm.s32 $0xDE00  }
0x22a: {  	[tilespmem:s15], [sflag:$0x2] =	stream.indirect_vreg.gather [hbm4b:s4+s5], $0x80, v3, vm0, $0xb8;
	[tilespmem:$0x10600] =	vst v63  }
0x22b: {  	v3 =	vld [tilespmem:$0x5E0];
	_ =	sdelay $0x4  }
0x22c: {  	v62 =	vshll.u32 v3, $0x1  }
0x22d: {  	v3 =	vand.u32 $0x7, v3;
	v4 =	vand.u32 $0xFFFFFFF0, v62  }
0x22e: {  	v3 =	vor.u32 v3, v4  }
0x22f: {  	v4 =	vperm.xlane v3, v0;
	_ =	sdelay $0x1  }
0x230: {  	v3 =	vperm.xlane v3, v2;
	v4 =	vadd.s32 v1, v4;
	_ =	sdelay $0x1  }
0x231: {  	v3 =	vadd.s32 v1, v3;
	_ =	sdelay $0x1  }
0x232: {  	s24 =	simm.s32 $0xE600  }
0x233: {  	[tilespmem:s24], [sflag:$0x2] =	stream.indirect_vreg.gather [hbm4b:s4+s5], $0x80, v4, vm0, $0xb8;
	[tilespmem:$0x10600] =	vst v63  }
0x234: {  	s17 =	simm.s32 $0xEE00  }
0x235: {  	[tilespmem:s17], [sflag:$0x2] =	stream.indirect_vreg.gather [hbm4b:s4+s5], $0x80, v3, vm0, $0xb8;
	[tilespmem:$0x10600] =	vst v63  }
0x236: {  	v3 =	vld [tilespmem:$0x5F0];
	_ =	sdelay $0x4  }
0x237: {  	v63 =	vshll.u32 v3, $0x1  }
0x238: {  	v3 =	vand.u32 $0x7, v3;
	v4 =	vand.u32 $0xFFFFFFF0, v63  }
0x239: {  	v3 =	vor.u32 v3, v4  }
0x23a: {  	v4 =	vperm.xlane v3, v0;
	_ =	sdelay $0x1  }
0x23b: {  	v3 =	vperm.xlane v3, v2;
	v4 =	vadd.s32 v1, v4;
	_ =	sdelay $0x1  }
0x23c: {  	v3 =	vadd.s32 v1, v3;
	_ =	sdelay $0x1  }
0x23d: {  	s10 =	simm.s32 $0xF600  }
0x23e: {  	[tilespmem:s10], [sflag:$0x2] =	stream.indirect_vreg.gather [hbm4b:s4+s5], $0x80, v4, vm0, $0xb8;
	[tilespmem:$0x10600] =	vst v63  }
0x23f: {  	s16 =	simm.s32 $0xFE00  }
0x240: {  	[tilespmem:s16], [sflag:$0x2] =	stream.indirect_vreg.gather [hbm4b:s4+s5], $0x80, v3, vm0, $0xb8;
	[tilespmem:$0x10600] =	vst v63  }
0x241: {  	_ =	swait.ge [sflag:s31], $0x2000  }
0x242: {  	[sflag:s31] =	ssyncset.done $0x0  }
0x243: {  	[sflag:s31] =	ssyncadd.s32 $0xFFFFE000  }
0x244: {  	_ =	swait.ge [sflag:s31], $0x2000  }
0x245: {  	[sflag:s31] =	ssyncset.done $0x0  }
0x246: {  	[sflag:s31] =	ssyncadd.s32 $0xFFFFE000  }
0x247: {  	_ =	swait.ge [sflag:s31], $0x4000  }
0x248: {  	[sflag:s31] =	ssyncset.done $0x0  }
0x249: {  	s24 =	rddreg [dreg:$0x1a];
	[sflag:s31] =	ssyncadd.s32 $0xFFFFC000  }
0x24a: {  	[hbm4b:s24+s5] =	stream.linear.scatter [tilespmem:s19], [sflag:$0x3], $0x2000, $0x38;
	[tilespmem:$0x10600] =	vst v63  }
0x24b: {  	s25 =	rddreg [dreg:$0x1b]  }
0x24c: {  	[hbm4b:s25+s5] =	stream.linear.scatter [tilespmem:s11], [sflag:$0x3], $0x2000, $0x38;
	[tilespmem:$0x10600] =	vst v63  }
0x24d: {  	s26 =	rddreg [dreg:$0x1c]  }
0x24e: {  	[hbm4b:s26+s5] =	stream.linear.scatter [tilespmem:s12], [sflag:$0x3], $0x4000, $0x38;
	[tilespmem:$0x10600] =	vst v63  }
0x24f: {  	_ =	swait.ge [sflag:s2], $0x2000  }
0x250: {  	[sflag:s2] =	ssyncset.done $0x0  }
0x251: {  	[sflag:s2] =	ssyncadd.s32 $0xFFFFE000  }
0x252: {  	_ =	swait.ge [sflag:s2], $0x2000  }
0x253: {  	[sflag:s2] =	ssyncset.done $0x0  }
0x254: {  	[sflag:s2] =	ssyncadd.s32 $0xFFFFE000  }
0x255: {  	_ =	swait.ge [sflag:s2], $0x4000  }
0x256: {  	[sflag:s2] =	ssyncset.done $0x0  }
0x257: {  	s28 =	rddreg [dreg:$0x1d];
	[sflag:s2] =	ssyncadd.s32 $0xFFFFC000  }
0x258: {  	[hbm4b:s28+s5] =	stream.linear.scatter [tilespmem:s20], [sflag:$0x4], $0x2000, $0x38;
	[tilespmem:$0x10600] =	vst v63  }
0x259: {  	s29 =	rddreg [dreg:$0x1e]  }
0x25a: {  	[hbm4b:s29+s5] =	stream.linear.scatter [tilespmem:s21], [sflag:$0x4], $0x2000, $0x38;
	[tilespmem:$0x10600] =	vst v63  }
0x25b: {  	s30 =	rddreg [dreg:$0x1f]  }
0x25c: {  	[hbm4b:s30+s5] =	stream.linear.scatter [tilespmem:s22], [sflag:$0x4], $0x4000, $0x38;
	[tilespmem:$0x10600] =	vst v63  }
0x25d: {  	_ =	swait.ge [sflag:s0], $0x2000  }
0x25e: {  	[sflag:s0] =	ssyncset.done $0x0  }
0x25f: {  	[sflag:s0] =	ssyncadd.s32 $0xFFFFE000  }
0x260: {  	_ =	swait.ge [sflag:s0], $0x2000  }
0x261: {  	[sflag:s0] =	ssyncset.done $0x0  }
0x262: {  	[sflag:s0] =	ssyncadd.s32 $0xFFFFE000  }
0x263: {  	_ =	swait.ge [sflag:s0], $0x4000  }
0x264: {  	[sflag:s0] =	ssyncset.done $0x0  }
0x265: {  	[sflag:s0] =	ssyncadd.s32 $0xFFFFC000  }
0x266: {  	_ =	swait.ge [sflag:s8], $0x2000  }
0x267: {  	[sflag:s8] =	ssyncset.done $0x0  }
0x268: {  	[sflag:s8] =	ssyncadd.s32 $0xFFFFE000  }
0x269: {  	p0 =	sne.s32 s6, $0x1;
	_ =	swait.ge [sflag:s8], $0x2000  }
.Ltmp0:
0x26a: {  	[sflag:s8] =	ssyncset.done $0x0;
	(pc) =	sbr.rel @p0 .LBB2_1-.Ltmp0, $4  }
0x26b: {  	[sflag:s8] =	ssyncadd.s32 $0xFFFFE000  }
0x26c: {  	_ =	swait.ge [sflag:s8], $0x4000  }
0x26d: {  	[sflag:s8] =	ssyncset.done $0x0  }
0x26e: {  	s6 =	sadd.s32 $0xFFFFFFFF, s6;
	[sflag:s8] =	ssyncadd.s32 $0xFFFFC000  }
0x26f: {  	_ =	sfence.sel $0x180000  }
0x270: {  	[bflag:$0x0] =	sbarrier.arrive $0xFFFF  }
0x271: {  	_ =	strace $0x9000004A  }
0x272: {  	s0 =	stileid.u32;
	[bflag:$0x2] =	sbarrier.arrive $0xFFFF  }
0x273: {  	p0 =	sne.s32 s0, $0x0;
	s0 =	rddreg [dreg:$0x4]  }
0x274: {  	s0 =	sadd.s32 @!p0 $0x100000, s0  }
0x275: {  	[sflag:s0] =	ssyncadd.tile.s32 @!p0 $0x1;
	_ =	shalt  }
.Lfunc_end2:
_tile_overlayer_lowered:
.L_overlay_start_2:
0x276: {  	(tag) =	ssettag $0x2  }
0x277: {  	s0 =	rddreg [dreg:$0x0];
	s2 =	stileid.u32  }
0x278: {  	s1 =	rddreg [dreg:$0x1];
	p0 =	sne.s32 s2, $0x0  }
0x279: {  	s3 =	rddreg [dreg:$0x2];
	[bflag:$0x3] =	sbarrier.arrive $0xFFFF;
	s2 =	simm.s32 @!p0 $0x1C05  }
0x27a: {  	[timem:s3], [sflag:s2] =	dma.local @!p0 [hbm:s0], s1  }
0x27b: {  	s0 =	simm.s32 @!p0 $0x5  }
0x27c: {  	_ =	swait.ge @!p0 [sflag:s0], s1  }
0x27d: {  	s1 =	ssub.s32 @!p0 $0x0, s1;
	[sflag:s0] =	ssyncset.done @!p0 $0x0  }
0x27e: {  	[sflag:s0] =	ssyncadd.s32 @!p0 s1  }
0x27f: {  	[bflag:$0x3] =	sbarrier.arrive $0xFFFF  }
0x280: {  	_ =	shalt  }

</sc_bundles>
